<compile_context>
chip_gen: v7x
topology: tpu7x:2x2x1
jax: 0.10.2.dev20260603
libtpu: 0.0.44.dev20260713+nightly
codegen_flags: <defaults>
</compile_context>

<pallas_src>
import functools

import jax
import jax.numpy as jnp
from jax import lax
from jax.experimental import pallas as pl
from jax.experimental.pallas import tpu as pltpu
from jax.experimental.pallas import tpu_sc as plsc

MAX_POS_ = 2048
HIDDEN_ = 768
BATCH_ = 4

NUM_CORES = 2
NUM_SUBCORES = 16
NUM_WORKERS = NUM_CORES * NUM_SUBCORES
P_SC = 256
CH_ROWS = P_SC // NUM_WORKERS
LANES = 16
NBUF = 3
NSTEP = BATCH_


def _sc_body(hid_hbm, pos_hbm, out_hbm,
             pos_v, buf0, buf1, buf2,
             psem, isem0, isem1, isem2, osem0, osem1, osem2):
    wid = lax.axis_index("s") * NUM_CORES + lax.axis_index("c")
    row_base = wid * CH_ROWS

    bufs = [buf0, buf1, buf2]
    isems = [isem0, isem1, isem2]
    osems = [osem0, osem1, osem2]

    def rows(ref):
        return ref.at[pl.ds(row_base, CH_ROWS)]

    pos_cp = pltpu.async_copy(rows(pos_hbm), pos_v, psem)

    in_h = [None] * NSTEP
    out_h = [None] * NSTEP
    for s in range(NBUF):
        in_h[s] = pltpu.async_copy(
            rows(hid_hbm.at[s]), bufs[s % NBUF], isems[s % NBUF])

    for s in range(NSTEP):
        if s == 0:
            pos_cp.wait()
        in_h[s].wait()
        hid_buf = bufs[s % NBUF]

        @plsc.parallel_loop(0, CH_ROWS, step=1)
        def _(r):
            for c in range(0, HIDDEN_, LANES):
                plsc.addupdate(hid_buf.at[r, pl.ds(c, LANES)],
                               pos_v[r, pl.ds(c, LANES)])

        out_h[s] = pltpu.async_copy(
            hid_buf, rows(out_hbm.at[s]), osems[s % NBUF])

        ns = s + 2
        if ns < NSTEP and in_h[ns] is None:
            if s >= 1:
                out_h[s - 1].wait()
            in_h[ns] = pltpu.async_copy(
                rows(hid_hbm.at[ns]), bufs[ns % NBUF], isems[ns % NBUF])

    out_h[NSTEP - 2].wait()
    out_h[NSTEP - 1].wait()


def _sc_part(hidden_states, pos_table):
    mesh = plsc.VectorSubcoreMesh(core_axis_name="c", subcore_axis_name="s")
    run = functools.partial(
        pl.kernel,
        mesh=mesh,
        out_type=jax.ShapeDtypeStruct((BATCH_, P_SC, HIDDEN_), jnp.float32),
        scratch_types=(
            [pltpu.VMEM((CH_ROWS, HIDDEN_), jnp.float32)
             for _ in range(1 + NBUF)]
            + [pltpu.SemaphoreType.DMA for _ in range(1 + 2 * NBUF)]
        ),
        compiler_params=pltpu.CompilerParams(use_tc_tiling_on_sc=True),
    )(_sc_body)
    return run(hidden_states, pos_table)


BP_TC = 256
N_TC_BLOCKS = (MAX_POS_ - P_SC) // BP_TC


def _tc_body(hid_ref, pos_ref, out_ref):
    out_ref[...] = hid_ref[...] + pos_ref[...]


def _tc_part(hidden_states, pos_table):
    grid = (N_TC_BLOCKS, 2)
    return pl.pallas_call(
        _tc_body,
        grid=grid,
        in_specs=[
            pl.BlockSpec((2, BP_TC, HIDDEN_), lambda i, j: (j, i + 1, 0)),
            pl.BlockSpec((BP_TC, HIDDEN_), lambda i, j: (i + 1, 0)),
        ],
        out_specs=pl.BlockSpec((2, BP_TC, HIDDEN_), lambda i, j: (j, i + 1, 0)),
        out_shape=jax.ShapeDtypeStruct((BATCH_, MAX_POS_, HIDDEN_), jnp.float32),
    )(hidden_states, pos_table)


def kernel(hidden_states, pos_table):
    tc_full = _tc_part(hidden_states, pos_table)
    sc_out = _sc_part(hidden_states, pos_table)
    return lax.dynamic_update_slice(tc_full, sc_out, (0, 0, 0))

# --- scband reference (transcript-rebuilt; emitter-appended) ---
"""Pipeline reference for scband-clipposition-embedding-26190710571168 (READ-ONLY COPY).

The authoritative reference and input builder live on the scoring server;
editing this copy changes nothing except your own understanding.
"""

import jax, jax.numpy as jnp
import numpy as np

MAX_POS = 2048
HIDDEN = 768
BATCH = 4

def setup_inputs(seed: int = 0) -> dict:
    key = jax.random.key(seed)
    k1, k2 = jax.random.split(key)
    hidden_states = jax.random.normal(k1, (BATCH, MAX_POS, HIDDEN), dtype=jnp.float32)
    # learned position embedding table, sized per init_kwargs (max_pos, hidden_size)
    pos_table = jax.random.normal(k2, (MAX_POS, HIDDEN), dtype=jnp.float32) * 0.02
    return {"hidden_states": hidden_states, "pos_table": pos_table}

def reference(hidden_states, pos_table):
    # position_ids = arange(max_pos); embedding lookup -> gather rows
    position_ids = jnp.arange(MAX_POS, dtype=jnp.int32)
    pos_emb = jnp.take(pos_table, position_ids, axis=0)  # [max_pos, hidden]
    return hidden_states + pos_emb[None, :, :]

if __name__ == "__main__":
    import jax
    _d = setup_inputs()
    print(jax.jit(kernel)(*tuple(_d.values())))

</pallas_src>

<mosaic_0001>
#map = affine_map<(d0, d1) -> (0, 0, 0)>
#map1 = affine_map<(d0, d1) -> (0, 0)>
module attributes {stable_mosaic.version = 14 : i64} {
  func.func @_sc_body(%arg0: i32, %arg1: i32, %arg2: memref<4x2048x768xf32, #tpu.memory_space<hbm>>, %arg3: memref<2048x768xf32, #tpu.memory_space<hbm>>, %arg4: memref<4x256x768xf32, #tpu.memory_space<hbm>>, %arg5: memref<8x768xf32, #tpu.memory_space<vmem>>, %arg6: memref<8x768xf32, #tpu.memory_space<vmem>>, %arg7: memref<8x768xf32, #tpu.memory_space<vmem>>, %arg8: memref<8x768xf32, #tpu.memory_space<vmem>>, %arg9: memref<!tpu.dma_semaphore, #tpu.memory_space<semaphore_mem>>, %arg10: memref<!tpu.dma_semaphore, #tpu.memory_space<semaphore_mem>>, %arg11: memref<!tpu.dma_semaphore, #tpu.memory_space<semaphore_mem>>, %arg12: memref<!tpu.dma_semaphore, #tpu.memory_space<semaphore_mem>>, %arg13: memref<!tpu.dma_semaphore, #tpu.memory_space<semaphore_mem>>, %arg14: memref<!tpu.dma_semaphore, #tpu.memory_space<semaphore_mem>>, %arg15: memref<!tpu.dma_semaphore, #tpu.memory_space<semaphore_mem>>) attributes {dimension_semantics = [#tpu.dimension_semantics<core_parallel>, #tpu.dimension_semantics<subcore_parallel>], iteration_bounds = array<i64: 2, 16>, scalar_prefetch = 0 : i64, scratch_operands = 11 : i64, tpu.core_type = #tpu.core_type<sc_vector_subcore>, window_params = [{transform_indices = #map}, {transform_indices = #map1}, {transform_indices = #map}]} {
    %mul3A = arith.constant 2 : i32
    %mul3A_0 = arith.muli %arg1, %mul3A : i32
    %add3A = arith.addi %mul3A_0, %arg0 : i32
    %mul3A_1 = arith.constant 8 : i32
    %mul3A_2 = arith.muli %add3A, %mul3A_1 : i32
    %dma_start3A = arith.constant 0 : i32
    %dma_start3A_3 = tpu.memref_slice %arg3[%mul3A_2, %dma_start3A] : memref<2048x768xf32, #tpu.memory_space<hbm>> -> memref<8x768xf32, #tpu.memory_space<hbm>>
    %dma_start3A_4 = arith.constant 0 : i32
    %dma_start3A_5 = tpu.memref_slice %arg3[%mul3A_2, %dma_start3A_4] : memref<2048x768xf32, #tpu.memory_space<hbm>> -> memref<8x768xf32, #tpu.memory_space<hbm>>
    tpu.enqueue_dma source(%dma_start3A_5 : memref<8x768xf32, #tpu.memory_space<hbm>>) target(%arg5 : memref<8x768xf32, #tpu.memory_space<vmem>>) target_semaphore(%arg9 : memref<!tpu.dma_semaphore, #tpu.memory_space<semaphore_mem>>)
    %dma_start3A_6 = arith.constant 0 : i32
    %dma_start3A_7 = arith.constant 0 : i32
    %dma_start3A_8 = arith.constant 0 : i32
    %dma_start3A_9 = tpu.memref_slice %arg2[%dma_start3A_6, %dma_start3A_7, %dma_start3A_8] : memref<4x2048x768xf32, #tpu.memory_space<hbm>> -> memref<1x2048x768xf32, #tpu.memory_space<hbm>>
    %dma_start3A_10 = tpu.memref_squeeze %dma_start3A_9 : memref<1x2048x768xf32, #tpu.memory_space<hbm>> -> memref<2048x768xf32, #tpu.memory_space<hbm>>
    %dma_start3A_11 = arith.constant 0 : i32
    %dma_start3A_12 = tpu.memref_slice %dma_start3A_10[%mul3A_2, %dma_start3A_11] : memref<2048x768xf32, #tpu.memory_space<hbm>> -> memref<8x768xf32, #tpu.memory_space<hbm>>
    %dma_start3A_13 = arith.constant 0 : i32
    %dma_start3A_14 = arith.constant 0 : i32
    %dma_start3A_15 = tpu.memref_slice %arg2[%dma_start3A_6, %dma_start3A_13, %dma_start3A_14] : memref<4x2048x768xf32, #tpu.memory_space<hbm>> -> memref<1x2048x768xf32, #tpu.memory_space<hbm>>
    %dma_start3A_16 = tpu.memref_squeeze %dma_start3A_15 : memref<1x2048x768xf32, #tpu.memory_space<hbm>> -> memref<2048x768xf32, #tpu.memory_space<hbm>>
    %dma_start3A_17 = arith.constant 0 : i32
    %dma_start3A_18 = tpu.memref_slice %dma_start3A_16[%mul3A_2, %dma_start3A_17] : memref<2048x768xf32, #tpu.memory_space<hbm>> -> memref<8x768xf32, #tpu.memory_space<hbm>>
    tpu.enqueue_dma source(%dma_start3A_18 : memref<8x768xf32, #tpu.memory_space<hbm>>) target(%arg6 : memref<8x768xf32, #tpu.memory_space<vmem>>) target_semaphore(%arg10 : memref<!tpu.dma_semaphore, #tpu.memory_space<semaphore_mem>>)
    %dma_start3A_19 = arith.constant 1 : i32
    %dma_start3A_20 = arith.constant 0 : i32
    %dma_start3A_21 = arith.constant 0 : i32
    %dma_start3A_22 = tpu.memref_slice %arg2[%dma_start3A_19, %dma_start3A_20, %dma_start3A_21] : memref<4x2048x768xf32, #tpu.memory_space<hbm>> -> memref<1x2048x768xf32, #tpu.memory_space<hbm>>
    %dma_start3A_23 = tpu.memref_squeeze %dma_start3A_22 : memref<1x2048x768xf32, #tpu.memory_space<hbm>> -> memref<2048x768xf32, #tpu.memory_space<hbm>>
    %dma_start3A_24 = arith.constant 0 : i32
    %dma_start3A_25 = tpu.memref_slice %dma_start3A_23[%mul3A_2, %dma_start3A_24] : memref<2048x768xf32, #tpu.memory_space<hbm>> -> memref<8x768xf32, #tpu.memory_space<hbm>>
    %dma_start3A_26 = arith.constant 0 : i32
    %dma_start3A_27 = arith.constant 0 : i32
    %dma_start3A_28 = tpu.memref_slice %arg2[%dma_start3A_19, %dma_start3A_26, %dma_start3A_27] : memref<4x2048x768xf32, #tpu.memory_space<hbm>> -> memref<1x2048x768xf32, #tpu.memory_space<hbm>>
    %dma_start3A_29 = tpu.memref_squeeze %dma_start3A_28 : memref<1x2048x768xf32, #tpu.memory_space<hbm>> -> memref<2048x768xf32, #tpu.memory_space<hbm>>
    %dma_start3A_30 = arith.constant 0 : i32
    %dma_start3A_31 = tpu.memref_slice %dma_start3A_29[%mul3A_2, %dma_start3A_30] : memref<2048x768xf32, #tpu.memory_space<hbm>> -> memref<8x768xf32, #tpu.memory_space<hbm>>
    tpu.enqueue_dma source(%dma_start3A_31 : memref<8x768xf32, #tpu.memory_space<hbm>>) target(%arg7 : memref<8x768xf32, #tpu.memory_space<vmem>>) target_semaphore(%arg11 : memref<!tpu.dma_semaphore, #tpu.memory_space<semaphore_mem>>)
    %dma_start3A_32 = arith.constant 2 : i32
    %dma_start3A_33 = arith.constant 0 : i32
    %dma_start3A_34 = arith.constant 0 : i32
    %dma_start3A_35 = tpu.memref_slice %arg2[%dma_start3A_32, %dma_start3A_33, %dma_start3A_34] : memref<4x2048x768xf32, #tpu.memory_space<hbm>> -> memref<1x2048x768xf32, #tpu.memory_space<hbm>>
    %dma_start3A_36 = tpu.memref_squeeze %dma_start3A_35 : memref<1x2048x768xf32, #tpu.memory_space<hbm>> -> memref<2048x768xf32, #tpu.memory_space<hbm>>
    %dma_start3A_37 = arith.constant 0 : i32
    %dma_start3A_38 = tpu.memref_slice %dma_start3A_36[%mul3A_2, %dma_start3A_37] : memref<2048x768xf32, #tpu.memory_space<hbm>> -> memref<8x768xf32, #tpu.memory_space<hbm>>
    %dma_start3A_39 = arith.constant 0 : i32
    %dma_start3A_40 = arith.constant 0 : i32
    %dma_start3A_41 = tpu.memref_slice %arg2[%dma_start3A_32, %dma_start3A_39, %dma_start3A_40] : memref<4x2048x768xf32, #tpu.memory_space<hbm>> -> memref<1x2048x768xf32, #tpu.memory_space<hbm>>
    %dma_start3A_42 = tpu.memref_squeeze %dma_start3A_41 : memref<1x2048x768xf32, #tpu.memory_space<hbm>> -> memref<2048x768xf32, #tpu.memory_space<hbm>>
    %dma_start3A_43 = arith.constant 0 : i32
    %dma_start3A_44 = tpu.memref_slice %dma_start3A_42[%mul3A_2, %dma_start3A_43] : memref<2048x768xf32, #tpu.memory_space<hbm>> -> memref<8x768xf32, #tpu.memory_space<hbm>>
    tpu.enqueue_dma source(%dma_start3A_44 : memref<8x768xf32, #tpu.memory_space<hbm>>) target(%arg8 : memref<8x768xf32, #tpu.memory_space<vmem>>) target_semaphore(%arg12 : memref<!tpu.dma_semaphore, #tpu.memory_space<semaphore_mem>>)
    %dma_wait3A = arith.constant 0 : i32
    %dma_wait3A_45 = tpu.memref_slice %arg3[%mul3A_2, %dma_wait3A] : memref<2048x768xf32, #tpu.memory_space<hbm>> -> memref<8x768xf32, #tpu.memory_space<hbm>>
    %dma_wait3A_46 = arith.constant 0 : i32
    %dma_wait3A_47 = tpu.memref_slice %arg3[%mul3A_2, %dma_wait3A_46] : memref<2048x768xf32, #tpu.memory_space<hbm>> -> memref<8x768xf32, #tpu.memory_space<hbm>>
    tpu.wait_dma2 semaphore(%arg9 : memref<!tpu.dma_semaphore, #tpu.memory_space<semaphore_mem>>) src(%dma_wait3A_47 : memref<8x768xf32, #tpu.memory_space<hbm>>) dst(%arg5 : memref<8x768xf32, #tpu.memory_space<vmem>>)
    %dma_wait3A_48 = arith.constant 0 : i32
    %dma_wait3A_49 = arith.constant 0 : i32
    %dma_wait3A_50 = arith.constant 0 : i32
    %dma_wait3A_51 = tpu.memref_slice %arg2[%dma_wait3A_48, %dma_wait3A_49, %dma_wait3A_50] : memref<4x2048x768xf32, #tpu.memory_space<hbm>> -> memref<1x2048x768xf32, #tpu.memory_space<hbm>>
    %dma_wait3A_52 = tpu.memref_squeeze %dma_wait3A_51 : memref<1x2048x768xf32, #tpu.memory_space<hbm>> -> memref<2048x768xf32, #tpu.memory_space<hbm>>
    %dma_wait3A_53 = arith.constant 0 : i32
    %dma_wait3A_54 = tpu.memref_slice %dma_wait3A_52[%mul3A_2, %dma_wait3A_53] : memref<2048x768xf32, #tpu.memory_space<hbm>> -> memref<8x768xf32, #tpu.memory_space<hbm>>
    %dma_wait3A_55 = arith.constant 0 : i32
    %dma_wait3A_56 = arith.constant 0 : i32
    %dma_wait3A_57 = tpu.memref_slice %arg2[%dma_wait3A_48, %dma_wait3A_55, %dma_wait3A_56] : memref<4x2048x768xf32, #tpu.memory_space<hbm>> -> memref<1x2048x768xf32, #tpu.memory_space<hbm>>
    %dma_wait3A_58 = tpu.memref_squeeze %dma_wait3A_57 : memref<1x2048x768xf32, #tpu.memory_space<hbm>> -> memref<2048x768xf32, #tpu.memory_space<hbm>>
    %dma_wait3A_59 = arith.constant 0 : i32
    %dma_wait3A_60 = tpu.memref_slice %dma_wait3A_58[%mul3A_2, %dma_wait3A_59] : memref<2048x768xf32, #tpu.memory_space<hbm>> -> memref<8x768xf32, #tpu.memory_space<hbm>>
    tpu.wait_dma2 semaphore(%arg10 : memref<!tpu.dma_semaphore, #tpu.memory_space<semaphore_mem>>) src(%dma_wait3A_60 : memref<8x768xf32, #tpu.memory_space<hbm>>) dst(%arg6 : memref<8x768xf32, #tpu.memory_space<vmem>>)
    %parallel_loop3A = arith.constant 0 : i32
    %parallel_loop3A_61 = arith.constant 8 : i32
    %parallel_loop3A_62 = arith.constant 1 : i32
    scf.for %parallel_loop3A_215 = %parallel_loop3A to %parallel_loop3A_61 step %parallel_loop3A_62  : i32 {
      %parallel_loop3A_216 = arith.index_cast %parallel_loop3A_215 : i32 to index
      %parallel_loop3A_217 = arith.constant 0 : index
      %parallel_loop3A_218 = tpu.vector_load %arg5[%parallel_loop3A_216, %parallel_loop3A_217] {strides = array<i32>} : memref<8x768xf32, #tpu.memory_space<vmem>>, vector<1x16xf32>,
      %parallel_loop3A_219 = vector.shape_cast %parallel_loop3A_218 : vector<1x16xf32> to vector<16xf32>
      %parallel_loop3A_220 = arith.index_cast %parallel_loop3A_215 : i32 to index
      %parallel_loop3A_221 = arith.constant 0 : index
      %parallel_loop3A_222 = tpu.vector_load %arg6[%parallel_loop3A_220, %parallel_loop3A_221] {strides = array<i32>} : memref<8x768xf32, #tpu.memory_space<vmem>>, vector<1x16xf32>,
      %parallel_loop3A_223 = vector.shape_cast %parallel_loop3A_222 : vector<1x16xf32> to vector<16xf32>
      %parallel_loop3A_224 = vector.shape_cast %parallel_loop3A_219 : vector<16xf32> to vector<1x16xf32>
      tpu.vector_store %arg6[%parallel_loop3A_220, %parallel_loop3A_221], %parallel_loop3A_224 {add = true, strides = array<i32>} : memref<8x768xf32, #tpu.memory_space<vmem>>, vector<1x16xf32>,
      %parallel_loop3A_225 = arith.index_cast %parallel_loop3A_215 : i32 to index
      %parallel_loop3A_226 = arith.constant 16 : index
      %parallel_loop3A_227 = tpu.vector_load %arg5[%parallel_loop3A_225, %parallel_loop3A_226] {strides = array<i32>} : memref<8x768xf32, #tpu.memory_space<vmem>>, vector<1x16xf32>,
      %parallel_loop3A_228 = vector.shape_cast %parallel_loop3A_227 : vector<1x16xf32> to vector<16xf32>
      %parallel_loop3A_229 = arith.index_cast %parallel_loop3A_215 : i32 to index
      %parallel_loop3A_230 = arith.constant 16 : index
      %parallel_loop3A_231 = tpu.vector_load %arg6[%parallel_loop3A_229, %parallel_loop3A_230] {strides = array<i32>} : memref<8x768xf32, #tpu.memory_space<vmem>>, vector<1x16xf32>,
      %parallel_loop3A_232 = vector.shape_cast %parallel_loop3A_231 : vector<1x16xf32> to vector<16xf32>
      %parallel_loop3A_233 = vector.shape_cast %parallel_loop3A_228 : vector<16xf32> to vector<1x16xf32>
      tpu.vector_store %arg6[%parallel_loop3A_229, %parallel_loop3A_230], %parallel_loop3A_233 {add = true, strides = array<i32>} : memref<8x768xf32, #tpu.memory_space<vmem>>, vector<1x16xf32>,
      %parallel_loop3A_234 = arith.index_cast %parallel_loop3A_215 : i32 to index
      %parallel_loop3A_235 = arith.constant 32 : index
      %parallel_loop3A_236 = tpu.vector_load %arg5[%parallel_loop3A_234, %parallel_loop3A_235] {strides = array<i32>} : memref<8x768xf32, #tpu.memory_space<vmem>>, vector<1x16xf32>,
      %parallel_loop3A_237 = vector.shape_cast %parallel_loop3A_236 : vector<1x16xf32> to vector<16xf32>
      %parallel_loop3A_238 = arith.index_cast %parallel_loop3A_215 : i32 to index
      %parallel_loop3A_239 = arith.constant 32 : index
      %parallel_loop3A_240 = tpu.vector_load %arg6[%parallel_loop3A_238, %parallel_loop3A_239] {strides = array<i32>} : memref<8x768xf32, #tpu.memory_space<vmem>>, vector<1x16xf32>,
      %parallel_loop3A_241 = vector.shape_cast %parallel_loop3A_240 : vector<1x16xf32> to vector<16xf32>
      %parallel_loop3A_242 = vector.shape_cast %parallel_loop3A_237 : vector<16xf32> to vector<1x16xf32>
      tpu.vector_store %arg6[%parallel_loop3A_238, %parallel_loop3A_239], %parallel_loop3A_242 {add = true, strides = array<i32>} : memref<8x768xf32, #tpu.memory_space<vmem>>, vector<1x16xf32>,
      %parallel_loop3A_243 = arith.index_cast %parallel_loop3A_215 : i32 to index
      %parallel_loop3A_244 = arith.constant 48 : index
      %parallel_loop3A_245 = tpu.vector_load %arg5[%parallel_loop3A_243, %parallel_loop3A_244] {strides = array<i32>} : memref<8x768xf32, #tpu.memory_space<vmem>>, vector<1x16xf32>,
      %parallel_loop3A_246 = vector.shape_cast %parallel_loop3A_245 : vector<1x16xf32> to vector<16xf32>
      %parallel_loop3A_247 = arith.index_cast %parallel_loop3A_215 : i32 to index
      %parallel_loop3A_248 = arith.constant 48 : index
      %parallel_loop3A_249 = tpu.vector_load %arg6[%parallel_loop3A_247, %parallel_loop3A_248] {strides = array<i32>} : memref<8x768xf32, #tpu.memory_space<vmem>>, vector<1x16xf32>,
      %parallel_loop3A_250 = vector.shape_cast %parallel_loop3A_249 : vector<1x16xf32> to vector<16xf32>
      %parallel_loop3A_251 = vector.shape_cast %parallel_loop3A_246 : vector<16xf32> to vector<1x16xf32>
      tpu.vector_store %arg6[%parallel_loop3A_247, %parallel_loop3A_248], %parallel_loop3A_251 {add = true, strides = array<i32>} : memref<8x768xf32, #tpu.memory_space<vmem>>, vector<1x16xf32>,
      %parallel_loop3A_252 = arith.index_cast %parallel_loop3A_215 : i32 to index
      %parallel_loop3A_253 = arith.constant 64 : index
      %parallel_loop3A_254 = tpu.vector_load %arg5[%parallel_loop3A_252, %parallel_loop3A_253] {strides = array<i32>} : memref<8x768xf32, #tpu.memory_space<vmem>>, vector<1x16xf32>,
      %parallel_loop3A_255 = vector.shape_cast %parallel_loop3A_254 : vector<1x16xf32> to vector<16xf32>
      %parallel_loop3A_256 = arith.index_cast %parallel_loop3A_215 : i32 to index
      %parallel_loop3A_257 = arith.constant 64 : index
      %parallel_loop3A_258 = tpu.vector_load %arg6[%parallel_loop3A_256, %parallel_loop3A_257] {strides = array<i32>} : memref<8x768xf32, #tpu.memory_space<vmem>>, vector<1x16xf32>,
      %parallel_loop3A_259 = vector.shape_cast %parallel_loop3A_258 : vector<1x16xf32> to vector<16xf32>
      %parallel_loop3A_260 = vector.shape_cast %parallel_loop3A_255 : vector<16xf32> to vector<1x16xf32>
      tpu.vector_store %arg6[%parallel_loop3A_256, %parallel_loop3A_257], %parallel_loop3A_260 {add = true, strides = array<i32>} : memref<8x768xf32, #tpu.memory_space<vmem>>, vector<1x16xf32>,
      %parallel_loop3A_261 = arith.index_cast %parallel_loop3A_215 : i32 to index
      %parallel_loop3A_262 = arith.constant 80 : index
      %parallel_loop3A_263 = tpu.vector_load %arg5[%parallel_loop3A_261, %parallel_loop3A_262] {strides = array<i32>} : memref<8x768xf32, #tpu.memory_space<vmem>>, vector<1x16xf32>,
      %parallel_loop3A_264 = vector.shape_cast %parallel_loop3A_263 : vector<1x16xf32> to vector<16xf32>
      %parallel_loop3A_265 = arith.index_cast %parallel_loop3A_215 : i32 to index
      %parallel_loop3A_266 = arith.constant 80 : index
      %parallel_loop3A_267 = tpu.vector_load %arg6[%parallel_loop3A_265, %parallel_loop3A_266] {strides = array<i32>} : memref<8x768xf32, #tpu.memory_space<vmem>>, vector<1x16xf32>,
      %parallel_loop3A_268 = vector.shape_cast %parallel_loop3A_267 : vector<1x16xf32> to vector<16xf32>
      %parallel_loop3A_269 = vector.shape_cast %parallel_loop3A_264 : vector<16xf32> to vector<1x16xf32>
      tpu.vector_store %arg6[%parallel_loop3A_265, %parallel_loop3A_266], %parallel_loop3A_269 {add = true, strides = array<i32>} : memref<8x768xf32, #tpu.memory_space<vmem>>, vector<1x16xf32>,
      %parallel_loop3A_270 = arith.index_cast %parallel_loop3A_215 : i32 to index
      %parallel_loop3A_271 = arith.constant 96 : index
      %parallel_loop3A_272 = tpu.vector_load %arg5[%parallel_loop3A_270, %parallel_loop3A_271] {strides = array<i32>} : memref<8x768xf32, #tpu.memory_space<vmem>>, vector<1x16xf32>,
      %parallel_loop3A_273 = vector.shape_cast %parallel_loop3A_272 : vector<1x16xf32> to vector<16xf32>
      %parallel_loop3A_274 = arith.index_cast %parallel_loop3A_215 : i32 to index
      %parallel_loop3A_275 = arith.constant 96 : index
      %parallel_loop3A_276 = tpu.vector_load %arg6[%parallel_loop3A_274, %parallel_loop3A_275] {strides = array<i32>} : memref<8x768xf32, #tpu.memory_space<vmem>>, vector<1x16xf32>,
      %parallel_loop3A_277 = vector.shape_cast %parallel_loop3A_276 : vector<1x16xf32> to vector<16xf32>
      %parallel_loop3A_278 = vector.shape_cast %parallel_loop3A_273 : vector<16xf32> to vector<1x16xf32>
      tpu.vector_store %arg6[%parallel_loop3A_274, %parallel_loop3A_275], %parallel_loop3A_278 {add = true, strides = array<i32>} : memref<8x768xf32, #tpu.memory_space<vmem>>, vector<1x16xf32>,
      %parallel_loop3A_279 = arith.index_cast %parallel_loop3A_215 : i32 to index
      %parallel_loop3A_280 = arith.constant 112 : index
      %parallel_loop3A_281 = tpu.vector_load %arg5[%parallel_loop3A_279, %parallel_loop3A_280] {strides = array<i32>} : memref<8x768xf32, #tpu.memory_space<vmem>>, vector<1x16xf32>,
      %parallel_loop3A_282 = vector.shape_cast %parallel_loop3A_281 : vector<1x16xf32> to vector<16xf32>
      %parallel_loop3A_283 = arith.index_cast %parallel_loop3A_215 : i32 to index
      %parallel_loop3A_284 = arith.constant 112 : index
      %parallel_loop3A_285 = tpu.vector_load %arg6[%parallel_loop3A_283, %parallel_loop3A_284] {strides = array<i32>} : memref<8x768xf32, #tpu.memory_space<vmem>>, vector<1x16xf32>,
      %parallel_loop3A_286 = vector.shape_cast %parallel_loop3A_285 : vector<1x16xf32> to vector<16xf32>
      %parallel_loop3A_287 = vector.shape_cast %parallel_loop3A_282 : vector<16xf32> to vector<1x16xf32>
      tpu.vector_store %arg6[%parallel_loop3A_283, %parallel_loop3A_284], %parallel_loop3A_287 {add = true, strides = array<i32>} : memref<8x768xf32, #tpu.memory_space<vmem>>, vector<1x16xf32>,
      %parallel_loop3A_288 = arith.index_cast %parallel_loop3A_215 : i32 to index
      %parallel_loop3A_289 = arith.constant 128 : index
      %parallel_loop3A_290 = tpu.vector_load %arg5[%parallel_loop3A_288, %parallel_loop3A_289] {strides = array<i32>} : memref<8x768xf32, #tpu.memory_space<vmem>>, vector<1x16xf32>,
      %parallel_loop3A_291 = vector.shape_cast %parallel_loop3A_290 : vector<1x16xf32> to vector<16xf32>
      %parallel_loop3A_292 = arith.index_cast %parallel_loop3A_215 : i32 to index
      %parallel_loop3A_293 = arith.constant 128 : index
      %parallel_loop3A_294 = tpu.vector_load %arg6[%parallel_loop3A_292, %parallel_loop3A_293] {strides = array<i32>} : memref<8x768xf32, #tpu.memory_space<vmem>>, vector<1x16xf32>,
      %parallel_loop3A_295 = vector.shape_cast %parallel_loop3A_294 : vector<1x16xf32> to vector<16xf32>
      %parallel_loop3A_296 = vector.shape_cast %parallel_loop3A_291 : vector<16xf32> to vector<1x16xf32>
      tpu.vector_store %arg6[%parallel_loop3A_292, %parallel_loop3A_293], %parallel_loop3A_296 {add = true, strides = array<i32>} : memref<8x768xf32, #tpu.memory_space<vmem>>, vector<1x16xf32>,
      %parallel_loop3A_297 = arith.index_cast %parallel_loop3A_215 : i32 to index
      %parallel_loop3A_298 = arith.constant 144 : index
      %parallel_loop3A_299 = tpu.vector_load %arg5[%parallel_loop3A_297, %parallel_loop3A_298] {strides = array<i32>} : memref<8x768xf32, #tpu.memory_space<vmem>>, vector<1x16xf32>,
      %parallel_loop3A_300 = vector.shape_cast %parallel_loop3A_299 : vector<1x16xf32> to vector<16xf32>
      %parallel_loop3A_301 = arith.index_cast %parallel_loop3A_215 : i32 to index
      %parallel_loop3A_302 = arith.constant 144 : index
      %parallel_loop3A_303 = tpu.vector_load %arg6[%parallel_loop3A_301, %parallel_loop3A_302] {strides = array<i32>} : memref<8x768xf32, #tpu.memory_space<vmem>>, vector<1x16xf32>,
      %parallel_loop3A_304 = vector.shape_cast %parallel_loop3A_303 : vector<1x16xf32> to vector<16xf32>
      %parallel_loop3A_305 = vector.shape_cast %parallel_loop3A_300 : vector<16xf32> to vector<1x16xf32>
      tpu.vector_store %arg6[%parallel_loop3A_301, %parallel_loop3A_302], %parallel_loop3A_305 {add = true, strides = array<i32>} : memref<8x768xf32, #tpu.memory_space<vmem>>, vector<1x16xf32>,
      %parallel_loop3A_306 = arith.index_cast %parallel_loop3A_215 : i32 to index
      %parallel_loop3A_307 = arith.constant 160 : index
      %parallel_loop3A_308 = tpu.vector_load %arg5[%parallel_loop3A_306, %parallel_loop3A_307] {strides = array<i32>} : memref<8x768xf32, #tpu.memory_space<vmem>>, vector<1x16xf32>,
      %parallel_loop3A_309 = vector.shape_cast %parallel_loop3A_308 : vector<1x16xf32> to vector<16xf32>
      %parallel_loop3A_310 = arith.index_cast %parallel_loop3A_215 : i32 to index
      %parallel_loop3A_311 = arith.constant 160 : index
      %parallel_loop3A_312 = tpu.vector_load %arg6[%parallel_loop3A_310, %parallel_loop3A_311] {strides = array<i32>} : memref<8x768xf32, #tpu.memory_space<vmem>>, vector<1x16xf32>,
      %parallel_loop3A_313 = vector.shape_cast %parallel_loop3A_312 : vector<1x16xf32> to vector<16xf32>
      %parallel_loop3A_314 = vector.shape_cast %parallel_loop3A_309 : vector<16xf32> to vector<1x16xf32>
      tpu.vector_store %arg6[%parallel_loop3A_310, %parallel_loop3A_311], %parallel_loop3A_314 {add = true, strides = array<i32>} : memref<8x768xf32, #tpu.memory_space<vmem>>, vector<1x16xf32>,
      %parallel_loop3A_315 = arith.index_cast %parallel_loop3A_215 : i32 to index
      %parallel_loop3A_316 = arith.constant 176 : index
      %parallel_loop3A_317 = tpu.vector_load %arg5[%parallel_loop3A_315, %parallel_loop3A_316] {strides = array<i32>} : memref<8x768xf32, #tpu.memory_space<vmem>>, vector<1x16xf32>,
      %parallel_loop3A_318 = vector.shape_cast %parallel_loop3A_317 : vector<1x16xf32> to vector<16xf32>
      %parallel_loop3A_319 = arith.index_cast %parallel_loop3A_215 : i32 to index
      %parallel_loop3A_320 = arith.constant 176 : index
      %parallel_loop3A_321 = tpu.vector_load %arg6[%parallel_loop3A_319, %parallel_loop3A_320] {strides = array<i32>} : memref<8x768xf32, #tpu.memory_space<vmem>>, vector<1x16xf32>,
      %parallel_loop3A_322 = vector.shape_cast %parallel_loop3A_321 : vector<1x16xf32> to vector<16xf32>
      %parallel_loop3A_323 = vector.shape_cast %parallel_loop3A_318 : vector<16xf32> to vector<1x16xf32>
      tpu.vector_store %arg6[%parallel_loop3A_319, %parallel_loop3A_320], %parallel_loop3A_323 {add = true, strides = array<i32>} : memref<8x768xf32, #tpu.memory_space<vmem>>, vector<1x16xf32>,
      %parallel_loop3A_324 = arith.index_cast %parallel_loop3A_215 : i32 to index
      %parallel_loop3A_325 = arith.constant 192 : index
      %parallel_loop3A_326 = tpu.vector_load %arg5[%parallel_loop3A_324, %parallel_loop3A_325] {strides = array<i32>} : memref<8x768xf32, #tpu.memory_space<vmem>>, vector<1x16xf32>,
      %parallel_loop3A_327 = vector.shape_cast %parallel_loop3A_326 : vector<1x16xf32> to vector<16xf32>
      %parallel_loop3A_328 = arith.index_cast %parallel_loop3A_215 : i32 to index
      %parallel_loop3A_329 = arith.constant 192 : index
      %parallel_loop3A_330 = tpu.vector_load %arg6[%parallel_loop3A_328, %parallel_loop3A_329] {strides = array<i32>} : memref<8x768xf32, #tpu.memory_space<vmem>>, vector<1x16xf32>,
      %parallel_loop3A_331 = vector.shape_cast %parallel_loop3A_330 : vector<1x16xf32> to vector<16xf32>
      %parallel_loop3A_332 = vector.shape_cast %parallel_loop3A_327 : vector<16xf32> to vector<1x16xf32>
      tpu.vector_store %arg6[%parallel_loop3A_328, %parallel_loop3A_329], %parallel_loop3A_332 {add = true, strides = array<i32>} : memref<8x768xf32, #tpu.memory_space<vmem>>, vector<1x16xf32>,
      %parallel_loop3A_333 = arith.index_cast %parallel_loop3A_215 : i32 to index
      %parallel_loop3A_334 = arith.constant 208 : index
      %parallel_loop3A_335 = tpu.vector_load %arg5[%parallel_loop3A_333, %parallel_loop3A_334] {strides = array<i32>} : memref<8x768xf32, #tpu.memory_space<vmem>>, vector<1x16xf32>,
      %parallel_loop3A_336 = vector.shape_cast %parallel_loop3A_335 : vector<1x16xf32> to vector<16xf32>
      %parallel_loop3A_337 = arith.index_cast %parallel_loop3A_215 : i32 to index
      %parallel_loop3A_338 = arith.constant 208 : index
      %parallel_loop3A_339 = tpu.vector_load %arg6[%parallel_loop3A_337, %parallel_loop3A_338] {strides = array<i32>} : memref<8x768xf32, #tpu.memory_space<vmem>>, vector<1x16xf32>,
      %parallel_loop3A_340 = vector.shape_cast %parallel_loop3A_339 : vector<1x16xf32> to vector<16xf32>
      %parallel_loop3A_341 = vector.shape_cast %parallel_loop3A_336 : vector<16xf32> to vector<1x16xf32>
      tpu.vector_store %arg6[%parallel_loop3A_337, %parallel_loop3A_338], %parallel_loop3A_341 {add = true, strides = array<i32>} : memref<8x768xf32, #tpu.memory_space<vmem>>, vector<1x16xf32>,
      %parallel_loop3A_342 = arith.index_cast %parallel_loop3A_215 : i32 to index
      %parallel_loop3A_343 = arith.constant 224 : index
      %parallel_loop3A_344 = tpu.vector_load %arg5[%parallel_loop3A_342, %parallel_loop3A_343] {strides = array<i32>} : memref<8x768xf32, #tpu.memory_space<vmem>>, vector<1x16xf32>,
      %parallel_loop3A_345 = vector.shape_cast %parallel_loop3A_344 : vector<1x16xf32> to vector<16xf32>
      %parallel_loop3A_346 = arith.index_cast %parallel_loop3A_215 : i32 to index
      %parallel_loop3A_347 = arith.constant 224 : index
      %parallel_loop3A_348 = tpu.vector_load %arg6[%parallel_loop3A_346, %parallel_loop3A_347] {strides = array<i32>} : memref<8x768xf32, #tpu.memory_space<vmem>>, vector<1x16xf32>,
      %parallel_loop3A_349 = vector.shape_cast %parallel_loop3A_348 : vector<1x16xf32> to vector<16xf32>
      %parallel_loop3A_350 = vector.shape_cast %parallel_loop3A_345 : vector<16xf32> to vector<1x16xf32>
      tpu.vector_store %arg6[%parallel_loop3A_346, %parallel_loop3A_347], %parallel_loop3A_350 {add = true, strides = array<i32>} : memref<8x768xf32, #tpu.memory_space<vmem>>, vector<1x16xf32>,
      %parallel_loop3A_351 = arith.index_cast %parallel_loop3A_215 : i32 to index
      %parallel_loop3A_352 = arith.constant 240 : index
      %parallel_loop3A_353 = tpu.vector_load %arg5[%parallel_loop3A_351, %parallel_loop3A_352] {strides = array<i32>} : memref<8x768xf32, #tpu.memory_space<vmem>>, vector<1x16xf32>,
      %parallel_loop3A_354 = vector.shape_cast %parallel_loop3A_353 : vector<1x16xf32> to vector<16xf32>
      %parallel_loop3A_355 = arith.index_cast %parallel_loop3A_215 : i32 to index
      %parallel_loop3A_356 = arith.constant 240 : index
      %parallel_loop3A_357 = tpu.vector_load %arg6[%parallel_loop3A_355, %parallel_loop3A_356] {strides = array<i32>} : memref<8x768xf32, #tpu.memory_space<vmem>>, vector<1x16xf32>,
      %parallel_loop3A_358 = vector.shape_cast %parallel_loop3A_357 : vector<1x16xf32> to vector<16xf32>
      %parallel_loop3A_359 = vector.shape_cast %parallel_loop3A_354 : vector<16xf32> to vector<1x16xf32>
      tpu.vector_store %arg6[%parallel_loop3A_355, %parallel_loop3A_356], %parallel_loop3A_359 {add = true, strides = array<i32>} : memref<8x768xf32, #tpu.memory_space<vmem>>, vector<1x16xf32>,
      %parallel_loop3A_360 = arith.index_cast %parallel_loop3A_215 : i32 to index
      %parallel_loop3A_361 = arith.constant 256 : index
      %parallel_loop3A_362 = tpu.vector_load %arg5[%parallel_loop3A_360, %parallel_loop3A_361] {strides = array<i32>} : memref<8x768xf32, #tpu.memory_space<vmem>>, vector<1x16xf32>,
      %parallel_loop3A_363 = vector.shape_cast %parallel_loop3A_362 : vector<1x16xf32> to vector<16xf32>
      %parallel_loop3A_364 = arith.index_cast %parallel_loop3A_215 : i32 to index
      %parallel_loop3A_365 = arith.constant 256 : index
      %parallel_loop3A_366 = tpu.vector_load %arg6[%parallel_loop3A_364, %parallel_loop3A_365] {strides = array<i32>} : memref<8x768xf32, #tpu.memory_space<vmem>>, vector<1x16xf32>,
      %parallel_loop3A_367 = vector.shape_cast %parallel_loop3A_366 : vector<1x16xf32> to vector<16xf32>
      %parallel_loop3A_368 = vector.shape_cast %parallel_loop3A_363 : vector<16xf32> to vector<1x16xf32>
      tpu.vector_store %arg6[%parallel_loop3A_364, %parallel_loop3A_365], %parallel_loop3A_368 {add = true, strides = array<i32>} : memref<8x768xf32, #tpu.memory_space<vmem>>, vector<1x16xf32>,
      %parallel_loop3A_369 = arith.index_cast %parallel_loop3A_215 : i32 to index
      %parallel_loop3A_370 = arith.constant 272 : index
      %parallel_loop3A_371 = tpu.vector_load %arg5[%parallel_loop3A_369, %parallel_loop3A_370] {strides = array<i32>} : memref<8x768xf32, #tpu.memory_space<vmem>>, vector<1x16xf32>,
      %parallel_loop3A_372 = vector.shape_cast %parallel_loop3A_371 : vector<1x16xf32> to vector<16xf32>
      %parallel_loop3A_373 = arith.index_cast %parallel_loop3A_215 : i32 to index
      %parallel_loop3A_374 = arith.constant 272 : index
      %parallel_loop3A_375 = tpu.vector_load %arg6[%parallel_loop3A_373, %parallel_loop3A_374] {strides = array<i32>} : memref<8x768xf32, #tpu.memory_space<vmem>>, vector<1x16xf32>,
      %parallel_loop3A_376 = vector.shape_cast %parallel_loop3A_375 : vector<1x16xf32> to vector<16xf32>
      %parallel_loop3A_377 = vector.shape_cast %parallel_loop3A_372 : vector<16xf32> to vector<1x16xf32>
      tpu.vector_store %arg6[%parallel_loop3A_373, %parallel_loop3A_374], %parallel_loop3A_377 {add = true, strides = array<i32>} : memref<8x768xf32, #tpu.memory_space<vmem>>, vector<1x16xf32>,
      %parallel_loop3A_378 = arith.index_cast %parallel_loop3A_215 : i32 to index
      %parallel_loop3A_379 = arith.constant 288 : index
      %parallel_loop3A_380 = tpu.vector_load %arg5[%parallel_loop3A_378, %parallel_loop3A_379] {strides = array<i32>} : memref<8x768xf32, #tpu.memory_space<vmem>>, vector<1x16xf32>,
      %parallel_loop3A_381 = vector.shape_cast %parallel_loop3A_380 : vector<1x16xf32> to vector<16xf32>
      %parallel_loop3A_382 = arith.index_cast %parallel_loop3A_215 : i32 to index
      %parallel_loop3A_383 = arith.constant 288 : index
      %parallel_loop3A_384 = tpu.vector_load %arg6[%parallel_loop3A_382, %parallel_loop3A_383] {strides = array<i32>} : memref<8x768xf32, #tpu.memory_space<vmem>>, vector<1x16xf32>,
      %parallel_loop3A_385 = vector.shape_cast %parallel_loop3A_384 : vector<1x16xf32> to vector<16xf32>
      %parallel_loop3A_386 = vector.shape_cast %parallel_loop3A_381 : vector<16xf32> to vector<1x16xf32>
      tpu.vector_store %arg6[%parallel_loop3A_382, %parallel_loop3A_383], %parallel_loop3A_386 {add = true, strides = array<i32>} : memref<8x768xf32, #tpu.memory_space<vmem>>, vector<1x16xf32>,
      %parallel_loop3A_387 = arith.index_cast %parallel_loop3A_215 : i32 to index
      %parallel_loop3A_388 = arith.constant 304 : index
      %parallel_loop3A_389 = tpu.vector_load %arg5[%parallel_loop3A_387, %parallel_loop3A_388] {strides = array<i32>} : memref<8x768xf32, #tpu.memory_space<vmem>>, vector<1x16xf32>,
      %parallel_loop3A_390 = vector.shape_cast %parallel_loop3A_389 : vector<1x16xf32> to vector<16xf32>
      %parallel_loop3A_391 = arith.index_cast %parallel_loop3A_215 : i32 to index
      %parallel_loop3A_392 = arith.constant 304 : index
      %parallel_loop3A_393 = tpu.vector_load %arg6[%parallel_loop3A_391, %parallel_loop3A_392] {strides = array<i32>} : memref<8x768xf32, #tpu.memory_space<vmem>>, vector<1x16xf32>,
      %parallel_loop3A_394 = vector.shape_cast %parallel_loop3A_393 : vector<1x16xf32> to vector<16xf32>
      %parallel_loop3A_395 = vector.shape_cast %parallel_loop3A_390 : vector<16xf32> to vector<1x16xf32>
      tpu.vector_store %arg6[%parallel_loop3A_391, %parallel_loop3A_392], %parallel_loop3A_395 {add = true, strides = array<i32>} : memref<8x768xf32, #tpu.memory_space<vmem>>, vector<1x16xf32>,
      %parallel_loop3A_396 = arith.index_cast %parallel_loop3A_215 : i32 to index
      %parallel_loop3A_397 = arith.constant 320 : index
      %parallel_loop3A_398 = tpu.vector_load %arg5[%parallel_loop3A_396, %parallel_loop3A_397] {strides = array<i32>} : memref<8x768xf32, #tpu.memory_space<vmem>>, vector<1x16xf32>,
      %parallel_loop3A_399 = vector.shape_cast %parallel_loop3A_398 : vector<1x16xf32> to vector<16xf32>
      %parallel_loop3A_400 = arith.index_cast %parallel_loop3A_215 : i32 to index
      %parallel_loop3A_401 = arith.constant 320 : index
      %parallel_loop3A_402 = tpu.vector_load %arg6[%parallel_loop3A_400, %parallel_loop3A_401] {strides = array<i32>} : memref<8x768xf32, #tpu.memory_space<vmem>>, vector<1x16xf32>,
      %parallel_loop3A_403 = vector.shape_cast %parallel_loop3A_402 : vector<1x16xf32> to vector<16xf32>
      %parallel_loop3A_404 = vector.shape_cast %parallel_loop3A_399 : vector<16xf32> to vector<1x16xf32>
      tpu.vector_store %arg6[%parallel_loop3A_400, %parallel_loop3A_401], %parallel_loop3A_404 {add = true, strides = array<i32>} : memref<8x768xf32, #tpu.memory_space<vmem>>, vector<1x16xf32>,
      %parallel_loop3A_405 = arith.index_cast %parallel_loop3A_215 : i32 to index
      %parallel_loop3A_406 = arith.constant 336 : index
      %parallel_loop3A_407 = tpu.vector_load %arg5[%parallel_loop3A_405, %parallel_loop3A_406] {strides = array<i32>} : memref<8x768xf32, #tpu.memory_space<vmem>>, vector<1x16xf32>,
      %parallel_loop3A_408 = vector.shape_cast %parallel_loop3A_407 : vector<1x16xf32> to vector<16xf32>
      %parallel_loop3A_409 = arith.index_cast %parallel_loop3A_215 : i32 to index
      %parallel_loop3A_410 = arith.constant 336 : index
      %parallel_loop3A_411 = tpu.vector_load %arg6[%parallel_loop3A_409, %parallel_loop3A_410] {strides = array<i32>} : memref<8x768xf32, #tpu.memory_space<vmem>>, vector<1x16xf32>,
      %parallel_loop3A_412 = vector.shape_cast %parallel_loop3A_411 : vector<1x16xf32> to vector<16xf32>
      %parallel_loop3A_413 = vector.shape_cast %parallel_loop3A_408 : vector<16xf32> to vector<1x16xf32>
      tpu.vector_store %arg6[%parallel_loop3A_409, %parallel_loop3A_410], %parallel_loop3A_413 {add = true, strides = array<i32>} : memref<8x768xf32, #tpu.memory_space<vmem>>, vector<1x16xf32>,
      %parallel_loop3A_414 = arith.index_cast %parallel_loop3A_215 : i32 to index
      %parallel_loop3A_415 = arith.constant 352 : index
      %parallel_loop3A_416 = tpu.vector_load %arg5[%parallel_loop3A_414, %parallel_loop3A_415] {strides = array<i32>} : memref<8x768xf32, #tpu.memory_space<vmem>>, vector<1x16xf32>,
      %parallel_loop3A_417 = vector.shape_cast %parallel_loop3A_416 : vector<1x16xf32> to vector<16xf32>
      %parallel_loop3A_418 = arith.index_cast %parallel_loop3A_215 : i32 to index
      %parallel_loop3A_419 = arith.constant 352 : index
      %parallel_loop3A_420 = tpu.vector_load %arg6[%parallel_loop3A_418, %parallel_loop3A_419] {strides = array<i32>} : memref<8x768xf32, #tpu.memory_space<vmem>>, vector<1x16xf32>,
      %parallel_loop3A_421 = vector.shape_cast %parallel_loop3A_420 : vector<1x16xf32> to vector<16xf32>
      %parallel_loop3A_422 = vector.shape_cast %parallel_loop3A_417 : vector<16xf32> to vector<1x16xf32>
      tpu.vector_store %arg6[%parallel_loop3A_418, %parallel_loop3A_419], %parallel_loop3A_422 {add = true, strides = array<i32>} : memref<8x768xf32, #tpu.memory_space<vmem>>, vector<1x16xf32>,
      %parallel_loop3A_423 = arith.index_cast %parallel_loop3A_215 : i32 to index
      %parallel_loop3A_424 = arith.constant 368 : index
      %parallel_loop3A_425 = tpu.vector_load %arg5[%parallel_loop3A_423, %parallel_loop3A_424] {strides = array<i32>} : memref<8x768xf32, #tpu.memory_space<vmem>>, vector<1x16xf32>,
      %parallel_loop3A_426 = vector.shape_cast %parallel_loop3A_425 : vector<1x16xf32> to vector<16xf32>
      %parallel_loop3A_427 = arith.index_cast %parallel_loop3A_215 : i32 to index
      %parallel_loop3A_428 = arith.constant 368 : index
      %parallel_loop3A_429 = tpu.vector_load %arg6[%parallel_loop3A_427, %parallel_loop3A_428] {strides = array<i32>} : memref<8x768xf32, #tpu.memory_space<vmem>>, vector<1x16xf32>,
      %parallel_loop3A_430 = vector.shape_cast %parallel_loop3A_429 : vector<1x16xf32> to vector<16xf32>
      %parallel_loop3A_431 = vector.shape_cast %parallel_loop3A_426 : vector<16xf32> to vector<1x16xf32>
      tpu.vector_store %arg6[%parallel_loop3A_427, %parallel_loop3A_428], %parallel_loop3A_431 {add = true, strides = array<i32>} : memref<8x768xf32, #tpu.memory_space<vmem>>, vector<1x16xf32>,
      %parallel_loop3A_432 = arith.index_cast %parallel_loop3A_215 : i32 to index
      %parallel_loop3A_433 = arith.constant 384 : index
      %parallel_loop3A_434 = tpu.vector_load %arg5[%parallel_loop3A_432, %parallel_loop3A_433] {strides = array<i32>} : memref<8x768xf32, #tpu.memory_space<vmem>>, vector<1x16xf32>,
      %parallel_loop3A_435 = vector.shape_cast %parallel_loop3A_434 : vector<1x16xf32> to vector<16xf32>
      %parallel_loop3A_436 = arith.index_cast %parallel_loop3A_215 : i32 to index
      %parallel_loop3A_437 = arith.constant 384 : index
      %parallel_loop3A_438 = tpu.vector_load %arg6[%parallel_loop3A_436, %parallel_loop3A_437] {strides = array<i32>} : memref<8x768xf32, #tpu.memory_space<vmem>>, vector<1x16xf32>,
      %parallel_loop3A_439 = vector.shape_cast %parallel_loop3A_438 : vector<1x16xf32> to vector<16xf32>
      %parallel_loop3A_440 = vector.shape_cast %parallel_loop3A_435 : vector<16xf32> to vector<1x16xf32>
      tpu.vector_store %arg6[%parallel_loop3A_436, %parallel_loop3A_437], %parallel_loop3A_440 {add = true, strides = array<i32>} : memref<8x768xf32, #tpu.memory_space<vmem>>, vector<1x16xf32>,
      %parallel_loop3A_441 = arith.index_cast %parallel_loop3A_215 : i32 to index
      %parallel_loop3A_442 = arith.constant 400 : index
      %parallel_loop3A_443 = tpu.vector_load %arg5[%parallel_loop3A_441, %parallel_loop3A_442] {strides = array<i32>} : memref<8x768xf32, #tpu.memory_space<vmem>>, vector<1x16xf32>,
      %parallel_loop3A_444 = vector.shape_cast %parallel_loop3A_443 : vector<1x16xf32> to vector<16xf32>
      %parallel_loop3A_445 = arith.index_cast %parallel_loop3A_215 : i32 to index
      %parallel_loop3A_446 = arith.constant 400 : index
      %parallel_loop3A_447 = tpu.vector_load %arg6[%parallel_loop3A_445, %parallel_loop3A_446] {strides = array<i32>} : memref<8x768xf32, #tpu.memory_space<vmem>>, vector<1x16xf32>,
      %parallel_loop3A_448 = vector.shape_cast %parallel_loop3A_447 : vector<1x16xf32> to vector<16xf32>
      %parallel_loop3A_449 = vector.shape_cast %parallel_loop3A_444 : vector<16xf32> to vector<1x16xf32>
      tpu.vector_store %arg6[%parallel_loop3A_445, %parallel_loop3A_446], %parallel_loop3A_449 {add = true, strides = array<i32>} : memref<8x768xf32, #tpu.memory_space<vmem>>, vector<1x16xf32>,
      %parallel_loop3A_450 = arith.index_cast %parallel_loop3A_215 : i32 to index
      %parallel_loop3A_451 = arith.constant 416 : index
      %parallel_loop3A_452 = tpu.vector_load %arg5[%parallel_loop3A_450, %parallel_loop3A_451] {strides = array<i32>} : memref<8x768xf32, #tpu.memory_space<vmem>>, vector<1x16xf32>,
      %parallel_loop3A_453 = vector.shape_cast %parallel_loop3A_452 : vector<1x16xf32> to vector<16xf32>
      %parallel_loop3A_454 = arith.index_cast %parallel_loop3A_215 : i32 to index
      %parallel_loop3A_455 = arith.constant 416 : index
      %parallel_loop3A_456 = tpu.vector_load %arg6[%parallel_loop3A_454, %parallel_loop3A_455] {strides = array<i32>} : memref<8x768xf32, #tpu.memory_space<vmem>>, vector<1x16xf32>,
      %parallel_loop3A_457 = vector.shape_cast %parallel_loop3A_456 : vector<1x16xf32> to vector<16xf32>
      %parallel_loop3A_458 = vector.shape_cast %parallel_loop3A_453 : vector<16xf32> to vector<1x16xf32>
      tpu.vector_store %arg6[%parallel_loop3A_454, %parallel_loop3A_455], %parallel_loop3A_458 {add = true, strides = array<i32>} : memref<8x768xf32, #tpu.memory_space<vmem>>, vector<1x16xf32>,
      %parallel_loop3A_459 = arith.index_cast %parallel_loop3A_215 : i32 to index
      %parallel_loop3A_460 = arith.constant 432 : index
      %parallel_loop3A_461 = tpu.vector_load %arg5[%parallel_loop3A_459, %parallel_loop3A_460] {strides = array<i32>} : memref<8x768xf32, #tpu.memory_space<vmem>>, vector<1x16xf32>,
      %parallel_loop3A_462 = vector.shape_cast %parallel_loop3A_461 : vector<1x16xf32> to vector<16xf32>
      %parallel_loop3A_463 = arith.index_cast %parallel_loop3A_215 : i32 to index
      %parallel_loop3A_464 = arith.constant 432 : index
      %parallel_loop3A_465 = tpu.vector_load %arg6[%parallel_loop3A_463, %parallel_loop3A_464] {strides = array<i32>} : memref<8x768xf32, #tpu.memory_space<vmem>>, vector<1x16xf32>,
      %parallel_loop3A_466 = vector.shape_cast %parallel_loop3A_465 : vector<1x16xf32> to vector<16xf32>
      %parallel_loop3A_467 = vector.shape_cast %parallel_loop3A_462 : vector<16xf32> to vector<1x16xf32>
      tpu.vector_store %arg6[%parallel_loop3A_463, %parallel_loop3A_464], %parallel_loop3A_467 {add = true, strides = array<i32>} : memref<8x768xf32, #tpu.memory_space<vmem>>, vector<1x16xf32>,
      %parallel_loop3A_468 = arith.index_cast %parallel_loop3A_215 : i32 to index
      %parallel_loop3A_469 = arith.constant 448 : index
      %parallel_loop3A_470 = tpu.vector_load %arg5[%parallel_loop3A_468, %parallel_loop3A_469] {strides = array<i32>} : memref<8x768xf32, #tpu.memory_space<vmem>>, vector<1x16xf32>,
      %parallel_loop3A_471 = vector.shape_cast %parallel_loop3A_470 : vector<1x16xf32> to vector<16xf32>
      %parallel_loop3A_472 = arith.index_cast %parallel_loop3A_215 : i32 to index
      %parallel_loop3A_473 = arith.constant 448 : index
      %parallel_loop3A_474 = tpu.vector_load %arg6[%parallel_loop3A_472, %parallel_loop3A_473] {strides = array<i32>} : memref<8x768xf32, #tpu.memory_space<vmem>>, vector<1x16xf32>,
      %parallel_loop3A_475 = vector.shape_cast %parallel_loop3A_474 : vector<1x16xf32> to vector<16xf32>
      %parallel_loop3A_476 = vector.shape_cast %parallel_loop3A_471 : vector<16xf32> to vector<1x16xf32>
      tpu.vector_store %arg6[%parallel_loop3A_472, %parallel_loop3A_473], %parallel_loop3A_476 {add = true, strides = array<i32>} : memref<8x768xf32, #tpu.memory_space<vmem>>, vector<1x16xf32>,
      %parallel_loop3A_477 = arith.index_cast %parallel_loop3A_215 : i32 to index
      %parallel_loop3A_478 = arith.constant 464 : index
      %parallel_loop3A_479 = tpu.vector_load %arg5[%parallel_loop3A_477, %parallel_loop3A_478] {strides = array<i32>} : memref<8x768xf32, #tpu.memory_space<vmem>>, vector<1x16xf32>,
      %parallel_loop3A_480 = vector.shape_cast %parallel_loop3A_479 : vector<1x16xf32> to vector<16xf32>
      %parallel_loop3A_481 = arith.index_cast %parallel_loop3A_215 : i32 to index
      %parallel_loop3A_482 = arith.constant 464 : index
      %parallel_loop3A_483 = tpu.vector_load %arg6[%parallel_loop3A_481, %parallel_loop3A_482] {strides = array<i32>} : memref<8x768xf32, #tpu.memory_space<vmem>>, vector<1x16xf32>,
      %parallel_loop3A_484 = vector.shape_cast %parallel_loop3A_483 : vector<1x16xf32> to vector<16xf32>
      %parallel_loop3A_485 = vector.shape_cast %parallel_loop3A_480 : vector<16xf32> to vector<1x16xf32>
      tpu.vector_store %arg6[%parallel_loop3A_481, %parallel_loop3A_482], %parallel_loop3A_485 {add = true, strides = array<i32>} : memref<8x768xf32, #tpu.memory_space<vmem>>, vector<1x16xf32>,
      %parallel_loop3A_486 = arith.index_cast %parallel_loop3A_215 : i32 to index
      %parallel_loop3A_487 = arith.constant 480 : index
      %parallel_loop3A_488 = tpu.vector_load %arg5[%parallel_loop3A_486, %parallel_loop3A_487] {strides = array<i32>} : memref<8x768xf32, #tpu.memory_space<vmem>>, vector<1x16xf32>,
      %parallel_loop3A_489 = vector.shape_cast %parallel_loop3A_488 : vector<1x16xf32> to vector<16xf32>
      %parallel_loop3A_490 = arith.index_cast %parallel_loop3A_215 : i32 to index
      %parallel_loop3A_491 = arith.constant 480 : index
      %parallel_loop3A_492 = tpu.vector_load %arg6[%parallel_loop3A_490, %parallel_loop3A_491] {strides = array<i32>} : memref<8x768xf32, #tpu.memory_space<vmem>>, vector<1x16xf32>,
      %parallel_loop3A_493 = vector.shape_cast %parallel_loop3A_492 : vector<1x16xf32> to vector<16xf32>
      %parallel_loop3A_494 = vector.shape_cast %parallel_loop3A_489 : vector<16xf32> to vector<1x16xf32>
      tpu.vector_store %arg6[%parallel_loop3A_490, %parallel_loop3A_491], %parallel_loop3A_494 {add = true, strides = array<i32>} : memref<8x768xf32, #tpu.memory_space<vmem>>, vector<1x16xf32>,
      %parallel_loop3A_495 = arith.index_cast %parallel_loop3A_215 : i32 to index
      %parallel_loop3A_496 = arith.constant 496 : index
      %parallel_loop3A_497 = tpu.vector_load %arg5[%parallel_loop3A_495, %parallel_loop3A_496] {strides = array<i32>} : memref<8x768xf32, #tpu.memory_space<vmem>>, vector<1x16xf32>,
      %parallel_loop3A_498 = vector.shape_cast %parallel_loop3A_497 : vector<1x16xf32> to vector<16xf32>
      %parallel_loop3A_499 = arith.index_cast %parallel_loop3A_215 : i32 to index
      %parallel_loop3A_500 = arith.constant 496 : index
      %parallel_loop3A_501 = tpu.vector_load %arg6[%parallel_loop3A_499, %parallel_loop3A_500] {strides = array<i32>} : memref<8x768xf32, #tpu.memory_space<vmem>>, vector<1x16xf32>,
      %parallel_loop3A_502 = vector.shape_cast %parallel_loop3A_501 : vector<1x16xf32> to vector<16xf32>
      %parallel_loop3A_503 = vector.shape_cast %parallel_loop3A_498 : vector<16xf32> to vector<1x16xf32>
      tpu.vector_store %arg6[%parallel_loop3A_499, %parallel_loop3A_500], %parallel_loop3A_503 {add = true, strides = array<i32>} : memref<8x768xf32, #tpu.memory_space<vmem>>, vector<1x16xf32>,
      %parallel_loop3A_504 = arith.index_cast %parallel_loop3A_215 : i32 to index
      %parallel_loop3A_505 = arith.constant 512 : index
      %parallel_loop3A_506 = tpu.vector_load %arg5[%parallel_loop3A_504, %parallel_loop3A_505] {strides = array<i32>} : memref<8x768xf32, #tpu.memory_space<vmem>>, vector<1x16xf32>,
      %parallel_loop3A_507 = vector.shape_cast %parallel_loop3A_506 : vector<1x16xf32> to vector<16xf32>
      %parallel_loop3A_508 = arith.index_cast %parallel_loop3A_215 : i32 to index
      %parallel_loop3A_509 = arith.constant 512 : index
      %parallel_loop3A_510 = tpu.vector_load %arg6[%parallel_loop3A_508, %parallel_loop3A_509] {strides = array<i32>} : memref<8x768xf32, #tpu.memory_space<vmem>>, vector<1x16xf32>,
      %parallel_loop3A_511 = vector.shape_cast %parallel_loop3A_510 : vector<1x16xf32> to vector<16xf32>
      %parallel_loop3A_512 = vector.shape_cast %parallel_loop3A_507 : vector<16xf32> to vector<1x16xf32>
      tpu.vector_store %arg6[%parallel_loop3A_508, %parallel_loop3A_509], %parallel_loop3A_512 {add = true, strides = array<i32>} : memref<8x768xf32, #tpu.memory_space<vmem>>, vector<1x16xf32>,
      %parallel_loop3A_513 = arith.index_cast %parallel_loop3A_215 : i32 to index
      %parallel_loop3A_514 = arith.constant 528 : index
      %parallel_loop3A_515 = tpu.vector_load %arg5[%parallel_loop3A_513, %parallel_loop3A_514] {strides = array<i32>} : memref<8x768xf32, #tpu.memory_space<vmem>>, vector<1x16xf32>,
      %parallel_loop3A_516 = vector.shape_cast %parallel_loop3A_515 : vector<1x16xf32> to vector<16xf32>
      %parallel_loop3A_517 = arith.index_cast %parallel_loop3A_215 : i32 to index
      %parallel_loop3A_518 = arith.constant 528 : index
      %parallel_loop3A_519 = tpu.vector_load %arg6[%parallel_loop3A_517, %parallel_loop3A_518] {strides = array<i32>} : memref<8x768xf32, #tpu.memory_space<vmem>>, vector<1x16xf32>,
      %parallel_loop3A_520 = vector.shape_cast %parallel_loop3A_519 : vector<1x16xf32> to vector<16xf32>
      %parallel_loop3A_521 = vector.shape_cast %parallel_loop3A_516 : vector<16xf32> to vector<1x16xf32>
      tpu.vector_store %arg6[%parallel_loop3A_517, %parallel_loop3A_518], %parallel_loop3A_521 {add = true, strides = array<i32>} : memref<8x768xf32, #tpu.memory_space<vmem>>, vector<1x16xf32>,
      %parallel_loop3A_522 = arith.index_cast %parallel_loop3A_215 : i32 to index
      %parallel_loop3A_523 = arith.constant 544 : index
      %parallel_loop3A_524 = tpu.vector_load %arg5[%parallel_loop3A_522, %parallel_loop3A_523] {strides = array<i32>} : memref<8x768xf32, #tpu.memory_space<vmem>>, vector<1x16xf32>,
      %parallel_loop3A_525 = vector.shape_cast %parallel_loop3A_524 : vector<1x16xf32> to vector<16xf32>
      %parallel_loop3A_526 = arith.index_cast %parallel_loop3A_215 : i32 to index
      %parallel_loop3A_527 = arith.constant 544 : index
      %parallel_loop3A_528 = tpu.vector_load %arg6[%parallel_loop3A_526, %parallel_loop3A_527] {strides = array<i32>} : memref<8x768xf32, #tpu.memory_space<vmem>>, vector<1x16xf32>,
      %parallel_loop3A_529 = vector.shape_cast %parallel_loop3A_528 : vector<1x16xf32> to vector<16xf32>
      %parallel_loop3A_530 = vector.shape_cast %parallel_loop3A_525 : vector<16xf32> to vector<1x16xf32>
      tpu.vector_store %arg6[%parallel_loop3A_526, %parallel_loop3A_527], %parallel_loop3A_530 {add = true, strides = array<i32>} : memref<8x768xf32, #tpu.memory_space<vmem>>, vector<1x16xf32>,
      %parallel_loop3A_531 = arith.index_cast %parallel_loop3A_215 : i32 to index
      %parallel_loop3A_532 = arith.constant 560 : index
      %parallel_loop3A_533 = tpu.vector_load %arg5[%parallel_loop3A_531, %parallel_loop3A_532] {strides = array<i32>} : memref<8x768xf32, #tpu.memory_space<vmem>>, vector<1x16xf32>,
      %parallel_loop3A_534 = vector.shape_cast %parallel_loop3A_533 : vector<1x16xf32> to vector<16xf32>
      %parallel_loop3A_535 = arith.index_cast %parallel_loop3A_215 : i32 to index
      %parallel_loop3A_536 = arith.constant 560 : index
      %parallel_loop3A_537 = tpu.vector_load %arg6[%parallel_loop3A_535, %parallel_loop3A_536] {strides = array<i32>} : memref<8x768xf32, #tpu.memory_space<vmem>>, vector<1x16xf32>,
      %parallel_loop3A_538 = vector.shape_cast %parallel_loop3A_537 : vector<1x16xf32> to vector<16xf32>
      %parallel_loop3A_539 = vector.shape_cast %parallel_loop3A_534 : vector<16xf32> to vector<1x16xf32>
      tpu.vector_store %arg6[%parallel_loop3A_535, %parallel_loop3A_536], %parallel_loop3A_539 {add = true, strides = array<i32>} : memref<8x768xf32, #tpu.memory_space<vmem>>, vector<1x16xf32>,
      %parallel_loop3A_540 = arith.index_cast %parallel_loop3A_215 : i32 to index
      %parallel_loop3A_541 = arith.constant 576 : index
      %parallel_loop3A_542 = tpu.vector_load %arg5[%parallel_loop3A_540, %parallel_loop3A_541] {strides = array<i32>} : memref<8x768xf32, #tpu.memory_space<vmem>>, vector<1x16xf32>,
      %parallel_loop3A_543 = vector.shape_cast %parallel_loop3A_542 : vector<1x16xf32> to vector<16xf32>
      %parallel_loop3A_544 = arith.index_cast %parallel_loop3A_215 : i32 to index
      %parallel_loop3A_545 = arith.constant 576 : index
      %parallel_loop3A_546 = tpu.vector_load %arg6[%parallel_loop3A_544, %parallel_loop3A_545] {strides = array<i32>} : memref<8x768xf32, #tpu.memory_space<vmem>>, vector<1x16xf32>,
      %parallel_loop3A_547 = vector.shape_cast %parallel_loop3A_546 : vector<1x16xf32> to vector<16xf32>
      %parallel_loop3A_548 = vector.shape_cast %parallel_loop3A_543 : vector<16xf32> to vector<1x16xf32>
      tpu.vector_store %arg6[%parallel_loop3A_544, %parallel_loop3A_545], %parallel_loop3A_548 {add = true, strides = array<i32>} : memref<8x768xf32, #tpu.memory_space<vmem>>, vector<1x16xf32>,
      %parallel_loop3A_549 = arith.index_cast %parallel_loop3A_215 : i32 to index
      %parallel_loop3A_550 = arith.constant 592 : index
      %parallel_loop3A_551 = tpu.vector_load %arg5[%parallel_loop3A_549, %parallel_loop3A_550] {strides = array<i32>} : memref<8x768xf32, #tpu.memory_space<vmem>>, vector<1x16xf32>,
      %parallel_loop3A_552 = vector.shape_cast %parallel_loop3A_551 : vector<1x16xf32> to vector<16xf32>
      %parallel_loop3A_553 = arith.index_cast %parallel_loop3A_215 : i32 to index
      %parallel_loop3A_554 = arith.constant 592 : index
      %parallel_loop3A_555 = tpu.vector_load %arg6[%parallel_loop3A_553, %parallel_loop3A_554] {strides = array<i32>} : memref<8x768xf32, #tpu.memory_space<vmem>>, vector<1x16xf32>,
      %parallel_loop3A_556 = vector.shape_cast %parallel_loop3A_555 : vector<1x16xf32> to vector<16xf32>
      %parallel_loop3A_557 = vector.shape_cast %parallel_loop3A_552 : vector<16xf32> to vector<1x16xf32>
      tpu.vector_store %arg6[%parallel_loop3A_553, %parallel_loop3A_554], %parallel_loop3A_557 {add = true, strides = array<i32>} : memref<8x768xf32, #tpu.memory_space<vmem>>, vector<1x16xf32>,
      %parallel_loop3A_558 = arith.index_cast %parallel_loop3A_215 : i32 to index
      %parallel_loop3A_559 = arith.constant 608 : index
      %parallel_loop3A_560 = tpu.vector_load %arg5[%parallel_loop3A_558, %parallel_loop3A_559] {strides = array<i32>} : memref<8x768xf32, #tpu.memory_space<vmem>>, vector<1x16xf32>,
      %parallel_loop3A_561 = vector.shape_cast %parallel_loop3A_560 : vector<1x16xf32> to vector<16xf32>
      %parallel_loop3A_562 = arith.index_cast %parallel_loop3A_215 : i32 to index
      %parallel_loop3A_563 = arith.constant 608 : index
      %parallel_loop3A_564 = tpu.vector_load %arg6[%parallel_loop3A_562, %parallel_loop3A_563] {strides = array<i32>} : memref<8x768xf32, #tpu.memory_space<vmem>>, vector<1x16xf32>,
      %parallel_loop3A_565 = vector.shape_cast %parallel_loop3A_564 : vector<1x16xf32> to vector<16xf32>
      %parallel_loop3A_566 = vector.shape_cast %parallel_loop3A_561 : vector<16xf32> to vector<1x16xf32>
      tpu.vector_store %arg6[%parallel_loop3A_562, %parallel_loop3A_563], %parallel_loop3A_566 {add = true, strides = array<i32>} : memref<8x768xf32, #tpu.memory_space<vmem>>, vector<1x16xf32>,
      %parallel_loop3A_567 = arith.index_cast %parallel_loop3A_215 : i32 to index
      %parallel_loop3A_568 = arith.constant 624 : index
      %parallel_loop3A_569 = tpu.vector_load %arg5[%parallel_loop3A_567, %parallel_loop3A_568] {strides = array<i32>} : memref<8x768xf32, #tpu.memory_space<vmem>>, vector<1x16xf32>,
      %parallel_loop3A_570 = vector.shape_cast %parallel_loop3A_569 : vector<1x16xf32> to vector<16xf32>
      %parallel_loop3A_571 = arith.index_cast %parallel_loop3A_215 : i32 to index
      %parallel_loop3A_572 = arith.constant 624 : index
      %parallel_loop3A_573 = tpu.vector_load %arg6[%parallel_loop3A_571, %parallel_loop3A_572] {strides = array<i32>} : memref<8x768xf32, #tpu.memory_space<vmem>>, vector<1x16xf32>,
      %parallel_loop3A_574 = vector.shape_cast %parallel_loop3A_573 : vector<1x16xf32> to vector<16xf32>
      %parallel_loop3A_575 = vector.shape_cast %parallel_loop3A_570 : vector<16xf32> to vector<1x16xf32>
      tpu.vector_store %arg6[%parallel_loop3A_571, %parallel_loop3A_572], %parallel_loop3A_575 {add = true, strides = array<i32>} : memref<8x768xf32, #tpu.memory_space<vmem>>, vector<1x16xf32>,
      %parallel_loop3A_576 = arith.index_cast %parallel_loop3A_215 : i32 to index
      %parallel_loop3A_577 = arith.constant 640 : index
      %parallel_loop3A_578 = tpu.vector_load %arg5[%parallel_loop3A_576, %parallel_loop3A_577] {strides = array<i32>} : memref<8x768xf32, #tpu.memory_space<vmem>>, vector<1x16xf32>,
      %parallel_loop3A_579 = vector.shape_cast %parallel_loop3A_578 : vector<1x16xf32> to vector<16xf32>
      %parallel_loop3A_580 = arith.index_cast %parallel_loop3A_215 : i32 to index
      %parallel_loop3A_581 = arith.constant 640 : index
      %parallel_loop3A_582 = tpu.vector_load %arg6[%parallel_loop3A_580, %parallel_loop3A_581] {strides = array<i32>} : memref<8x768xf32, #tpu.memory_space<vmem>>, vector<1x16xf32>,
      %parallel_loop3A_583 = vector.shape_cast %parallel_loop3A_582 : vector<1x16xf32> to vector<16xf32>
      %parallel_loop3A_584 = vector.shape_cast %parallel_loop3A_579 : vector<16xf32> to vector<1x16xf32>
      tpu.vector_store %arg6[%parallel_loop3A_580, %parallel_loop3A_581], %parallel_loop3A_584 {add = true, strides = array<i32>} : memref<8x768xf32, #tpu.memory_space<vmem>>, vector<1x16xf32>,
      %parallel_loop3A_585 = arith.index_cast %parallel_loop3A_215 : i32 to index
      %parallel_loop3A_586 = arith.constant 656 : index
      %parallel_loop3A_587 = tpu.vector_load %arg5[%parallel_loop3A_585, %parallel_loop3A_586] {strides = array<i32>} : memref<8x768xf32, #tpu.memory_space<vmem>>, vector<1x16xf32>,
      %parallel_loop3A_588 = vector.shape_cast %parallel_loop3A_587 : vector<1x16xf32> to vector<16xf32>
      %parallel_loop3A_589 = arith.index_cast %parallel_loop3A_215 : i32 to index
      %parallel_loop3A_590 = arith.constant 656 : index
      %parallel_loop3A_591 = tpu.vector_load %arg6[%parallel_loop3A_589, %parallel_loop3A_590] {strides = array<i32>} : memref<8x768xf32, #tpu.memory_space<vmem>>, vector<1x16xf32>,
      %parallel_loop3A_592 = vector.shape_cast %parallel_loop3A_591 : vector<1x16xf32> to vector<16xf32>
      %parallel_loop3A_593 = vector.shape_cast %parallel_loop3A_588 : vector<16xf32> to vector<1x16xf32>
      tpu.vector_store %arg6[%parallel_loop3A_589, %parallel_loop3A_590], %parallel_loop3A_593 {add = true, strides = array<i32>} : memref<8x768xf32, #tpu.memory_space<vmem>>, vector<1x16xf32>,
      %parallel_loop3A_594 = arith.index_cast %parallel_loop3A_215 : i32 to index
      %parallel_loop3A_595 = arith.constant 672 : index
      %parallel_loop3A_596 = tpu.vector_load %arg5[%parallel_loop3A_594, %parallel_loop3A_595] {strides = array<i32>} : memref<8x768xf32, #tpu.memory_space<vmem>>, vector<1x16xf32>,
      %parallel_loop3A_597 = vector.shape_cast %parallel_loop3A_596 : vector<1x16xf32> to vector<16xf32>
      %parallel_loop3A_598 = arith.index_cast %parallel_loop3A_215 : i32 to index
      %parallel_loop3A_599 = arith.constant 672 : index
      %parallel_loop3A_600 = tpu.vector_load %arg6[%parallel_loop3A_598, %parallel_loop3A_599] {strides = array<i32>} : memref<8x768xf32, #tpu.memory_space<vmem>>, vector<1x16xf32>,
      %parallel_loop3A_601 = vector.shape_cast %parallel_loop3A_600 : vector<1x16xf32> to vector<16xf32>
      %parallel_loop3A_602 = vector.shape_cast %parallel_loop3A_597 : vector<16xf32> to vector<1x16xf32>
      tpu.vector_store %arg6[%parallel_loop3A_598, %parallel_loop3A_599], %parallel_loop3A_602 {add = true, strides = array<i32>} : memref<8x768xf32, #tpu.memory_space<vmem>>, vector<1x16xf32>,
      %parallel_loop3A_603 = arith.index_cast %parallel_loop3A_215 : i32 to index
      %parallel_loop3A_604 = arith.constant 688 : index
      %parallel_loop3A_605 = tpu.vector_load %arg5[%parallel_loop3A_603, %parallel_loop3A_604] {strides = array<i32>} : memref<8x768xf32, #tpu.memory_space<vmem>>, vector<1x16xf32>,
      %parallel_loop3A_606 = vector.shape_cast %parallel_loop3A_605 : vector<1x16xf32> to vector<16xf32>
      %parallel_loop3A_607 = arith.index_cast %parallel_loop3A_215 : i32 to index
      %parallel_loop3A_608 = arith.constant 688 : index
      %parallel_loop3A_609 = tpu.vector_load %arg6[%parallel_loop3A_607, %parallel_loop3A_608] {strides = array<i32>} : memref<8x768xf32, #tpu.memory_space<vmem>>, vector<1x16xf32>,
      %parallel_loop3A_610 = vector.shape_cast %parallel_loop3A_609 : vector<1x16xf32> to vector<16xf32>
      %parallel_loop3A_611 = vector.shape_cast %parallel_loop3A_606 : vector<16xf32> to vector<1x16xf32>
      tpu.vector_store %arg6[%parallel_loop3A_607, %parallel_loop3A_608], %parallel_loop3A_611 {add = true, strides = array<i32>} : memref<8x768xf32, #tpu.memory_space<vmem>>, vector<1x16xf32>,
      %parallel_loop3A_612 = arith.index_cast %parallel_loop3A_215 : i32 to index
      %parallel_loop3A_613 = arith.constant 704 : index
      %parallel_loop3A_614 = tpu.vector_load %arg5[%parallel_loop3A_612, %parallel_loop3A_613] {strides = array<i32>} : memref<8x768xf32, #tpu.memory_space<vmem>>, vector<1x16xf32>,
      %parallel_loop3A_615 = vector.shape_cast %parallel_loop3A_614 : vector<1x16xf32> to vector<16xf32>
      %parallel_loop3A_616 = arith.index_cast %parallel_loop3A_215 : i32 to index
      %parallel_loop3A_617 = arith.constant 704 : index
      %parallel_loop3A_618 = tpu.vector_load %arg6[%parallel_loop3A_616, %parallel_loop3A_617] {strides = array<i32>} : memref<8x768xf32, #tpu.memory_space<vmem>>, vector<1x16xf32>,
      %parallel_loop3A_619 = vector.shape_cast %parallel_loop3A_618 : vector<1x16xf32> to vector<16xf32>
      %parallel_loop3A_620 = vector.shape_cast %parallel_loop3A_615 : vector<16xf32> to vector<1x16xf32>
      tpu.vector_store %arg6[%parallel_loop3A_616, %parallel_loop3A_617], %parallel_loop3A_620 {add = true, strides = array<i32>} : memref<8x768xf32, #tpu.memory_space<vmem>>, vector<1x16xf32>,
      %parallel_loop3A_621 = arith.index_cast %parallel_loop3A_215 : i32 to index
      %parallel_loop3A_622 = arith.constant 720 : index
      %parallel_loop3A_623 = tpu.vector_load %arg5[%parallel_loop3A_621, %parallel_loop3A_622] {strides = array<i32>} : memref<8x768xf32, #tpu.memory_space<vmem>>, vector<1x16xf32>,
      %parallel_loop3A_624 = vector.shape_cast %parallel_loop3A_623 : vector<1x16xf32> to vector<16xf32>
      %parallel_loop3A_625 = arith.index_cast %parallel_loop3A_215 : i32 to index
      %parallel_loop3A_626 = arith.constant 720 : index
      %parallel_loop3A_627 = tpu.vector_load %arg6[%parallel_loop3A_625, %parallel_loop3A_626] {strides = array<i32>} : memref<8x768xf32, #tpu.memory_space<vmem>>, vector<1x16xf32>,
      %parallel_loop3A_628 = vector.shape_cast %parallel_loop3A_627 : vector<1x16xf32> to vector<16xf32>
      %parallel_loop3A_629 = vector.shape_cast %parallel_loop3A_624 : vector<16xf32> to vector<1x16xf32>
      tpu.vector_store %arg6[%parallel_loop3A_625, %parallel_loop3A_626], %parallel_loop3A_629 {add = true, strides = array<i32>} : memref<8x768xf32, #tpu.memory_space<vmem>>, vector<1x16xf32>,
      %parallel_loop3A_630 = arith.index_cast %parallel_loop3A_215 : i32 to index
      %parallel_loop3A_631 = arith.constant 736 : index
      %parallel_loop3A_632 = tpu.vector_load %arg5[%parallel_loop3A_630, %parallel_loop3A_631] {strides = array<i32>} : memref<8x768xf32, #tpu.memory_space<vmem>>, vector<1x16xf32>,
      %parallel_loop3A_633 = vector.shape_cast %parallel_loop3A_632 : vector<1x16xf32> to vector<16xf32>
      %parallel_loop3A_634 = arith.index_cast %parallel_loop3A_215 : i32 to index
      %parallel_loop3A_635 = arith.constant 736 : index
      %parallel_loop3A_636 = tpu.vector_load %arg6[%parallel_loop3A_634, %parallel_loop3A_635] {strides = array<i32>} : memref<8x768xf32, #tpu.memory_space<vmem>>, vector<1x16xf32>,
      %parallel_loop3A_637 = vector.shape_cast %parallel_loop3A_636 : vector<1x16xf32> to vector<16xf32>
      %parallel_loop3A_638 = vector.shape_cast %parallel_loop3A_633 : vector<16xf32> to vector<1x16xf32>
      tpu.vector_store %arg6[%parallel_loop3A_634, %parallel_loop3A_635], %parallel_loop3A_638 {add = true, strides = array<i32>} : memref<8x768xf32, #tpu.memory_space<vmem>>, vector<1x16xf32>,
      %parallel_loop3A_639 = arith.index_cast %parallel_loop3A_215 : i32 to index
      %parallel_loop3A_640 = arith.constant 752 : index
      %parallel_loop3A_641 = tpu.vector_load %arg5[%parallel_loop3A_639, %parallel_loop3A_640] {strides = array<i32>} : memref<8x768xf32, #tpu.memory_space<vmem>>, vector<1x16xf32>,
      %parallel_loop3A_642 = vector.shape_cast %parallel_loop3A_641 : vector<1x16xf32> to vector<16xf32>
      %parallel_loop3A_643 = arith.index_cast %parallel_loop3A_215 : i32 to index
      %parallel_loop3A_644 = arith.constant 752 : index
      %parallel_loop3A_645 = tpu.vector_load %arg6[%parallel_loop3A_643, %parallel_loop3A_644] {strides = array<i32>} : memref<8x768xf32, #tpu.memory_space<vmem>>, vector<1x16xf32>,
      %parallel_loop3A_646 = vector.shape_cast %parallel_loop3A_645 : vector<1x16xf32> to vector<16xf32>
      %parallel_loop3A_647 = vector.shape_cast %parallel_loop3A_642 : vector<16xf32> to vector<1x16xf32>
      tpu.vector_store %arg6[%parallel_loop3A_643, %parallel_loop3A_644], %parallel_loop3A_647 {add = true, strides = array<i32>} : memref<8x768xf32, #tpu.memory_space<vmem>>, vector<1x16xf32>,
    } {sc.loop_unroll_factor = 1 : i64, sc.parallel_access}
    %dma_start3A_63 = arith.constant 0 : i32
    %dma_start3A_64 = arith.constant 0 : i32
    %dma_start3A_65 = arith.constant 0 : i32
    %dma_start3A_66 = tpu.memref_slice %arg4[%dma_start3A_63, %dma_start3A_64, %dma_start3A_65] : memref<4x256x768xf32, #tpu.memory_space<hbm>> -> memref<1x256x768xf32, #tpu.memory_space<hbm>>
    %dma_start3A_67 = tpu.memref_squeeze %dma_start3A_66 : memref<1x256x768xf32, #tpu.memory_space<hbm>> -> memref<256x768xf32, #tpu.memory_space<hbm>>
    %dma_start3A_68 = arith.constant 0 : i32
    %dma_start3A_69 = tpu.memref_slice %dma_start3A_67[%mul3A_2, %dma_start3A_68] : memref<256x768xf32, #tpu.memory_space<hbm>> -> memref<8x768xf32, #tpu.memory_space<hbm>>
    %dma_start3A_70 = arith.constant 0 : i32
    %dma_start3A_71 = arith.constant 0 : i32
    %dma_start3A_72 = tpu.memref_slice %arg4[%dma_start3A_63, %dma_start3A_70, %dma_start3A_71] : memref<4x256x768xf32, #tpu.memory_space<hbm>> -> memref<1x256x768xf32, #tpu.memory_space<hbm>>
    %dma_start3A_73 = tpu.memref_squeeze %dma_start3A_72 : memref<1x256x768xf32, #tpu.memory_space<hbm>> -> memref<256x768xf32, #tpu.memory_space<hbm>>
    %dma_start3A_74 = arith.constant 0 : i32
    %dma_start3A_75 = tpu.memref_slice %dma_start3A_73[%mul3A_2, %dma_start3A_74] : memref<256x768xf32, #tpu.memory_space<hbm>> -> memref<8x768xf32, #tpu.memory_space<hbm>>
    tpu.enqueue_dma source(%arg6 : memref<8x768xf32, #tpu.memory_space<vmem>>) target(%dma_start3A_75 : memref<8x768xf32, #tpu.memory_space<hbm>>) target_semaphore(%arg13 : memref<!tpu.dma_semaphore, #tpu.memory_space<semaphore_mem>>)
    %dma_wait3A_76 = arith.constant 1 : i32
    %dma_wait3A_77 = arith.constant 0 : i32
    %dma_wait3A_78 = arith.constant 0 : i32
    %dma_wait3A_79 = tpu.memref_slice %arg2[%dma_wait3A_76, %dma_wait3A_77, %dma_wait3A_78] : memref<4x2048x768xf32, #tpu.memory_space<hbm>> -> memref<1x2048x768xf32, #tpu.memory_space<hbm>>
    %dma_wait3A_80 = tpu.memref_squeeze %dma_wait3A_79 : memref<1x2048x768xf32, #tpu.memory_space<hbm>> -> memref<2048x768xf32, #tpu.memory_space<hbm>>
    %dma_wait3A_81 = arith.constant 0 : i32
    %dma_wait3A_82 = tpu.memref_slice %dma_wait3A_80[%mul3A_2, %dma_wait3A_81] : memref<2048x768xf32, #tpu.memory_space<hbm>> -> memref<8x768xf32, #tpu.memory_space<hbm>>
    %dma_wait3A_83 = arith.constant 0 : i32
    %dma_wait3A_84 = arith.constant 0 : i32
    %dma_wait3A_85 = tpu.memref_slice %arg2[%dma_wait3A_76, %dma_wait3A_83, %dma_wait3A_84] : memref<4x2048x768xf32, #tpu.memory_space<hbm>> -> memref<1x2048x768xf32, #tpu.memory_space<hbm>>
    %dma_wait3A_86 = tpu.memref_squeeze %dma_wait3A_85 : memref<1x2048x768xf32, #tpu.memory_space<hbm>> -> memref<2048x768xf32, #tpu.memory_space<hbm>>
    %dma_wait3A_87 = arith.constant 0 : i32
    %dma_wait3A_88 = tpu.memref_slice %dma_wait3A_86[%mul3A_2, %dma_wait3A_87] : memref<2048x768xf32, #tpu.memory_space<hbm>> -> memref<8x768xf32, #tpu.memory_space<hbm>>
    tpu.wait_dma2 semaphore(%arg11 : memref<!tpu.dma_semaphore, #tpu.memory_space<semaphore_mem>>) src(%dma_wait3A_88 : memref<8x768xf32, #tpu.memory_space<hbm>>) dst(%arg7 : memref<8x768xf32, #tpu.memory_space<vmem>>)
    %parallel_loop3A_89 = arith.constant 0 : i32
    %parallel_loop3A_90 = arith.constant 8 : i32
    %parallel_loop3A_91 = arith.constant 1 : i32
    scf.for %parallel_loop3A_215 = %parallel_loop3A_89 to %parallel_loop3A_90 step %parallel_loop3A_91  : i32 {
      %parallel_loop3A_216 = arith.index_cast %parallel_loop3A_215 : i32 to index
      %parallel_loop3A_217 = arith.constant 0 : index
      %parallel_loop3A_218 = tpu.vector_load %arg5[%parallel_loop3A_216, %parallel_loop3A_217] {strides = array<i32>} : memref<8x768xf32, #tpu.memory_space<vmem>>, vector<1x16xf32>,
      %parallel_loop3A_219 = vector.shape_cast %parallel_loop3A_218 : vector<1x16xf32> to vector<16xf32>
      %parallel_loop3A_220 = arith.index_cast %parallel_loop3A_215 : i32 to index
      %parallel_loop3A_221 = arith.constant 0 : index
      %parallel_loop3A_222 = tpu.vector_load %arg7[%parallel_loop3A_220, %parallel_loop3A_221] {strides = array<i32>} : memref<8x768xf32, #tpu.memory_space<vmem>>, vector<1x16xf32>,
      %parallel_loop3A_223 = vector.shape_cast %parallel_loop3A_222 : vector<1x16xf32> to vector<16xf32>
      %parallel_loop3A_224 = vector.shape_cast %parallel_loop3A_219 : vector<16xf32> to vector<1x16xf32>
      tpu.vector_store %arg7[%parallel_loop3A_220, %parallel_loop3A_221], %parallel_loop3A_224 {add = true, strides = array<i32>} : memref<8x768xf32, #tpu.memory_space<vmem>>, vector<1x16xf32>,
      %parallel_loop3A_225 = arith.index_cast %parallel_loop3A_215 : i32 to index
      %parallel_loop3A_226 = arith.constant 16 : index
      %parallel_loop3A_227 = tpu.vector_load %arg5[%parallel_loop3A_225, %parallel_loop3A_226] {strides = array<i32>} : memref<8x768xf32, #tpu.memory_space<vmem>>, vector<1x16xf32>,
      %parallel_loop3A_228 = vector.shape_cast %parallel_loop3A_227 : vector<1x16xf32> to vector<16xf32>
      %parallel_loop3A_229 = arith.index_cast %parallel_loop3A_215 : i32 to index
      %parallel_loop3A_230 = arith.constant 16 : index
      %parallel_loop3A_231 = tpu.vector_load %arg7[%parallel_loop3A_229, %parallel_loop3A_230] {strides = array<i32>} : memref<8x768xf32, #tpu.memory_space<vmem>>, vector<1x16xf32>,
      %parallel_loop3A_232 = vector.shape_cast %parallel_loop3A_231 : vector<1x16xf32> to vector<16xf32>
      %parallel_loop3A_233 = vector.shape_cast %parallel_loop3A_228 : vector<16xf32> to vector<1x16xf32>
      tpu.vector_store %arg7[%parallel_loop3A_229, %parallel_loop3A_230], %parallel_loop3A_233 {add = true, strides = array<i32>} : memref<8x768xf32, #tpu.memory_space<vmem>>, vector<1x16xf32>,
      %parallel_loop3A_234 = arith.index_cast %parallel_loop3A_215 : i32 to index
      %parallel_loop3A_235 = arith.constant 32 : index
      %parallel_loop3A_236 = tpu.vector_load %arg5[%parallel_loop3A_234, %parallel_loop3A_235] {strides = array<i32>} : memref<8x768xf32, #tpu.memory_space<vmem>>, vector<1x16xf32>,
      %parallel_loop3A_237 = vector.shape_cast %parallel_loop3A_236 : vector<1x16xf32> to vector<16xf32>
      %parallel_loop3A_238 = arith.index_cast %parallel_loop3A_215 : i32 to index
      %parallel_loop3A_239 = arith.constant 32 : index
      %parallel_loop3A_240 = tpu.vector_load %arg7[%parallel_loop3A_238, %parallel_loop3A_239] {strides = array<i32>} : memref<8x768xf32, #tpu.memory_space<vmem>>, vector<1x16xf32>,
      %parallel_loop3A_241 = vector.shape_cast %parallel_loop3A_240 : vector<1x16xf32> to vector<16xf32>
      %parallel_loop3A_242 = vector.shape_cast %parallel_loop3A_237 : vector<16xf32> to vector<1x16xf32>
      tpu.vector_store %arg7[%parallel_loop3A_238, %parallel_loop3A_239], %parallel_loop3A_242 {add = true, strides = array<i32>} : memref<8x768xf32, #tpu.memory_space<vmem>>, vector<1x16xf32>,
      %parallel_loop3A_243 = arith.index_cast %parallel_loop3A_215 : i32 to index
      %parallel_loop3A_244 = arith.constant 48 : index
      %parallel_loop3A_245 = tpu.vector_load %arg5[%parallel_loop3A_243, %parallel_loop3A_244] {strides = array<i32>} : memref<8x768xf32, #tpu.memory_space<vmem>>, vector<1x16xf32>,
      %parallel_loop3A_246 = vector.shape_cast %parallel_loop3A_245 : vector<1x16xf32> to vector<16xf32>
      %parallel_loop3A_247 = arith.index_cast %parallel_loop3A_215 : i32 to index
      %parallel_loop3A_248 = arith.constant 48 : index
      %parallel_loop3A_249 = tpu.vector_load %arg7[%parallel_loop3A_247, %parallel_loop3A_248] {strides = array<i32>} : memref<8x768xf32, #tpu.memory_space<vmem>>, vector<1x16xf32>,
      %parallel_loop3A_250 = vector.shape_cast %parallel_loop3A_249 : vector<1x16xf32> to vector<16xf32>
      %parallel_loop3A_251 = vector.shape_cast %parallel_loop3A_246 : vector<16xf32> to vector<1x16xf32>
      tpu.vector_store %arg7[%parallel_loop3A_247, %parallel_loop3A_248], %parallel_loop3A_251 {add = true, strides = array<i32>} : memref<8x768xf32, #tpu.memory_space<vmem>>, vector<1x16xf32>,
      %parallel_loop3A_252 = arith.index_cast %parallel_loop3A_215 : i32 to index
      %parallel_loop3A_253 = arith.constant 64 : index
      %parallel_loop3A_254 = tpu.vector_load %arg5[%parallel_loop3A_252, %parallel_loop3A_253] {strides = array<i32>} : memref<8x768xf32, #tpu.memory_space<vmem>>, vector<1x16xf32>,
      %parallel_loop3A_255 = vector.shape_cast %parallel_loop3A_254 : vector<1x16xf32> to vector<16xf32>
      %parallel_loop3A_256 = arith.index_cast %parallel_loop3A_215 : i32 to index
      %parallel_loop3A_257 = arith.constant 64 : index
      %parallel_loop3A_258 = tpu.vector_load %arg7[%parallel_loop3A_256, %parallel_loop3A_257] {strides = array<i32>} : memref<8x768xf32, #tpu.memory_space<vmem>>, vector<1x16xf32>,
      %parallel_loop3A_259 = vector.shape_cast %parallel_loop3A_258 : vector<1x16xf32> to vector<16xf32>
      %parallel_loop3A_260 = vector.shape_cast %parallel_loop3A_255 : vector<16xf32> to vector<1x16xf32>
      tpu.vector_store %arg7[%parallel_loop3A_256, %parallel_loop3A_257], %parallel_loop3A_260 {add = true, strides = array<i32>} : memref<8x768xf32, #tpu.memory_space<vmem>>, vector<1x16xf32>,
      %parallel_loop3A_261 = arith.index_cast %parallel_loop3A_215 : i32 to index
      %parallel_loop3A_262 = arith.constant 80 : index
      %parallel_loop3A_263 = tpu.vector_load %arg5[%parallel_loop3A_261, %parallel_loop3A_262] {strides = array<i32>} : memref<8x768xf32, #tpu.memory_space<vmem>>, vector<1x16xf32>,
      %parallel_loop3A_264 = vector.shape_cast %parallel_loop3A_263 : vector<1x16xf32> to vector<16xf32>
      %parallel_loop3A_265 = arith.index_cast %parallel_loop3A_215 : i32 to index
      %parallel_loop3A_266 = arith.constant 80 : index
      %parallel_loop3A_267 = tpu.vector_load %arg7[%parallel_loop3A_265, %parallel_loop3A_266] {strides = array<i32>} : memref<8x768xf32, #tpu.memory_space<vmem>>, vector<1x16xf32>,
      %parallel_loop3A_268 = vector.shape_cast %parallel_loop3A_267 : vector<1x16xf32> to vector<16xf32>
      %parallel_loop3A_269 = vector.shape_cast %parallel_loop3A_264 : vector<16xf32> to vector<1x16xf32>
      tpu.vector_store %arg7[%parallel_loop3A_265, %parallel_loop3A_266], %parallel_loop3A_269 {add = true, strides = array<i32>} : memref<8x768xf32, #tpu.memory_space<vmem>>, vector<1x16xf32>,
      %parallel_loop3A_270 = arith.index_cast %parallel_loop3A_215 : i32 to index
      %parallel_loop3A_271 = arith.constant 96 : index
      %parallel_loop3A_272 = tpu.vector_load %arg5[%parallel_loop3A_270, %parallel_loop3A_271] {strides = array<i32>} : memref<8x768xf32, #tpu.memory_space<vmem>>, vector<1x16xf32>,
      %parallel_loop3A_273 = vector.shape_cast %parallel_loop3A_272 : vector<1x16xf32> to vector<16xf32>
      %parallel_loop3A_274 = arith.index_cast %parallel_loop3A_215 : i32 to index
      %parallel_loop3A_275 = arith.constant 96 : index
      %parallel_loop3A_276 = tpu.vector_load %arg7[%parallel_loop3A_274, %parallel_loop3A_275] {strides = array<i32>} : memref<8x768xf32, #tpu.memory_space<vmem>>, vector<1x16xf32>,
      %parallel_loop3A_277 = vector.shape_cast %parallel_loop3A_276 : vector<1x16xf32> to vector<16xf32>
      %parallel_loop3A_278 = vector.shape_cast %parallel_loop3A_273 : vector<16xf32> to vector<1x16xf32>
      tpu.vector_store %arg7[%parallel_loop3A_274, %parallel_loop3A_275], %parallel_loop3A_278 {add = true, strides = array<i32>} : memref<8x768xf32, #tpu.memory_space<vmem>>, vector<1x16xf32>,
      %parallel_loop3A_279 = arith.index_cast %parallel_loop3A_215 : i32 to index
      %parallel_loop3A_280 = arith.constant 112 : index
      %parallel_loop3A_281 = tpu.vector_load %arg5[%parallel_loop3A_279, %parallel_loop3A_280] {strides = array<i32>} : memref<8x768xf32, #tpu.memory_space<vmem>>, vector<1x16xf32>,
      %parallel_loop3A_282 = vector.shape_cast %parallel_loop3A_281 : vector<1x16xf32> to vector<16xf32>
      %parallel_loop3A_283 = arith.index_cast %parallel_loop3A_215 : i32 to index
      %parallel_loop3A_284 = arith.constant 112 : index
      %parallel_loop3A_285 = tpu.vector_load %arg7[%parallel_loop3A_283, %parallel_loop3A_284] {strides = array<i32>} : memref<8x768xf32, #tpu.memory_space<vmem>>, vector<1x16xf32>,
      %parallel_loop3A_286 = vector.shape_cast %parallel_loop3A_285 : vector<1x16xf32> to vector<16xf32>
      %parallel_loop3A_287 = vector.shape_cast %parallel_loop3A_282 : vector<16xf32> to vector<1x16xf32>
      tpu.vector_store %arg7[%parallel_loop3A_283, %parallel_loop3A_284], %parallel_loop3A_287 {add = true, strides = array<i32>} : memref<8x768xf32, #tpu.memory_space<vmem>>, vector<1x16xf32>,
      %parallel_loop3A_288 = arith.index_cast %parallel_loop3A_215 : i32 to index
      %parallel_loop3A_289 = arith.constant 128 : index
      %parallel_loop3A_290 = tpu.vector_load %arg5[%parallel_loop3A_288, %parallel_loop3A_289] {strides = array<i32>} : memref<8x768xf32, #tpu.memory_space<vmem>>, vector<1x16xf32>,
      %parallel_loop3A_291 = vector.shape_cast %parallel_loop3A_290 : vector<1x16xf32> to vector<16xf32>
      %parallel_loop3A_292 = arith.index_cast %parallel_loop3A_215 : i32 to index
      %parallel_loop3A_293 = arith.constant 128 : index
      %parallel_loop3A_294 = tpu.vector_load %arg7[%parallel_loop3A_292, %parallel_loop3A_293] {strides = array<i32>} : memref<8x768xf32, #tpu.memory_space<vmem>>, vector<1x16xf32>,
      %parallel_loop3A_295 = vector.shape_cast %parallel_loop3A_294 : vector<1x16xf32> to vector<16xf32>
      %parallel_loop3A_296 = vector.shape_cast %parallel_loop3A_291 : vector<16xf32> to vector<1x16xf32>
      tpu.vector_store %arg7[%parallel_loop3A_292, %parallel_loop3A_293], %parallel_loop3A_296 {add = true, strides = array<i32>} : memref<8x768xf32, #tpu.memory_space<vmem>>, vector<1x16xf32>,
      %parallel_loop3A_297 = arith.index_cast %parallel_loop3A_215 : i32 to index
      %parallel_loop3A_298 = arith.constant 144 : index
      %parallel_loop3A_299 = tpu.vector_load %arg5[%parallel_loop3A_297, %parallel_loop3A_298] {strides = array<i32>} : memref<8x768xf32, #tpu.memory_space<vmem>>, vector<1x16xf32>,
      %parallel_loop3A_300 = vector.shape_cast %parallel_loop3A_299 : vector<1x16xf32> to vector<16xf32>
      %parallel_loop3A_301 = arith.index_cast %parallel_loop3A_215 : i32 to index
      %parallel_loop3A_302 = arith.constant 144 : index
      %parallel_loop3A_303 = tpu.vector_load %arg7[%parallel_loop3A_301, %parallel_loop3A_302] {strides = array<i32>} : memref<8x768xf32, #tpu.memory_space<vmem>>, vector<1x16xf32>,
      %parallel_loop3A_304 = vector.shape_cast %parallel_loop3A_303 : vector<1x16xf32> to vector<16xf32>
      %parallel_loop3A_305 = vector.shape_cast %parallel_loop3A_300 : vector<16xf32> to vector<1x16xf32>
      tpu.vector_store %arg7[%parallel_loop3A_301, %parallel_loop3A_302], %parallel_loop3A_305 {add = true, strides = array<i32>} : memref<8x768xf32, #tpu.memory_space<vmem>>, vector<1x16xf32>,
      %parallel_loop3A_306 = arith.index_cast %parallel_loop3A_215 : i32 to index
      %parallel_loop3A_307 = arith.constant 160 : index
      %parallel_loop3A_308 = tpu.vector_load %arg5[%parallel_loop3A_306, %parallel_loop3A_307] {strides = array<i32>} : memref<8x768xf32, #tpu.memory_space<vmem>>, vector<1x16xf32>,
      %parallel_loop3A_309 = vector.shape_cast %parallel_loop3A_308 : vector<1x16xf32> to vector<16xf32>
      %parallel_loop3A_310 = arith.index_cast %parallel_loop3A_215 : i32 to index
      %parallel_loop3A_311 = arith.constant 160 : index
      %parallel_loop3A_312 = tpu.vector_load %arg7[%parallel_loop3A_310, %parallel_loop3A_311] {strides = array<i32>} : memref<8x768xf32, #tpu.memory_space<vmem>>, vector<1x16xf32>,
      %parallel_loop3A_313 = vector.shape_cast %parallel_loop3A_312 : vector<1x16xf32> to vector<16xf32>
      %parallel_loop3A_314 = vector.shape_cast %parallel_loop3A_309 : vector<16xf32> to vector<1x16xf32>
      tpu.vector_store %arg7[%parallel_loop3A_310, %parallel_loop3A_311], %parallel_loop3A_314 {add = true, strides = array<i32>} : memref<8x768xf32, #tpu.memory_space<vmem>>, vector<1x16xf32>,
      %parallel_loop3A_315 = arith.index_cast %parallel_loop3A_215 : i32 to index
      %parallel_loop3A_316 = arith.constant 176 : index
      %parallel_loop3A_317 = tpu.vector_load %arg5[%parallel_loop3A_315, %parallel_loop3A_316] {strides = array<i32>} : memref<8x768xf32, #tpu.memory_space<vmem>>, vector<1x16xf32>,
      %parallel_loop3A_318 = vector.shape_cast %parallel_loop3A_317 : vector<1x16xf32> to vector<16xf32>
      %parallel_loop3A_319 = arith.index_cast %parallel_loop3A_215 : i32 to index
      %parallel_loop3A_320 = arith.constant 176 : index
      %parallel_loop3A_321 = tpu.vector_load %arg7[%parallel_loop3A_319, %parallel_loop3A_320] {strides = array<i32>} : memref<8x768xf32, #tpu.memory_space<vmem>>, vector<1x16xf32>,
      %parallel_loop3A_322 = vector.shape_cast %parallel_loop3A_321 : vector<1x16xf32> to vector<16xf32>
      %parallel_loop3A_323 = vector.shape_cast %parallel_loop3A_318 : vector<16xf32> to vector<1x16xf32>
      tpu.vector_store %arg7[%parallel_loop3A_319, %parallel_loop3A_320], %parallel_loop3A_323 {add = true, strides = array<i32>} : memref<8x768xf32, #tpu.memory_space<vmem>>, vector<1x16xf32>,
      %parallel_loop3A_324 = arith.index_cast %parallel_loop3A_215 : i32 to index
      %parallel_loop3A_325 = arith.constant 192 : index
      %parallel_loop3A_326 = tpu.vector_load %arg5[%parallel_loop3A_324, %parallel_loop3A_325] {strides = array<i32>} : memref<8x768xf32, #tpu.memory_space<vmem>>, vector<1x16xf32>,
      %parallel_loop3A_327 = vector.shape_cast %parallel_loop3A_326 : vector<1x16xf32> to vector<16xf32>
      %parallel_loop3A_328 = arith.index_cast %parallel_loop3A_215 : i32 to index
      %parallel_loop3A_329 = arith.constant 192 : index
      %parallel_loop3A_330 = tpu.vector_load %arg7[%parallel_loop3A_328, %parallel_loop3A_329] {strides = array<i32>} : memref<8x768xf32, #tpu.memory_space<vmem>>, vector<1x16xf32>,
      %parallel_loop3A_331 = vector.shape_cast %parallel_loop3A_330 : vector<1x16xf32> to vector<16xf32>
      %parallel_loop3A_332 = vector.shape_cast %parallel_loop3A_327 : vector<16xf32> to vector<1x16xf32>
      tpu.vector_store %arg7[%parallel_loop3A_328, %parallel_loop3A_329], %parallel_loop3A_332 {add = true, strides = array<i32>} : memref<8x768xf32, #tpu.memory_space<vmem>>, vector<1x16xf32>,
      %parallel_loop3A_333 = arith.index_cast %parallel_loop3A_215 : i32 to index
      %parallel_loop3A_334 = arith.constant 208 : index
      %parallel_loop3A_335 = tpu.vector_load %arg5[%parallel_loop3A_333, %parallel_loop3A_334] {strides = array<i32>} : memref<8x768xf32, #tpu.memory_space<vmem>>, vector<1x16xf32>,
      %parallel_loop3A_336 = vector.shape_cast %parallel_loop3A_335 : vector<1x16xf32> to vector<16xf32>
      %parallel_loop3A_337 = arith.index_cast %parallel_loop3A_215 : i32 to index
      %parallel_loop3A_338 = arith.constant 208 : index
      %parallel_loop3A_339 = tpu.vector_load %arg7[%parallel_loop3A_337, %parallel_loop3A_338] {strides = array<i32>} : memref<8x768xf32, #tpu.memory_space<vmem>>, vector<1x16xf32>,
      %parallel_loop3A_340 = vector.shape_cast %parallel_loop3A_339 : vector<1x16xf32> to vector<16xf32>
      %parallel_loop3A_341 = vector.shape_cast %parallel_loop3A_336 : vector<16xf32> to vector<1x16xf32>
      tpu.vector_store %arg7[%parallel_loop3A_337, %parallel_loop3A_338], %parallel_loop3A_341 {add = true, strides = array<i32>} : memref<8x768xf32, #tpu.memory_space<vmem>>, vector<1x16xf32>,
      %parallel_loop3A_342 = arith.index_cast %parallel_loop3A_215 : i32 to index
      %parallel_loop3A_343 = arith.constant 224 : index
      %parallel_loop3A_344 = tpu.vector_load %arg5[%parallel_loop3A_342, %parallel_loop3A_343] {strides = array<i32>} : memref<8x768xf32, #tpu.memory_space<vmem>>, vector<1x16xf32>,
      %parallel_loop3A_345 = vector.shape_cast %parallel_loop3A_344 : vector<1x16xf32> to vector<16xf32>
      %parallel_loop3A_346 = arith.index_cast %parallel_loop3A_215 : i32 to index
      %parallel_loop3A_347 = arith.constant 224 : index
      %parallel_loop3A_348 = tpu.vector_load %arg7[%parallel_loop3A_346, %parallel_loop3A_347] {strides = array<i32>} : memref<8x768xf32, #tpu.memory_space<vmem>>, vector<1x16xf32>,
      %parallel_loop3A_349 = vector.shape_cast %parallel_loop3A_348 : vector<1x16xf32> to vector<16xf32>
      %parallel_loop3A_350 = vector.shape_cast %parallel_loop3A_345 : vector<16xf32> to vector<1x16xf32>
      tpu.vector_store %arg7[%parallel_loop3A_346, %parallel_loop3A_347], %parallel_loop3A_350 {add = true, strides = array<i32>} : memref<8x768xf32, #tpu.memory_space<vmem>>, vector<1x16xf32>,
      %parallel_loop3A_351 = arith.index_cast %parallel_loop3A_215 : i32 to index
      %parallel_loop3A_352 = arith.constant 240 : index
      %parallel_loop3A_353 = tpu.vector_load %arg5[%parallel_loop3A_351, %parallel_loop3A_352] {strides = array<i32>} : memref<8x768xf32, #tpu.memory_space<vmem>>, vector<1x16xf32>,
      %parallel_loop3A_354 = vector.shape_cast %parallel_loop3A_353 : vector<1x16xf32> to vector<16xf32>
      %parallel_loop3A_355 = arith.index_cast %parallel_loop3A_215 : i32 to index
      %parallel_loop3A_356 = arith.constant 240 : index
      %parallel_loop3A_357 = tpu.vector_load %arg7[%parallel_loop3A_355, %parallel_loop3A_356] {strides = array<i32>} : memref<8x768xf32, #tpu.memory_space<vmem>>, vector<1x16xf32>,
      %parallel_loop3A_358 = vector.shape_cast %parallel_loop3A_357 : vector<1x16xf32> to vector<16xf32>
      %parallel_loop3A_359 = vector.shape_cast %parallel_loop3A_354 : vector<16xf32> to vector<1x16xf32>
      tpu.vector_store %arg7[%parallel_loop3A_355, %parallel_loop3A_356], %parallel_loop3A_359 {add = true, strides = array<i32>} : memref<8x768xf32, #tpu.memory_space<vmem>>, vector<1x16xf32>,
      %parallel_loop3A_360 = arith.index_cast %parallel_loop3A_215 : i32 to index
      %parallel_loop3A_361 = arith.constant 256 : index
      %parallel_loop3A_362 = tpu.vector_load %arg5[%parallel_loop3A_360, %parallel_loop3A_361] {strides = array<i32>} : memref<8x768xf32, #tpu.memory_space<vmem>>, vector<1x16xf32>,
      %parallel_loop3A_363 = vector.shape_cast %parallel_loop3A_362 : vector<1x16xf32> to vector<16xf32>
      %parallel_loop3A_364 = arith.index_cast %parallel_loop3A_215 : i32 to index
      %parallel_loop3A_365 = arith.constant 256 : index
      %parallel_loop3A_366 = tpu.vector_load %arg7[%parallel_loop3A_364, %parallel_loop3A_365] {strides = array<i32>} : memref<8x768xf32, #tpu.memory_space<vmem>>, vector<1x16xf32>,
      %parallel_loop3A_367 = vector.shape_cast %parallel_loop3A_366 : vector<1x16xf32> to vector<16xf32>
      %parallel_loop3A_368 = vector.shape_cast %parallel_loop3A_363 : vector<16xf32> to vector<1x16xf32>
      tpu.vector_store %arg7[%parallel_loop3A_364, %parallel_loop3A_365], %parallel_loop3A_368 {add = true, strides = array<i32>} : memref<8x768xf32, #tpu.memory_space<vmem>>, vector<1x16xf32>,
      %parallel_loop3A_369 = arith.index_cast %parallel_loop3A_215 : i32 to index
      %parallel_loop3A_370 = arith.constant 272 : index
      %parallel_loop3A_371 = tpu.vector_load %arg5[%parallel_loop3A_369, %parallel_loop3A_370] {strides = array<i32>} : memref<8x768xf32, #tpu.memory_space<vmem>>, vector<1x16xf32>,
      %parallel_loop3A_372 = vector.shape_cast %parallel_loop3A_371 : vector<1x16xf32> to vector<16xf32>
      %parallel_loop3A_373 = arith.index_cast %parallel_loop3A_215 : i32 to index
      %parallel_loop3A_374 = arith.constant 272 : index
      %parallel_loop3A_375 = tpu.vector_load %arg7[%parallel_loop3A_373, %parallel_loop3A_374] {strides = array<i32>} : memref<8x768xf32, #tpu.memory_space<vmem>>, vector<1x16xf32>,
      %parallel_loop3A_376 = vector.shape_cast %parallel_loop3A_375 : vector<1x16xf32> to vector<16xf32>
      %parallel_loop3A_377 = vector.shape_cast %parallel_loop3A_372 : vector<16xf32> to vector<1x16xf32>
      tpu.vector_store %arg7[%parallel_loop3A_373, %parallel_loop3A_374], %parallel_loop3A_377 {add = true, strides = array<i32>} : memref<8x768xf32, #tpu.memory_space<vmem>>, vector<1x16xf32>,
      %parallel_loop3A_378 = arith.index_cast %parallel_loop3A_215 : i32 to index
      %parallel_loop3A_379 = arith.constant 288 : index
      %parallel_loop3A_380 = tpu.vector_load %arg5[%parallel_loop3A_378, %parallel_loop3A_379] {strides = array<i32>} : memref<8x768xf32, #tpu.memory_space<vmem>>, vector<1x16xf32>,
      %parallel_loop3A_381 = vector.shape_cast %parallel_loop3A_380 : vector<1x16xf32> to vector<16xf32>
      %parallel_loop3A_382 = arith.index_cast %parallel_loop3A_215 : i32 to index
      %parallel_loop3A_383 = arith.constant 288 : index
      %parallel_loop3A_384 = tpu.vector_load %arg7[%parallel_loop3A_382, %parallel_loop3A_383] {strides = array<i32>} : memref<8x768xf32, #tpu.memory_space<vmem>>, vector<1x16xf32>,
      %parallel_loop3A_385 = vector.shape_cast %parallel_loop3A_384 : vector<1x16xf32> to vector<16xf32>
      %parallel_loop3A_386 = vector.shape_cast %parallel_loop3A_381 : vector<16xf32> to vector<1x16xf32>
      tpu.vector_store %arg7[%parallel_loop3A_382, %parallel_loop3A_383], %parallel_loop3A_386 {add = true, strides = array<i32>} : memref<8x768xf32, #tpu.memory_space<vmem>>, vector<1x16xf32>,
      %parallel_loop3A_387 = arith.index_cast %parallel_loop3A_215 : i32 to index
      %parallel_loop3A_388 = arith.constant 304 : index
      %parallel_loop3A_389 = tpu.vector_load %arg5[%parallel_loop3A_387, %parallel_loop3A_388] {strides = array<i32>} : memref<8x768xf32, #tpu.memory_space<vmem>>, vector<1x16xf32>,
      %parallel_loop3A_390 = vector.shape_cast %parallel_loop3A_389 : vector<1x16xf32> to vector<16xf32>
      %parallel_loop3A_391 = arith.index_cast %parallel_loop3A_215 : i32 to index
      %parallel_loop3A_392 = arith.constant 304 : index
      %parallel_loop3A_393 = tpu.vector_load %arg7[%parallel_loop3A_391, %parallel_loop3A_392] {strides = array<i32>} : memref<8x768xf32, #tpu.memory_space<vmem>>, vector<1x16xf32>,
      %parallel_loop3A_394 = vector.shape_cast %parallel_loop3A_393 : vector<1x16xf32> to vector<16xf32>
      %parallel_loop3A_395 = vector.shape_cast %parallel_loop3A_390 : vector<16xf32> to vector<1x16xf32>
      tpu.vector_store %arg7[%parallel_loop3A_391, %parallel_loop3A_392], %parallel_loop3A_395 {add = true, strides = array<i32>} : memref<8x768xf32, #tpu.memory_space<vmem>>, vector<1x16xf32>,
      %parallel_loop3A_396 = arith.index_cast %parallel_loop3A_215 : i32 to index
      %parallel_loop3A_397 = arith.constant 320 : index
      %parallel_loop3A_398 = tpu.vector_load %arg5[%parallel_loop3A_396, %parallel_loop3A_397] {strides = array<i32>} : memref<8x768xf32, #tpu.memory_space<vmem>>, vector<1x16xf32>,
      %parallel_loop3A_399 = vector.shape_cast %parallel_loop3A_398 : vector<1x16xf32> to vector<16xf32>
      %parallel_loop3A_400 = arith.index_cast %parallel_loop3A_215 : i32 to index
      %parallel_loop3A_401 = arith.constant 320 : index
      %parallel_loop3A_402 = tpu.vector_load %arg7[%parallel_loop3A_400, %parallel_loop3A_401] {strides = array<i32>} : memref<8x768xf32, #tpu.memory_space<vmem>>, vector<1x16xf32>,
      %parallel_loop3A_403 = vector.shape_cast %parallel_loop3A_402 : vector<1x16xf32> to vector<16xf32>
      %parallel_loop3A_404 = vector.shape_cast %parallel_loop3A_399 : vector<16xf32> to vector<1x16xf32>
      tpu.vector_store %arg7[%parallel_loop3A_400, %parallel_loop3A_401], %parallel_loop3A_404 {add = true, strides = array<i32>} : memref<8x768xf32, #tpu.memory_space<vmem>>, vector<1x16xf32>,
      %parallel_loop3A_405 = arith.index_cast %parallel_loop3A_215 : i32 to index
      %parallel_loop3A_406 = arith.constant 336 : index
      %parallel_loop3A_407 = tpu.vector_load %arg5[%parallel_loop3A_405, %parallel_loop3A_406] {strides = array<i32>} : memref<8x768xf32, #tpu.memory_space<vmem>>, vector<1x16xf32>,
      %parallel_loop3A_408 = vector.shape_cast %parallel_loop3A_407 : vector<1x16xf32> to vector<16xf32>
      %parallel_loop3A_409 = arith.index_cast %parallel_loop3A_215 : i32 to index
      %parallel_loop3A_410 = arith.constant 336 : index
      %parallel_loop3A_411 = tpu.vector_load %arg7[%parallel_loop3A_409, %parallel_loop3A_410] {strides = array<i32>} : memref<8x768xf32, #tpu.memory_space<vmem>>, vector<1x16xf32>,
      %parallel_loop3A_412 = vector.shape_cast %parallel_loop3A_411 : vector<1x16xf32> to vector<16xf32>
      %parallel_loop3A_413 = vector.shape_cast %parallel_loop3A_408 : vector<16xf32> to vector<1x16xf32>
      tpu.vector_store %arg7[%parallel_loop3A_409, %parallel_loop3A_410], %parallel_loop3A_413 {add = true, strides = array<i32>} : memref<8x768xf32, #tpu.memory_space<vmem>>, vector<1x16xf32>,
      %parallel_loop3A_414 = arith.index_cast %parallel_loop3A_215 : i32 to index
      %parallel_loop3A_415 = arith.constant 352 : index
      %parallel_loop3A_416 = tpu.vector_load %arg5[%parallel_loop3A_414, %parallel_loop3A_415] {strides = array<i32>} : memref<8x768xf32, #tpu.memory_space<vmem>>, vector<1x16xf32>,
      %parallel_loop3A_417 = vector.shape_cast %parallel_loop3A_416 : vector<1x16xf32> to vector<16xf32>
      %parallel_loop3A_418 = arith.index_cast %parallel_loop3A_215 : i32 to index
      %parallel_loop3A_419 = arith.constant 352 : index
      %parallel_loop3A_420 = tpu.vector_load %arg7[%parallel_loop3A_418, %parallel_loop3A_419] {strides = array<i32>} : memref<8x768xf32, #tpu.memory_space<vmem>>, vector<1x16xf32>,
      %parallel_loop3A_421 = vector.shape_cast %parallel_loop3A_420 : vector<1x16xf32> to vector<16xf32>
      %parallel_loop3A_422 = vector.shape_cast %parallel_loop3A_417 : vector<16xf32> to vector<1x16xf32>
      tpu.vector_store %arg7[%parallel_loop3A_418, %parallel_loop3A_419], %parallel_loop3A_422 {add = true, strides = array<i32>} : memref<8x768xf32, #tpu.memory_space<vmem>>, vector<1x16xf32>,
      %parallel_loop3A_423 = arith.index_cast %parallel_loop3A_215 : i32 to index
      %parallel_loop3A_424 = arith.constant 368 : index
      %parallel_loop3A_425 = tpu.vector_load %arg5[%parallel_loop3A_423, %parallel_loop3A_424] {strides = array<i32>} : memref<8x768xf32, #tpu.memory_space<vmem>>, vector<1x16xf32>,
      %parallel_loop3A_426 = vector.shape_cast %parallel_loop3A_425 : vector<1x16xf32> to vector<16xf32>
      %parallel_loop3A_427 = arith.index_cast %parallel_loop3A_215 : i32 to index
      %parallel_loop3A_428 = arith.constant 368 : index
      %parallel_loop3A_429 = tpu.vector_load %arg7[%parallel_loop3A_427, %parallel_loop3A_428] {strides = array<i32>} : memref<8x768xf32, #tpu.memory_space<vmem>>, vector<1x16xf32>,
      %parallel_loop3A_430 = vector.shape_cast %parallel_loop3A_429 : vector<1x16xf32> to vector<16xf32>
      %parallel_loop3A_431 = vector.shape_cast %parallel_loop3A_426 : vector<16xf32> to vector<1x16xf32>
      tpu.vector_store %arg7[%parallel_loop3A_427, %parallel_loop3A_428], %parallel_loop3A_431 {add = true, strides = array<i32>} : memref<8x768xf32, #tpu.memory_space<vmem>>, vector<1x16xf32>,
      %parallel_loop3A_432 = arith.index_cast %parallel_loop3A_215 : i32 to index
      %parallel_loop3A_433 = arith.constant 384 : index
      %parallel_loop3A_434 = tpu.vector_load %arg5[%parallel_loop3A_432, %parallel_loop3A_433] {strides = array<i32>} : memref<8x768xf32, #tpu.memory_space<vmem>>, vector<1x16xf32>,
      %parallel_loop3A_435 = vector.shape_cast %parallel_loop3A_434 : vector<1x16xf32> to vector<16xf32>
      %parallel_loop3A_436 = arith.index_cast %parallel_loop3A_215 : i32 to index
      %parallel_loop3A_437 = arith.constant 384 : index
      %parallel_loop3A_438 = tpu.vector_load %arg7[%parallel_loop3A_436, %parallel_loop3A_437] {strides = array<i32>} : memref<8x768xf32, #tpu.memory_space<vmem>>, vector<1x16xf32>,
      %parallel_loop3A_439 = vector.shape_cast %parallel_loop3A_438 : vector<1x16xf32> to vector<16xf32>
      %parallel_loop3A_440 = vector.shape_cast %parallel_loop3A_435 : vector<16xf32> to vector<1x16xf32>
      tpu.vector_store %arg7[%parallel_loop3A_436, %parallel_loop3A_437], %parallel_loop3A_440 {add = true, strides = array<i32>} : memref<8x768xf32, #tpu.memory_space<vmem>>, vector<1x16xf32>,
      %parallel_loop3A_441 = arith.index_cast %parallel_loop3A_215 : i32 to index
      %parallel_loop3A_442 = arith.constant 400 : index
      %parallel_loop3A_443 = tpu.vector_load %arg5[%parallel_loop3A_441, %parallel_loop3A_442] {strides = array<i32>} : memref<8x768xf32, #tpu.memory_space<vmem>>, vector<1x16xf32>,
      %parallel_loop3A_444 = vector.shape_cast %parallel_loop3A_443 : vector<1x16xf32> to vector<16xf32>
      %parallel_loop3A_445 = arith.index_cast %parallel_loop3A_215 : i32 to index
      %parallel_loop3A_446 = arith.constant 400 : index
      %parallel_loop3A_447 = tpu.vector_load %arg7[%parallel_loop3A_445, %parallel_loop3A_446] {strides = array<i32>} : memref<8x768xf32, #tpu.memory_space<vmem>>, vector<1x16xf32>,
      %parallel_loop3A_448 = vector.shape_cast %parallel_loop3A_447 : vector<1x16xf32> to vector<16xf32>
      %parallel_loop3A_449 = vector.shape_cast %parallel_loop3A_444 : vector<16xf32> to vector<1x16xf32>
      tpu.vector_store %arg7[%parallel_loop3A_445, %parallel_loop3A_446], %parallel_loop3A_449 {add = true, strides = array<i32>} : memref<8x768xf32, #tpu.memory_space<vmem>>, vector<1x16xf32>,
      %parallel_loop3A_450 = arith.index_cast %parallel_loop3A_215 : i32 to index
      %parallel_loop3A_451 = arith.constant 416 : index
      %parallel_loop3A_452 = tpu.vector_load %arg5[%parallel_loop3A_450, %parallel_loop3A_451] {strides = array<i32>} : memref<8x768xf32, #tpu.memory_space<vmem>>, vector<1x16xf32>,
      %parallel_loop3A_453 = vector.shape_cast %parallel_loop3A_452 : vector<1x16xf32> to vector<16xf32>
      %parallel_loop3A_454 = arith.index_cast %parallel_loop3A_215 : i32 to index
      %parallel_loop3A_455 = arith.constant 416 : index
      %parallel_loop3A_456 = tpu.vector_load %arg7[%parallel_loop3A_454, %parallel_loop3A_455] {strides = array<i32>} : memref<8x768xf32, #tpu.memory_space<vmem>>, vector<1x16xf32>,
      %parallel_loop3A_457 = vector.shape_cast %parallel_loop3A_456 : vector<1x16xf32> to vector<16xf32>
      %parallel_loop3A_458 = vector.shape_cast %parallel_loop3A_453 : vector<16xf32> to vector<1x16xf32>
      tpu.vector_store %arg7[%parallel_loop3A_454, %parallel_loop3A_455], %parallel_loop3A_458 {add = true, strides = array<i32>} : memref<8x768xf32, #tpu.memory_space<vmem>>, vector<1x16xf32>,
      %parallel_loop3A_459 = arith.index_cast %parallel_loop3A_215 : i32 to index
      %parallel_loop3A_460 = arith.constant 432 : index
      %parallel_loop3A_461 = tpu.vector_load %arg5[%parallel_loop3A_459, %parallel_loop3A_460] {strides = array<i32>} : memref<8x768xf32, #tpu.memory_space<vmem>>, vector<1x16xf32>,
      %parallel_loop3A_462 = vector.shape_cast %parallel_loop3A_461 : vector<1x16xf32> to vector<16xf32>
      %parallel_loop3A_463 = arith.index_cast %parallel_loop3A_215 : i32 to index
      %parallel_loop3A_464 = arith.constant 432 : index
      %parallel_loop3A_465 = tpu.vector_load %arg7[%parallel_loop3A_463, %parallel_loop3A_464] {strides = array<i32>} : memref<8x768xf32, #tpu.memory_space<vmem>>, vector<1x16xf32>,
      %parallel_loop3A_466 = vector.shape_cast %parallel_loop3A_465 : vector<1x16xf32> to vector<16xf32>
      %parallel_loop3A_467 = vector.shape_cast %parallel_loop3A_462 : vector<16xf32> to vector<1x16xf32>
      tpu.vector_store %arg7[%parallel_loop3A_463, %parallel_loop3A_464], %parallel_loop3A_467 {add = true, strides = array<i32>} : memref<8x768xf32, #tpu.memory_space<vmem>>, vector<1x16xf32>,
      %parallel_loop3A_468 = arith.index_cast %parallel_loop3A_215 : i32 to index
      %parallel_loop3A_469 = arith.constant 448 : index
      %parallel_loop3A_470 = tpu.vector_load %arg5[%parallel_loop3A_468, %parallel_loop3A_469] {strides = array<i32>} : memref<8x768xf32, #tpu.memory_space<vmem>>, vector<1x16xf32>,
      %parallel_loop3A_471 = vector.shape_cast %parallel_loop3A_470 : vector<1x16xf32> to vector<16xf32>
      %parallel_loop3A_472 = arith.index_cast %parallel_loop3A_215 : i32 to index
      %parallel_loop3A_473 = arith.constant 448 : index
      %parallel_loop3A_474 = tpu.vector_load %arg7[%parallel_loop3A_472, %parallel_loop3A_473] {strides = array<i32>} : memref<8x768xf32, #tpu.memory_space<vmem>>, vector<1x16xf32>,
      %parallel_loop3A_475 = vector.shape_cast %parallel_loop3A_474 : vector<1x16xf32> to vector<16xf32>
      %parallel_loop3A_476 = vector.shape_cast %parallel_loop3A_471 : vector<16xf32> to vector<1x16xf32>
      tpu.vector_store %arg7[%parallel_loop3A_472, %parallel_loop3A_473], %parallel_loop3A_476 {add = true, strides = array<i32>} : memref<8x768xf32, #tpu.memory_space<vmem>>, vector<1x16xf32>,
      %parallel_loop3A_477 = arith.index_cast %parallel_loop3A_215 : i32 to index
      %parallel_loop3A_478 = arith.constant 464 : index
      %parallel_loop3A_479 = tpu.vector_load %arg5[%parallel_loop3A_477, %parallel_loop3A_478] {strides = array<i32>} : memref<8x768xf32, #tpu.memory_space<vmem>>, vector<1x16xf32>,
      %parallel_loop3A_480 = vector.shape_cast %parallel_loop3A_479 : vector<1x16xf32> to vector<16xf32>
      %parallel_loop3A_481 = arith.index_cast %parallel_loop3A_215 : i32 to index
      %parallel_loop3A_482 = arith.constant 464 : index
      %parallel_loop3A_483 = tpu.vector_load %arg7[%parallel_loop3A_481, %parallel_loop3A_482] {strides = array<i32>} : memref<8x768xf32, #tpu.memory_space<vmem>>, vector<1x16xf32>,
      %parallel_loop3A_484 = vector.shape_cast %parallel_loop3A_483 : vector<1x16xf32> to vector<16xf32>
      %parallel_loop3A_485 = vector.shape_cast %parallel_loop3A_480 : vector<16xf32> to vector<1x16xf32>
      tpu.vector_store %arg7[%parallel_loop3A_481, %parallel_loop3A_482], %parallel_loop3A_485 {add = true, strides = array<i32>} : memref<8x768xf32, #tpu.memory_space<vmem>>, vector<1x16xf32>,
      %parallel_loop3A_486 = arith.index_cast %parallel_loop3A_215 : i32 to index
      %parallel_loop3A_487 = arith.constant 480 : index
      %parallel_loop3A_488 = tpu.vector_load %arg5[%parallel_loop3A_486, %parallel_loop3A_487] {strides = array<i32>} : memref<8x768xf32, #tpu.memory_space<vmem>>, vector<1x16xf32>,
      %parallel_loop3A_489 = vector.shape_cast %parallel_loop3A_488 : vector<1x16xf32> to vector<16xf32>
      %parallel_loop3A_490 = arith.index_cast %parallel_loop3A_215 : i32 to index
      %parallel_loop3A_491 = arith.constant 480 : index
      %parallel_loop3A_492 = tpu.vector_load %arg7[%parallel_loop3A_490, %parallel_loop3A_491] {strides = array<i32>} : memref<8x768xf32, #tpu.memory_space<vmem>>, vector<1x16xf32>,
      %parallel_loop3A_493 = vector.shape_cast %parallel_loop3A_492 : vector<1x16xf32> to vector<16xf32>
      %parallel_loop3A_494 = vector.shape_cast %parallel_loop3A_489 : vector<16xf32> to vector<1x16xf32>
      tpu.vector_store %arg7[%parallel_loop3A_490, %parallel_loop3A_491], %parallel_loop3A_494 {add = true, strides = array<i32>} : memref<8x768xf32, #tpu.memory_space<vmem>>, vector<1x16xf32>,
      %parallel_loop3A_495 = arith.index_cast %parallel_loop3A_215 : i32 to index
      %parallel_loop3A_496 = arith.constant 496 : index
      %parallel_loop3A_497 = tpu.vector_load %arg5[%parallel_loop3A_495, %parallel_loop3A_496] {strides = array<i32>} : memref<8x768xf32, #tpu.memory_space<vmem>>, vector<1x16xf32>,
      %parallel_loop3A_498 = vector.shape_cast %parallel_loop3A_497 : vector<1x16xf32> to vector<16xf32>
      %parallel_loop3A_499 = arith.index_cast %parallel_loop3A_215 : i32 to index
      %parallel_loop3A_500 = arith.constant 496 : index
      %parallel_loop3A_501 = tpu.vector_load %arg7[%parallel_loop3A_499, %parallel_loop3A_500] {strides = array<i32>} : memref<8x768xf32, #tpu.memory_space<vmem>>, vector<1x16xf32>,
      %parallel_loop3A_502 = vector.shape_cast %parallel_loop3A_501 : vector<1x16xf32> to vector<16xf32>
      %parallel_loop3A_503 = vector.shape_cast %parallel_loop3A_498 : vector<16xf32> to vector<1x16xf32>
      tpu.vector_store %arg7[%parallel_loop3A_499, %parallel_loop3A_500], %parallel_loop3A_503 {add = true, strides = array<i32>} : memref<8x768xf32, #tpu.memory_space<vmem>>, vector<1x16xf32>,
      %parallel_loop3A_504 = arith.index_cast %parallel_loop3A_215 : i32 to index
      %parallel_loop3A_505 = arith.constant 512 : index
      %parallel_loop3A_506 = tpu.vector_load %arg5[%parallel_loop3A_504, %parallel_loop3A_505] {strides = array<i32>} : memref<8x768xf32, #tpu.memory_space<vmem>>, vector<1x16xf32>,
      %parallel_loop3A_507 = vector.shape_cast %parallel_loop3A_506 : vector<1x16xf32> to vector<16xf32>
      %parallel_loop3A_508 = arith.index_cast %parallel_loop3A_215 : i32 to index
      %parallel_loop3A_509 = arith.constant 512 : index
      %parallel_loop3A_510 = tpu.vector_load %arg7[%parallel_loop3A_508, %parallel_loop3A_509] {strides = array<i32>} : memref<8x768xf32, #tpu.memory_space<vmem>>, vector<1x16xf32>,
      %parallel_loop3A_511 = vector.shape_cast %parallel_loop3A_510 : vector<1x16xf32> to vector<16xf32>
      %parallel_loop3A_512 = vector.shape_cast %parallel_loop3A_507 : vector<16xf32> to vector<1x16xf32>
      tpu.vector_store %arg7[%parallel_loop3A_508, %parallel_loop3A_509], %parallel_loop3A_512 {add = true, strides = array<i32>} : memref<8x768xf32, #tpu.memory_space<vmem>>, vector<1x16xf32>,
      %parallel_loop3A_513 = arith.index_cast %parallel_loop3A_215 : i32 to index
      %parallel_loop3A_514 = arith.constant 528 : index
      %parallel_loop3A_515 = tpu.vector_load %arg5[%parallel_loop3A_513, %parallel_loop3A_514] {strides = array<i32>} : memref<8x768xf32, #tpu.memory_space<vmem>>, vector<1x16xf32>,
      %parallel_loop3A_516 = vector.shape_cast %parallel_loop3A_515 : vector<1x16xf32> to vector<16xf32>
      %parallel_loop3A_517 = arith.index_cast %parallel_loop3A_215 : i32 to index
      %parallel_loop3A_518 = arith.constant 528 : index
      %parallel_loop3A_519 = tpu.vector_load %arg7[%parallel_loop3A_517, %parallel_loop3A_518] {strides = array<i32>} : memref<8x768xf32, #tpu.memory_space<vmem>>, vector<1x16xf32>,
      %parallel_loop3A_520 = vector.shape_cast %parallel_loop3A_519 : vector<1x16xf32> to vector<16xf32>
      %parallel_loop3A_521 = vector.shape_cast %parallel_loop3A_516 : vector<16xf32> to vector<1x16xf32>
      tpu.vector_store %arg7[%parallel_loop3A_517, %parallel_loop3A_518], %parallel_loop3A_521 {add = true, strides = array<i32>} : memref<8x768xf32, #tpu.memory_space<vmem>>, vector<1x16xf32>,
      %parallel_loop3A_522 = arith.index_cast %parallel_loop3A_215 : i32 to index
      %parallel_loop3A_523 = arith.constant 544 : index
      %parallel_loop3A_524 = tpu.vector_load %arg5[%parallel_loop3A_522, %parallel_loop3A_523] {strides = array<i32>} : memref<8x768xf32, #tpu.memory_space<vmem>>, vector<1x16xf32>,
      %parallel_loop3A_525 = vector.shape_cast %parallel_loop3A_524 : vector<1x16xf32> to vector<16xf32>
      %parallel_loop3A_526 = arith.index_cast %parallel_loop3A_215 : i32 to index
      %parallel_loop3A_527 = arith.constant 544 : index
      %parallel_loop3A_528 = tpu.vector_load %arg7[%parallel_loop3A_526, %parallel_loop3A_527] {strides = array<i32>} : memref<8x768xf32, #tpu.memory_space<vmem>>, vector<1x16xf32>,
      %parallel_loop3A_529 = vector.shape_cast %parallel_loop3A_528 : vector<1x16xf32> to vector<16xf32>
      %parallel_loop3A_530 = vector.shape_cast %parallel_loop3A_525 : vector<16xf32> to vector<1x16xf32>
      tpu.vector_store %arg7[%parallel_loop3A_526, %parallel_loop3A_527], %parallel_loop3A_530 {add = true, strides = array<i32>} : memref<8x768xf32, #tpu.memory_space<vmem>>, vector<1x16xf32>,
      %parallel_loop3A_531 = arith.index_cast %parallel_loop3A_215 : i32 to index
      %parallel_loop3A_532 = arith.constant 560 : index
      %parallel_loop3A_533 = tpu.vector_load %arg5[%parallel_loop3A_531, %parallel_loop3A_532] {strides = array<i32>} : memref<8x768xf32, #tpu.memory_space<vmem>>, vector<1x16xf32>,
      %parallel_loop3A_534 = vector.shape_cast %parallel_loop3A_533 : vector<1x16xf32> to vector<16xf32>
      %parallel_loop3A_535 = arith.index_cast %parallel_loop3A_215 : i32 to index
      %parallel_loop3A_536 = arith.constant 560 : index
      %parallel_loop3A_537 = tpu.vector_load %arg7[%parallel_loop3A_535, %parallel_loop3A_536] {strides = array<i32>} : memref<8x768xf32, #tpu.memory_space<vmem>>, vector<1x16xf32>,
      %parallel_loop3A_538 = vector.shape_cast %parallel_loop3A_537 : vector<1x16xf32> to vector<16xf32>
      %parallel_loop3A_539 = vector.shape_cast %parallel_loop3A_534 : vector<16xf32> to vector<1x16xf32>
      tpu.vector_store %arg7[%parallel_loop3A_535, %parallel_loop3A_536], %parallel_loop3A_539 {add = true, strides = array<i32>} : memref<8x768xf32, #tpu.memory_space<vmem>>, vector<1x16xf32>,
      %parallel_loop3A_540 = arith.index_cast %parallel_loop3A_215 : i32 to index
      %parallel_loop3A_541 = arith.constant 576 : index
      %parallel_loop3A_542 = tpu.vector_load %arg5[%parallel_loop3A_540, %parallel_loop3A_541] {strides = array<i32>} : memref<8x768xf32, #tpu.memory_space<vmem>>, vector<1x16xf32>,
      %parallel_loop3A_543 = vector.shape_cast %parallel_loop3A_542 : vector<1x16xf32> to vector<16xf32>
      %parallel_loop3A_544 = arith.index_cast %parallel_loop3A_215 : i32 to index
      %parallel_loop3A_545 = arith.constant 576 : index
      %parallel_loop3A_546 = tpu.vector_load %arg7[%parallel_loop3A_544, %parallel_loop3A_545] {strides = array<i32>} : memref<8x768xf32, #tpu.memory_space<vmem>>, vector<1x16xf32>,
      %parallel_loop3A_547 = vector.shape_cast %parallel_loop3A_546 : vector<1x16xf32> to vector<16xf32>
      %parallel_loop3A_548 = vector.shape_cast %parallel_loop3A_543 : vector<16xf32> to vector<1x16xf32>
      tpu.vector_store %arg7[%parallel_loop3A_544, %parallel_loop3A_545], %parallel_loop3A_548 {add = true, strides = array<i32>} : memref<8x768xf32, #tpu.memory_space<vmem>>, vector<1x16xf32>,
      %parallel_loop3A_549 = arith.index_cast %parallel_loop3A_215 : i32 to index
      %parallel_loop3A_550 = arith.constant 592 : index
      %parallel_loop3A_551 = tpu.vector_load %arg5[%parallel_loop3A_549, %parallel_loop3A_550] {strides = array<i32>} : memref<8x768xf32, #tpu.memory_space<vmem>>, vector<1x16xf32>,
      %parallel_loop3A_552 = vector.shape_cast %parallel_loop3A_551 : vector<1x16xf32> to vector<16xf32>
      %parallel_loop3A_553 = arith.index_cast %parallel_loop3A_215 : i32 to index
      %parallel_loop3A_554 = arith.constant 592 : index
      %parallel_loop3A_555 = tpu.vector_load %arg7[%parallel_loop3A_553, %parallel_loop3A_554] {strides = array<i32>} : memref<8x768xf32, #tpu.memory_space<vmem>>, vector<1x16xf32>,
      %parallel_loop3A_556 = vector.shape_cast %parallel_loop3A_555 : vector<1x16xf32> to vector<16xf32>
      %parallel_loop3A_557 = vector.shape_cast %parallel_loop3A_552 : vector<16xf32> to vector<1x16xf32>
      tpu.vector_store %arg7[%parallel_loop3A_553, %parallel_loop3A_554], %parallel_loop3A_557 {add = true, strides = array<i32>} : memref<8x768xf32, #tpu.memory_space<vmem>>, vector<1x16xf32>,
      %parallel_loop3A_558 = arith.index_cast %parallel_loop3A_215 : i32 to index
      %parallel_loop3A_559 = arith.constant 608 : index
      %parallel_loop3A_560 = tpu.vector_load %arg5[%parallel_loop3A_558, %parallel_loop3A_559] {strides = array<i32>} : memref<8x768xf32, #tpu.memory_space<vmem>>, vector<1x16xf32>,
      %parallel_loop3A_561 = vector.shape_cast %parallel_loop3A_560 : vector<1x16xf32> to vector<16xf32>
      %parallel_loop3A_562 = arith.index_cast %parallel_loop3A_215 : i32 to index
      %parallel_loop3A_563 = arith.constant 608 : index
      %parallel_loop3A_564 = tpu.vector_load %arg7[%parallel_loop3A_562, %parallel_loop3A_563] {strides = array<i32>} : memref<8x768xf32, #tpu.memory_space<vmem>>, vector<1x16xf32>,
      %parallel_loop3A_565 = vector.shape_cast %parallel_loop3A_564 : vector<1x16xf32> to vector<16xf32>
      %parallel_loop3A_566 = vector.shape_cast %parallel_loop3A_561 : vector<16xf32> to vector<1x16xf32>
      tpu.vector_store %arg7[%parallel_loop3A_562, %parallel_loop3A_563], %parallel_loop3A_566 {add = true, strides = array<i32>} : memref<8x768xf32, #tpu.memory_space<vmem>>, vector<1x16xf32>,
      %parallel_loop3A_567 = arith.index_cast %parallel_loop3A_215 : i32 to index
      %parallel_loop3A_568 = arith.constant 624 : index
      %parallel_loop3A_569 = tpu.vector_load %arg5[%parallel_loop3A_567, %parallel_loop3A_568] {strides = array<i32>} : memref<8x768xf32, #tpu.memory_space<vmem>>, vector<1x16xf32>,
      %parallel_loop3A_570 = vector.shape_cast %parallel_loop3A_569 : vector<1x16xf32> to vector<16xf32>
      %parallel_loop3A_571 = arith.index_cast %parallel_loop3A_215 : i32 to index
      %parallel_loop3A_572 = arith.constant 624 : index
      %parallel_loop3A_573 = tpu.vector_load %arg7[%parallel_loop3A_571, %parallel_loop3A_572] {strides = array<i32>} : memref<8x768xf32, #tpu.memory_space<vmem>>, vector<1x16xf32>,
      %parallel_loop3A_574 = vector.shape_cast %parallel_loop3A_573 : vector<1x16xf32> to vector<16xf32>
      %parallel_loop3A_575 = vector.shape_cast %parallel_loop3A_570 : vector<16xf32> to vector<1x16xf32>
      tpu.vector_store %arg7[%parallel_loop3A_571, %parallel_loop3A_572], %parallel_loop3A_575 {add = true, strides = array<i32>} : memref<8x768xf32, #tpu.memory_space<vmem>>, vector<1x16xf32>,
      %parallel_loop3A_576 = arith.index_cast %parallel_loop3A_215 : i32 to index
      %parallel_loop3A_577 = arith.constant 640 : index
      %parallel_loop3A_578 = tpu.vector_load %arg5[%parallel_loop3A_576, %parallel_loop3A_577] {strides = array<i32>} : memref<8x768xf32, #tpu.memory_space<vmem>>, vector<1x16xf32>,
      %parallel_loop3A_579 = vector.shape_cast %parallel_loop3A_578 : vector<1x16xf32> to vector<16xf32>
      %parallel_loop3A_580 = arith.index_cast %parallel_loop3A_215 : i32 to index
      %parallel_loop3A_581 = arith.constant 640 : index
      %parallel_loop3A_582 = tpu.vector_load %arg7[%parallel_loop3A_580, %parallel_loop3A_581] {strides = array<i32>} : memref<8x768xf32, #tpu.memory_space<vmem>>, vector<1x16xf32>,
      %parallel_loop3A_583 = vector.shape_cast %parallel_loop3A_582 : vector<1x16xf32> to vector<16xf32>
      %parallel_loop3A_584 = vector.shape_cast %parallel_loop3A_579 : vector<16xf32> to vector<1x16xf32>
      tpu.vector_store %arg7[%parallel_loop3A_580, %parallel_loop3A_581], %parallel_loop3A_584 {add = true, strides = array<i32>} : memref<8x768xf32, #tpu.memory_space<vmem>>, vector<1x16xf32>,
      %parallel_loop3A_585 = arith.index_cast %parallel_loop3A_215 : i32 to index
      %parallel_loop3A_586 = arith.constant 656 : index
      %parallel_loop3A_587 = tpu.vector_load %arg5[%parallel_loop3A_585, %parallel_loop3A_586] {strides = array<i32>} : memref<8x768xf32, #tpu.memory_space<vmem>>, vector<1x16xf32>,
      %parallel_loop3A_588 = vector.shape_cast %parallel_loop3A_587 : vector<1x16xf32> to vector<16xf32>
      %parallel_loop3A_589 = arith.index_cast %parallel_loop3A_215 : i32 to index
      %parallel_loop3A_590 = arith.constant 656 : index
      %parallel_loop3A_591 = tpu.vector_load %arg7[%parallel_loop3A_589, %parallel_loop3A_590] {strides = array<i32>} : memref<8x768xf32, #tpu.memory_space<vmem>>, vector<1x16xf32>,
      %parallel_loop3A_592 = vector.shape_cast %parallel_loop3A_591 : vector<1x16xf32> to vector<16xf32>
      %parallel_loop3A_593 = vector.shape_cast %parallel_loop3A_588 : vector<16xf32> to vector<1x16xf32>
      tpu.vector_store %arg7[%parallel_loop3A_589, %parallel_loop3A_590], %parallel_loop3A_593 {add = true, strides = array<i32>} : memref<8x768xf32, #tpu.memory_space<vmem>>, vector<1x16xf32>,
      %parallel_loop3A_594 = arith.index_cast %parallel_loop3A_215 : i32 to index
      %parallel_loop3A_595 = arith.constant 672 : index
      %parallel_loop3A_596 = tpu.vector_load %arg5[%parallel_loop3A_594, %parallel_loop3A_595] {strides = array<i32>} : memref<8x768xf32, #tpu.memory_space<vmem>>, vector<1x16xf32>,
      %parallel_loop3A_597 = vector.shape_cast %parallel_loop3A_596 : vector<1x16xf32> to vector<16xf32>
      %parallel_loop3A_598 = arith.index_cast %parallel_loop3A_215 : i32 to index
      %parallel_loop3A_599 = arith.constant 672 : index
      %parallel_loop3A_600 = tpu.vector_load %arg7[%parallel_loop3A_598, %parallel_loop3A_599] {strides = array<i32>} : memref<8x768xf32, #tpu.memory_space<vmem>>, vector<1x16xf32>,
      %parallel_loop3A_601 = vector.shape_cast %parallel_loop3A_600 : vector<1x16xf32> to vector<16xf32>
      %parallel_loop3A_602 = vector.shape_cast %parallel_loop3A_597 : vector<16xf32> to vector<1x16xf32>
      tpu.vector_store %arg7[%parallel_loop3A_598, %parallel_loop3A_599], %parallel_loop3A_602 {add = true, strides = array<i32>} : memref<8x768xf32, #tpu.memory_space<vmem>>, vector<1x16xf32>,
      %parallel_loop3A_603 = arith.index_cast %parallel_loop3A_215 : i32 to index
      %parallel_loop3A_604 = arith.constant 688 : index
      %parallel_loop3A_605 = tpu.vector_load %arg5[%parallel_loop3A_603, %parallel_loop3A_604] {strides = array<i32>} : memref<8x768xf32, #tpu.memory_space<vmem>>, vector<1x16xf32>,
      %parallel_loop3A_606 = vector.shape_cast %parallel_loop3A_605 : vector<1x16xf32> to vector<16xf32>
      %parallel_loop3A_607 = arith.index_cast %parallel_loop3A_215 : i32 to index
      %parallel_loop3A_608 = arith.constant 688 : index
      %parallel_loop3A_609 = tpu.vector_load %arg7[%parallel_loop3A_607, %parallel_loop3A_608] {strides = array<i32>} : memref<8x768xf32, #tpu.memory_space<vmem>>, vector<1x16xf32>,
      %parallel_loop3A_610 = vector.shape_cast %parallel_loop3A_609 : vector<1x16xf32> to vector<16xf32>
      %parallel_loop3A_611 = vector.shape_cast %parallel_loop3A_606 : vector<16xf32> to vector<1x16xf32>
      tpu.vector_store %arg7[%parallel_loop3A_607, %parallel_loop3A_608], %parallel_loop3A_611 {add = true, strides = array<i32>} : memref<8x768xf32, #tpu.memory_space<vmem>>, vector<1x16xf32>,
      %parallel_loop3A_612 = arith.index_cast %parallel_loop3A_215 : i32 to index
      %parallel_loop3A_613 = arith.constant 704 : index
      %parallel_loop3A_614 = tpu.vector_load %arg5[%parallel_loop3A_612, %parallel_loop3A_613] {strides = array<i32>} : memref<8x768xf32, #tpu.memory_space<vmem>>, vector<1x16xf32>,
      %parallel_loop3A_615 = vector.shape_cast %parallel_loop3A_614 : vector<1x16xf32> to vector<16xf32>
      %parallel_loop3A_616 = arith.index_cast %parallel_loop3A_215 : i32 to index
      %parallel_loop3A_617 = arith.constant 704 : index
      %parallel_loop3A_618 = tpu.vector_load %arg7[%parallel_loop3A_616, %parallel_loop3A_617] {strides = array<i32>} : memref<8x768xf32, #tpu.memory_space<vmem>>, vector<1x16xf32>,
      %parallel_loop3A_619 = vector.shape_cast %parallel_loop3A_618 : vector<1x16xf32> to vector<16xf32>
      %parallel_loop3A_620 = vector.shape_cast %parallel_loop3A_615 : vector<16xf32> to vector<1x16xf32>
      tpu.vector_store %arg7[%parallel_loop3A_616, %parallel_loop3A_617], %parallel_loop3A_620 {add = true, strides = array<i32>} : memref<8x768xf32, #tpu.memory_space<vmem>>, vector<1x16xf32>,
      %parallel_loop3A_621 = arith.index_cast %parallel_loop3A_215 : i32 to index
      %parallel_loop3A_622 = arith.constant 720 : index
      %parallel_loop3A_623 = tpu.vector_load %arg5[%parallel_loop3A_621, %parallel_loop3A_622] {strides = array<i32>} : memref<8x768xf32, #tpu.memory_space<vmem>>, vector<1x16xf32>,
      %parallel_loop3A_624 = vector.shape_cast %parallel_loop3A_623 : vector<1x16xf32> to vector<16xf32>
      %parallel_loop3A_625 = arith.index_cast %parallel_loop3A_215 : i32 to index
      %parallel_loop3A_626 = arith.constant 720 : index
      %parallel_loop3A_627 = tpu.vector_load %arg7[%parallel_loop3A_625, %parallel_loop3A_626] {strides = array<i32>} : memref<8x768xf32, #tpu.memory_space<vmem>>, vector<1x16xf32>,
      %parallel_loop3A_628 = vector.shape_cast %parallel_loop3A_627 : vector<1x16xf32> to vector<16xf32>
      %parallel_loop3A_629 = vector.shape_cast %parallel_loop3A_624 : vector<16xf32> to vector<1x16xf32>
      tpu.vector_store %arg7[%parallel_loop3A_625, %parallel_loop3A_626], %parallel_loop3A_629 {add = true, strides = array<i32>} : memref<8x768xf32, #tpu.memory_space<vmem>>, vector<1x16xf32>,
      %parallel_loop3A_630 = arith.index_cast %parallel_loop3A_215 : i32 to index
      %parallel_loop3A_631 = arith.constant 736 : index
      %parallel_loop3A_632 = tpu.vector_load %arg5[%parallel_loop3A_630, %parallel_loop3A_631] {strides = array<i32>} : memref<8x768xf32, #tpu.memory_space<vmem>>, vector<1x16xf32>,
      %parallel_loop3A_633 = vector.shape_cast %parallel_loop3A_632 : vector<1x16xf32> to vector<16xf32>
      %parallel_loop3A_634 = arith.index_cast %parallel_loop3A_215 : i32 to index
      %parallel_loop3A_635 = arith.constant 736 : index
      %parallel_loop3A_636 = tpu.vector_load %arg7[%parallel_loop3A_634, %parallel_loop3A_635] {strides = array<i32>} : memref<8x768xf32, #tpu.memory_space<vmem>>, vector<1x16xf32>,
      %parallel_loop3A_637 = vector.shape_cast %parallel_loop3A_636 : vector<1x16xf32> to vector<16xf32>
      %parallel_loop3A_638 = vector.shape_cast %parallel_loop3A_633 : vector<16xf32> to vector<1x16xf32>
      tpu.vector_store %arg7[%parallel_loop3A_634, %parallel_loop3A_635], %parallel_loop3A_638 {add = true, strides = array<i32>} : memref<8x768xf32, #tpu.memory_space<vmem>>, vector<1x16xf32>,
      %parallel_loop3A_639 = arith.index_cast %parallel_loop3A_215 : i32 to index
      %parallel_loop3A_640 = arith.constant 752 : index
      %parallel_loop3A_641 = tpu.vector_load %arg5[%parallel_loop3A_639, %parallel_loop3A_640] {strides = array<i32>} : memref<8x768xf32, #tpu.memory_space<vmem>>, vector<1x16xf32>,
      %parallel_loop3A_642 = vector.shape_cast %parallel_loop3A_641 : vector<1x16xf32> to vector<16xf32>
      %parallel_loop3A_643 = arith.index_cast %parallel_loop3A_215 : i32 to index
      %parallel_loop3A_644 = arith.constant 752 : index
      %parallel_loop3A_645 = tpu.vector_load %arg7[%parallel_loop3A_643, %parallel_loop3A_644] {strides = array<i32>} : memref<8x768xf32, #tpu.memory_space<vmem>>, vector<1x16xf32>,
      %parallel_loop3A_646 = vector.shape_cast %parallel_loop3A_645 : vector<1x16xf32> to vector<16xf32>
      %parallel_loop3A_647 = vector.shape_cast %parallel_loop3A_642 : vector<16xf32> to vector<1x16xf32>
      tpu.vector_store %arg7[%parallel_loop3A_643, %parallel_loop3A_644], %parallel_loop3A_647 {add = true, strides = array<i32>} : memref<8x768xf32, #tpu.memory_space<vmem>>, vector<1x16xf32>,
    } {sc.loop_unroll_factor = 1 : i64, sc.parallel_access}
    %dma_start3A_92 = arith.constant 1 : i32
    %dma_start3A_93 = arith.constant 0 : i32
    %dma_start3A_94 = arith.constant 0 : i32
    %dma_start3A_95 = tpu.memref_slice %arg4[%dma_start3A_92, %dma_start3A_93, %dma_start3A_94] : memref<4x256x768xf32, #tpu.memory_space<hbm>> -> memref<1x256x768xf32, #tpu.memory_space<hbm>>
    %dma_start3A_96 = tpu.memref_squeeze %dma_start3A_95 : memref<1x256x768xf32, #tpu.memory_space<hbm>> -> memref<256x768xf32, #tpu.memory_space<hbm>>
    %dma_start3A_97 = arith.constant 0 : i32
    %dma_start3A_98 = tpu.memref_slice %dma_start3A_96[%mul3A_2, %dma_start3A_97] : memref<256x768xf32, #tpu.memory_space<hbm>> -> memref<8x768xf32, #tpu.memory_space<hbm>>
    %dma_start3A_99 = arith.constant 0 : i32
    %dma_start3A_100 = arith.constant 0 : i32
    %dma_start3A_101 = tpu.memref_slice %arg4[%dma_start3A_92, %dma_start3A_99, %dma_start3A_100] : memref<4x256x768xf32, #tpu.memory_space<hbm>> -> memref<1x256x768xf32, #tpu.memory_space<hbm>>
    %dma_start3A_102 = tpu.memref_squeeze %dma_start3A_101 : memref<1x256x768xf32, #tpu.memory_space<hbm>> -> memref<256x768xf32, #tpu.memory_space<hbm>>
    %dma_start3A_103 = arith.constant 0 : i32
    %dma_start3A_104 = tpu.memref_slice %dma_start3A_102[%mul3A_2, %dma_start3A_103] : memref<256x768xf32, #tpu.memory_space<hbm>> -> memref<8x768xf32, #tpu.memory_space<hbm>>
    tpu.enqueue_dma source(%arg7 : memref<8x768xf32, #tpu.memory_space<vmem>>) target(%dma_start3A_104 : memref<8x768xf32, #tpu.memory_space<hbm>>) target_semaphore(%arg14 : memref<!tpu.dma_semaphore, #tpu.memory_space<semaphore_mem>>)
    %dma_wait3A_105 = arith.constant 0 : i32
    %dma_wait3A_106 = arith.constant 0 : i32
    %dma_wait3A_107 = arith.constant 0 : i32
    %dma_wait3A_108 = tpu.memref_slice %arg4[%dma_wait3A_105, %dma_wait3A_106, %dma_wait3A_107] : memref<4x256x768xf32, #tpu.memory_space<hbm>> -> memref<1x256x768xf32, #tpu.memory_space<hbm>>
    %dma_wait3A_109 = tpu.memref_squeeze %dma_wait3A_108 : memref<1x256x768xf32, #tpu.memory_space<hbm>> -> memref<256x768xf32, #tpu.memory_space<hbm>>
    %dma_wait3A_110 = arith.constant 0 : i32
    %dma_wait3A_111 = tpu.memref_slice %dma_wait3A_109[%mul3A_2, %dma_wait3A_110] : memref<256x768xf32, #tpu.memory_space<hbm>> -> memref<8x768xf32, #tpu.memory_space<hbm>>
    %dma_wait3A_112 = arith.constant 0 : i32
    %dma_wait3A_113 = arith.constant 0 : i32
    %dma_wait3A_114 = tpu.memref_slice %arg4[%dma_wait3A_105, %dma_wait3A_112, %dma_wait3A_113] : memref<4x256x768xf32, #tpu.memory_space<hbm>> -> memref<1x256x768xf32, #tpu.memory_space<hbm>>
    %dma_wait3A_115 = tpu.memref_squeeze %dma_wait3A_114 : memref<1x256x768xf32, #tpu.memory_space<hbm>> -> memref<256x768xf32, #tpu.memory_space<hbm>>
    %dma_wait3A_116 = arith.constant 0 : i32
    %dma_wait3A_117 = tpu.memref_slice %dma_wait3A_115[%mul3A_2, %dma_wait3A_116] : memref<256x768xf32, #tpu.memory_space<hbm>> -> memref<8x768xf32, #tpu.memory_space<hbm>>
    tpu.wait_dma2 semaphore(%arg13 : memref<!tpu.dma_semaphore, #tpu.memory_space<semaphore_mem>>) src(%arg6 : memref<8x768xf32, #tpu.memory_space<vmem>>) dst(%dma_wait3A_117 : memref<8x768xf32, #tpu.memory_space<hbm>>)
    %dma_start3A_118 = arith.constant 3 : i32
    %dma_start3A_119 = arith.constant 0 : i32
    %dma_start3A_120 = arith.constant 0 : i32
    %dma_start3A_121 = tpu.memref_slice %arg2[%dma_start3A_118, %dma_start3A_119, %dma_start3A_120] : memref<4x2048x768xf32, #tpu.memory_space<hbm>> -> memref<1x2048x768xf32, #tpu.memory_space<hbm>>
    %dma_start3A_122 = tpu.memref_squeeze %dma_start3A_121 : memref<1x2048x768xf32, #tpu.memory_space<hbm>> -> memref<2048x768xf32, #tpu.memory_space<hbm>>
    %dma_start3A_123 = arith.constant 0 : i32
    %dma_start3A_124 = tpu.memref_slice %dma_start3A_122[%mul3A_2, %dma_start3A_123] : memref<2048x768xf32, #tpu.memory_space<hbm>> -> memref<8x768xf32, #tpu.memory_space<hbm>>
    %dma_start3A_125 = arith.constant 0 : i32
    %dma_start3A_126 = arith.constant 0 : i32
    %dma_start3A_127 = tpu.memref_slice %arg2[%dma_start3A_118, %dma_start3A_125, %dma_start3A_126] : memref<4x2048x768xf32, #tpu.memory_space<hbm>> -> memref<1x2048x768xf32, #tpu.memory_space<hbm>>
    %dma_start3A_128 = tpu.memref_squeeze %dma_start3A_127 : memref<1x2048x768xf32, #tpu.memory_space<hbm>> -> memref<2048x768xf32, #tpu.memory_space<hbm>>
    %dma_start3A_129 = arith.constant 0 : i32
    %dma_start3A_130 = tpu.memref_slice %dma_start3A_128[%mul3A_2, %dma_start3A_129] : memref<2048x768xf32, #tpu.memory_space<hbm>> -> memref<8x768xf32, #tpu.memory_space<hbm>>
    tpu.enqueue_dma source(%dma_start3A_130 : memref<8x768xf32, #tpu.memory_space<hbm>>) target(%arg6 : memref<8x768xf32, #tpu.memory_space<vmem>>) target_semaphore(%arg10 : memref<!tpu.dma_semaphore, #tpu.memory_space<semaphore_mem>>)
    %dma_wait3A_131 = arith.constant 2 : i32
    %dma_wait3A_132 = arith.constant 0 : i32
    %dma_wait3A_133 = arith.constant 0 : i32
    %dma_wait3A_134 = tpu.memref_slice %arg2[%dma_wait3A_131, %dma_wait3A_132, %dma_wait3A_133] : memref<4x2048x768xf32, #tpu.memory_space<hbm>> -> memref<1x2048x768xf32, #tpu.memory_space<hbm>>
    %dma_wait3A_135 = tpu.memref_squeeze %dma_wait3A_134 : memref<1x2048x768xf32, #tpu.memory_space<hbm>> -> memref<2048x768xf32, #tpu.memory_space<hbm>>
    %dma_wait3A_136 = arith.constant 0 : i32
    %dma_wait3A_137 = tpu.memref_slice %dma_wait3A_135[%mul3A_2, %dma_wait3A_136] : memref<2048x768xf32, #tpu.memory_space<hbm>> -> memref<8x768xf32, #tpu.memory_space<hbm>>
    %dma_wait3A_138 = arith.constant 0 : i32
    %dma_wait3A_139 = arith.constant 0 : i32
    %dma_wait3A_140 = tpu.memref_slice %arg2[%dma_wait3A_131, %dma_wait3A_138, %dma_wait3A_139] : memref<4x2048x768xf32, #tpu.memory_space<hbm>> -> memref<1x2048x768xf32, #tpu.memory_space<hbm>>
    %dma_wait3A_141 = tpu.memref_squeeze %dma_wait3A_140 : memref<1x2048x768xf32, #tpu.memory_space<hbm>> -> memref<2048x768xf32, #tpu.memory_space<hbm>>
    %dma_wait3A_142 = arith.constant 0 : i32
    %dma_wait3A_143 = tpu.memref_slice %dma_wait3A_141[%mul3A_2, %dma_wait3A_142] : memref<2048x768xf32, #tpu.memory_space<hbm>> -> memref<8x768xf32, #tpu.memory_space<hbm>>
    tpu.wait_dma2 semaphore(%arg12 : memref<!tpu.dma_semaphore, #tpu.memory_space<semaphore_mem>>) src(%dma_wait3A_143 : memref<8x768xf32, #tpu.memory_space<hbm>>) dst(%arg8 : memref<8x768xf32, #tpu.memory_space<vmem>>)
    %parallel_loop3A_144 = arith.constant 0 : i32
    %parallel_loop3A_145 = arith.constant 8 : i32
    %parallel_loop3A_146 = arith.constant 1 : i32
    scf.for %parallel_loop3A_215 = %parallel_loop3A_144 to %parallel_loop3A_145 step %parallel_loop3A_146  : i32 {
      %parallel_loop3A_216 = arith.index_cast %parallel_loop3A_215 : i32 to index
      %parallel_loop3A_217 = arith.constant 0 : index
      %parallel_loop3A_218 = tpu.vector_load %arg5[%parallel_loop3A_216, %parallel_loop3A_217] {strides = array<i32>} : memref<8x768xf32, #tpu.memory_space<vmem>>, vector<1x16xf32>,
      %parallel_loop3A_219 = vector.shape_cast %parallel_loop3A_218 : vector<1x16xf32> to vector<16xf32>
      %parallel_loop3A_220 = arith.index_cast %parallel_loop3A_215 : i32 to index
      %parallel_loop3A_221 = arith.constant 0 : index
      %parallel_loop3A_222 = tpu.vector_load %arg8[%parallel_loop3A_220, %parallel_loop3A_221] {strides = array<i32>} : memref<8x768xf32, #tpu.memory_space<vmem>>, vector<1x16xf32>,
      %parallel_loop3A_223 = vector.shape_cast %parallel_loop3A_222 : vector<1x16xf32> to vector<16xf32>
      %parallel_loop3A_224 = vector.shape_cast %parallel_loop3A_219 : vector<16xf32> to vector<1x16xf32>
      tpu.vector_store %arg8[%parallel_loop3A_220, %parallel_loop3A_221], %parallel_loop3A_224 {add = true, strides = array<i32>} : memref<8x768xf32, #tpu.memory_space<vmem>>, vector<1x16xf32>,
      %parallel_loop3A_225 = arith.index_cast %parallel_loop3A_215 : i32 to index
      %parallel_loop3A_226 = arith.constant 16 : index
      %parallel_loop3A_227 = tpu.vector_load %arg5[%parallel_loop3A_225, %parallel_loop3A_226] {strides = array<i32>} : memref<8x768xf32, #tpu.memory_space<vmem>>, vector<1x16xf32>,
      %parallel_loop3A_228 = vector.shape_cast %parallel_loop3A_227 : vector<1x16xf32> to vector<16xf32>
      %parallel_loop3A_229 = arith.index_cast %parallel_loop3A_215 : i32 to index
      %parallel_loop3A_230 = arith.constant 16 : index
      %parallel_loop3A_231 = tpu.vector_load %arg8[%parallel_loop3A_229, %parallel_loop3A_230] {strides = array<i32>} : memref<8x768xf32, #tpu.memory_space<vmem>>, vector<1x16xf32>,
      %parallel_loop3A_232 = vector.shape_cast %parallel_loop3A_231 : vector<1x16xf32> to vector<16xf32>
      %parallel_loop3A_233 = vector.shape_cast %parallel_loop3A_228 : vector<16xf32> to vector<1x16xf32>
      tpu.vector_store %arg8[%parallel_loop3A_229, %parallel_loop3A_230], %parallel_loop3A_233 {add = true, strides = array<i32>} : memref<8x768xf32, #tpu.memory_space<vmem>>, vector<1x16xf32>,
      %parallel_loop3A_234 = arith.index_cast %parallel_loop3A_215 : i32 to index
      %parallel_loop3A_235 = arith.constant 32 : index
      %parallel_loop3A_236 = tpu.vector_load %arg5[%parallel_loop3A_234, %parallel_loop3A_235] {strides = array<i32>} : memref<8x768xf32, #tpu.memory_space<vmem>>, vector<1x16xf32>,
      %parallel_loop3A_237 = vector.shape_cast %parallel_loop3A_236 : vector<1x16xf32> to vector<16xf32>
      %parallel_loop3A_238 = arith.index_cast %parallel_loop3A_215 : i32 to index
      %parallel_loop3A_239 = arith.constant 32 : index
      %parallel_loop3A_240 = tpu.vector_load %arg8[%parallel_loop3A_238, %parallel_loop3A_239] {strides = array<i32>} : memref<8x768xf32, #tpu.memory_space<vmem>>, vector<1x16xf32>,
      %parallel_loop3A_241 = vector.shape_cast %parallel_loop3A_240 : vector<1x16xf32> to vector<16xf32>
      %parallel_loop3A_242 = vector.shape_cast %parallel_loop3A_237 : vector<16xf32> to vector<1x16xf32>
      tpu.vector_store %arg8[%parallel_loop3A_238, %parallel_loop3A_239], %parallel_loop3A_242 {add = true, strides = array<i32>} : memref<8x768xf32, #tpu.memory_space<vmem>>, vector<1x16xf32>,
      %parallel_loop3A_243 = arith.index_cast %parallel_loop3A_215 : i32 to index
      %parallel_loop3A_244 = arith.constant 48 : index
      %parallel_loop3A_245 = tpu.vector_load %arg5[%parallel_loop3A_243, %parallel_loop3A_244] {strides = array<i32>} : memref<8x768xf32, #tpu.memory_space<vmem>>, vector<1x16xf32>,
      %parallel_loop3A_246 = vector.shape_cast %parallel_loop3A_245 : vector<1x16xf32> to vector<16xf32>
      %parallel_loop3A_247 = arith.index_cast %parallel_loop3A_215 : i32 to index
      %parallel_loop3A_248 = arith.constant 48 : index
      %parallel_loop3A_249 = tpu.vector_load %arg8[%parallel_loop3A_247, %parallel_loop3A_248] {strides = array<i32>} : memref<8x768xf32, #tpu.memory_space<vmem>>, vector<1x16xf32>,
      %parallel_loop3A_250 = vector.shape_cast %parallel_loop3A_249 : vector<1x16xf32> to vector<16xf32>
      %parallel_loop3A_251 = vector.shape_cast %parallel_loop3A_246 : vector<16xf32> to vector<1x16xf32>
      tpu.vector_store %arg8[%parallel_loop3A_247, %parallel_loop3A_248], %parallel_loop3A_251 {add = true, strides = array<i32>} : memref<8x768xf32, #tpu.memory_space<vmem>>, vector<1x16xf32>,
      %parallel_loop3A_252 = arith.index_cast %parallel_loop3A_215 : i32 to index
      %parallel_loop3A_253 = arith.constant 64 : index
      %parallel_loop3A_254 = tpu.vector_load %arg5[%parallel_loop3A_252, %parallel_loop3A_253] {strides = array<i32>} : memref<8x768xf32, #tpu.memory_space<vmem>>, vector<1x16xf32>,
      %parallel_loop3A_255 = vector.shape_cast %parallel_loop3A_254 : vector<1x16xf32> to vector<16xf32>
      %parallel_loop3A_256 = arith.index_cast %parallel_loop3A_215 : i32 to index
      %parallel_loop3A_257 = arith.constant 64 : index
      %parallel_loop3A_258 = tpu.vector_load %arg8[%parallel_loop3A_256, %parallel_loop3A_257] {strides = array<i32>} : memref<8x768xf32, #tpu.memory_space<vmem>>, vector<1x16xf32>,
      %parallel_loop3A_259 = vector.shape_cast %parallel_loop3A_258 : vector<1x16xf32> to vector<16xf32>
      %parallel_loop3A_260 = vector.shape_cast %parallel_loop3A_255 : vector<16xf32> to vector<1x16xf32>
      tpu.vector_store %arg8[%parallel_loop3A_256, %parallel_loop3A_257], %parallel_loop3A_260 {add = true, strides = array<i32>} : memref<8x768xf32, #tpu.memory_space<vmem>>, vector<1x16xf32>,
      %parallel_loop3A_261 = arith.index_cast %parallel_loop3A_215 : i32 to index
      %parallel_loop3A_262 = arith.constant 80 : index
      %parallel_loop3A_263 = tpu.vector_load %arg5[%parallel_loop3A_261, %parallel_loop3A_262] {strides = array<i32>} : memref<8x768xf32, #tpu.memory_space<vmem>>, vector<1x16xf32>,
      %parallel_loop3A_264 = vector.shape_cast %parallel_loop3A_263 : vector<1x16xf32> to vector<16xf32>
      %parallel_loop3A_265 = arith.index_cast %parallel_loop3A_215 : i32 to index
      %parallel_loop3A_266 = arith.constant 80 : index
      %parallel_loop3A_267 = tpu.vector_load %arg8[%parallel_loop3A_265, %parallel_loop3A_266] {strides = array<i32>} : memref<8x768xf32, #tpu.memory_space<vmem>>, vector<1x16xf32>,
      %parallel_loop3A_268 = vector.shape_cast %parallel_loop3A_267 : vector<1x16xf32> to vector<16xf32>
      %parallel_loop3A_269 = vector.shape_cast %parallel_loop3A_264 : vector<16xf32> to vector<1x16xf32>
      tpu.vector_store %arg8[%parallel_loop3A_265, %parallel_loop3A_266], %parallel_loop3A_269 {add = true, strides = array<i32>} : memref<8x768xf32, #tpu.memory_space<vmem>>, vector<1x16xf32>,
      %parallel_loop3A_270 = arith.index_cast %parallel_loop3A_215 : i32 to index
      %parallel_loop3A_271 = arith.constant 96 : index
      %parallel_loop3A_272 = tpu.vector_load %arg5[%parallel_loop3A_270, %parallel_loop3A_271] {strides = array<i32>} : memref<8x768xf32, #tpu.memory_space<vmem>>, vector<1x16xf32>,
      %parallel_loop3A_273 = vector.shape_cast %parallel_loop3A_272 : vector<1x16xf32> to vector<16xf32>
      %parallel_loop3A_274 = arith.index_cast %parallel_loop3A_215 : i32 to index
      %parallel_loop3A_275 = arith.constant 96 : index
      %parallel_loop3A_276 = tpu.vector_load %arg8[%parallel_loop3A_274, %parallel_loop3A_275] {strides = array<i32>} : memref<8x768xf32, #tpu.memory_space<vmem>>, vector<1x16xf32>,
      %parallel_loop3A_277 = vector.shape_cast %parallel_loop3A_276 : vector<1x16xf32> to vector<16xf32>
      %parallel_loop3A_278 = vector.shape_cast %parallel_loop3A_273 : vector<16xf32> to vector<1x16xf32>
      tpu.vector_store %arg8[%parallel_loop3A_274, %parallel_loop3A_275], %parallel_loop3A_278 {add = true, strides = array<i32>} : memref<8x768xf32, #tpu.memory_space<vmem>>, vector<1x16xf32>,
      %parallel_loop3A_279 = arith.index_cast %parallel_loop3A_215 : i32 to index
      %parallel_loop3A_280 = arith.constant 112 : index
      %parallel_loop3A_281 = tpu.vector_load %arg5[%parallel_loop3A_279, %parallel_loop3A_280] {strides = array<i32>} : memref<8x768xf32, #tpu.memory_space<vmem>>, vector<1x16xf32>,
      %parallel_loop3A_282 = vector.shape_cast %parallel_loop3A_281 : vector<1x16xf32> to vector<16xf32>
      %parallel_loop3A_283 = arith.index_cast %parallel_loop3A_215 : i32 to index
      %parallel_loop3A_284 = arith.constant 112 : index
      %parallel_loop3A_285 = tpu.vector_load %arg8[%parallel_loop3A_283, %parallel_loop3A_284] {strides = array<i32>} : memref<8x768xf32, #tpu.memory_space<vmem>>, vector<1x16xf32>,
      %parallel_loop3A_286 = vector.shape_cast %parallel_loop3A_285 : vector<1x16xf32> to vector<16xf32>
      %parallel_loop3A_287 = vector.shape_cast %parallel_loop3A_282 : vector<16xf32> to vector<1x16xf32>
      tpu.vector_store %arg8[%parallel_loop3A_283, %parallel_loop3A_284], %parallel_loop3A_287 {add = true, strides = array<i32>} : memref<8x768xf32, #tpu.memory_space<vmem>>, vector<1x16xf32>,
      %parallel_loop3A_288 = arith.index_cast %parallel_loop3A_215 : i32 to index
      %parallel_loop3A_289 = arith.constant 128 : index
      %parallel_loop3A_290 = tpu.vector_load %arg5[%parallel_loop3A_288, %parallel_loop3A_289] {strides = array<i32>} : memref<8x768xf32, #tpu.memory_space<vmem>>, vector<1x16xf32>,
      %parallel_loop3A_291 = vector.shape_cast %parallel_loop3A_290 : vector<1x16xf32> to vector<16xf32>
      %parallel_loop3A_292 = arith.index_cast %parallel_loop3A_215 : i32 to index
      %parallel_loop3A_293 = arith.constant 128 : index
      %parallel_loop3A_294 = tpu.vector_load %arg8[%parallel_loop3A_292, %parallel_loop3A_293] {strides = array<i32>} : memref<8x768xf32, #tpu.memory_space<vmem>>, vector<1x16xf32>,
      %parallel_loop3A_295 = vector.shape_cast %parallel_loop3A_294 : vector<1x16xf32> to vector<16xf32>
      %parallel_loop3A_296 = vector.shape_cast %parallel_loop3A_291 : vector<16xf32> to vector<1x16xf32>
      tpu.vector_store %arg8[%parallel_loop3A_292, %parallel_loop3A_293], %parallel_loop3A_296 {add = true, strides = array<i32>} : memref<8x768xf32, #tpu.memory_space<vmem>>, vector<1x16xf32>,
      %parallel_loop3A_297 = arith.index_cast %parallel_loop3A_215 : i32 to index
      %parallel_loop3A_298 = arith.constant 144 : index
      %parallel_loop3A_299 = tpu.vector_load %arg5[%parallel_loop3A_297, %parallel_loop3A_298] {strides = array<i32>} : memref<8x768xf32, #tpu.memory_space<vmem>>, vector<1x16xf32>,
      %parallel_loop3A_300 = vector.shape_cast %parallel_loop3A_299 : vector<1x16xf32> to vector<16xf32>
      %parallel_loop3A_301 = arith.index_cast %parallel_loop3A_215 : i32 to index
      %parallel_loop3A_302 = arith.constant 144 : index
      %parallel_loop3A_303 = tpu.vector_load %arg8[%parallel_loop3A_301, %parallel_loop3A_302] {strides = array<i32>} : memref<8x768xf32, #tpu.memory_space<vmem>>, vector<1x16xf32>,
      %parallel_loop3A_304 = vector.shape_cast %parallel_loop3A_303 : vector<1x16xf32> to vector<16xf32>
      %parallel_loop3A_305 = vector.shape_cast %parallel_loop3A_300 : vector<16xf32> to vector<1x16xf32>
      tpu.vector_store %arg8[%parallel_loop3A_301, %parallel_loop3A_302], %parallel_loop3A_305 {add = true, strides = array<i32>} : memref<8x768xf32, #tpu.memory_space<vmem>>, vector<1x16xf32>,
      %parallel_loop3A_306 = arith.index_cast %parallel_loop3A_215 : i32 to index
      %parallel_loop3A_307 = arith.constant 160 : index
      %parallel_loop3A_308 = tpu.vector_load %arg5[%parallel_loop3A_306, %parallel_loop3A_307] {strides = array<i32>} : memref<8x768xf32, #tpu.memory_space<vmem>>, vector<1x16xf32>,
      %parallel_loop3A_309 = vector.shape_cast %parallel_loop3A_308 : vector<1x16xf32> to vector<16xf32>
      %parallel_loop3A_310 = arith.index_cast %parallel_loop3A_215 : i32 to index
      %parallel_loop3A_311 = arith.constant 160 : index
      %parallel_loop3A_312 = tpu.vector_load %arg8[%parallel_loop3A_310, %parallel_loop3A_311] {strides = array<i32>} : memref<8x768xf32, #tpu.memory_space<vmem>>, vector<1x16xf32>,
      %parallel_loop3A_313 = vector.shape_cast %parallel_loop3A_312 : vector<1x16xf32> to vector<16xf32>
      %parallel_loop3A_314 = vector.shape_cast %parallel_loop3A_309 : vector<16xf32> to vector<1x16xf32>
      tpu.vector_store %arg8[%parallel_loop3A_310, %parallel_loop3A_311], %parallel_loop3A_314 {add = true, strides = array<i32>} : memref<8x768xf32, #tpu.memory_space<vmem>>, vector<1x16xf32>,
      %parallel_loop3A_315 = arith.index_cast %parallel_loop3A_215 : i32 to index
      %parallel_loop3A_316 = arith.constant 176 : index
      %parallel_loop3A_317 = tpu.vector_load %arg5[%parallel_loop3A_315, %parallel_loop3A_316] {strides = array<i32>} : memref<8x768xf32, #tpu.memory_space<vmem>>, vector<1x16xf32>,
      %parallel_loop3A_318 = vector.shape_cast %parallel_loop3A_317 : vector<1x16xf32> to vector<16xf32>
      %parallel_loop3A_319 = arith.index_cast %parallel_loop3A_215 : i32 to index
      %parallel_loop3A_320 = arith.constant 176 : index
      %parallel_loop3A_321 = tpu.vector_load %arg8[%parallel_loop3A_319, %parallel_loop3A_320] {strides = array<i32>} : memref<8x768xf32, #tpu.memory_space<vmem>>, vector<1x16xf32>,
      %parallel_loop3A_322 = vector.shape_cast %parallel_loop3A_321 : vector<1x16xf32> to vector<16xf32>
      %parallel_loop3A_323 = vector.shape_cast %parallel_loop3A_318 : vector<16xf32> to vector<1x16xf32>
      tpu.vector_store %arg8[%parallel_loop3A_319, %parallel_loop3A_320], %parallel_loop3A_323 {add = true, strides = array<i32>} : memref<8x768xf32, #tpu.memory_space<vmem>>, vector<1x16xf32>,
      %parallel_loop3A_324 = arith.index_cast %parallel_loop3A_215 : i32 to index
      %parallel_loop3A_325 = arith.constant 192 : index
      %parallel_loop3A_326 = tpu.vector_load %arg5[%parallel_loop3A_324, %parallel_loop3A_325] {strides = array<i32>} : memref<8x768xf32, #tpu.memory_space<vmem>>, vector<1x16xf32>,
      %parallel_loop3A_327 = vector.shape_cast %parallel_loop3A_326 : vector<1x16xf32> to vector<16xf32>
      %parallel_loop3A_328 = arith.index_cast %parallel_loop3A_215 : i32 to index
      %parallel_loop3A_329 = arith.constant 192 : index
      %parallel_loop3A_330 = tpu.vector_load %arg8[%parallel_loop3A_328, %parallel_loop3A_329] {strides = array<i32>} : memref<8x768xf32, #tpu.memory_space<vmem>>, vector<1x16xf32>,
      %parallel_loop3A_331 = vector.shape_cast %parallel_loop3A_330 : vector<1x16xf32> to vector<16xf32>
      %parallel_loop3A_332 = vector.shape_cast %parallel_loop3A_327 : vector<16xf32> to vector<1x16xf32>
      tpu.vector_store %arg8[%parallel_loop3A_328, %parallel_loop3A_329], %parallel_loop3A_332 {add = true, strides = array<i32>} : memref<8x768xf32, #tpu.memory_space<vmem>>, vector<1x16xf32>,
      %parallel_loop3A_333 = arith.index_cast %parallel_loop3A_215 : i32 to index
      %parallel_loop3A_334 = arith.constant 208 : index
      %parallel_loop3A_335 = tpu.vector_load %arg5[%parallel_loop3A_333, %parallel_loop3A_334] {strides = array<i32>} : memref<8x768xf32, #tpu.memory_space<vmem>>, vector<1x16xf32>,
      %parallel_loop3A_336 = vector.shape_cast %parallel_loop3A_335 : vector<1x16xf32> to vector<16xf32>
      %parallel_loop3A_337 = arith.index_cast %parallel_loop3A_215 : i32 to index
      %parallel_loop3A_338 = arith.constant 208 : index
      %parallel_loop3A_339 = tpu.vector_load %arg8[%parallel_loop3A_337, %parallel_loop3A_338] {strides = array<i32>} : memref<8x768xf32, #tpu.memory_space<vmem>>, vector<1x16xf32>,
      %parallel_loop3A_340 = vector.shape_cast %parallel_loop3A_339 : vector<1x16xf32> to vector<16xf32>
      %parallel_loop3A_341 = vector.shape_cast %parallel_loop3A_336 : vector<16xf32> to vector<1x16xf32>
      tpu.vector_store %arg8[%parallel_loop3A_337, %parallel_loop3A_338], %parallel_loop3A_341 {add = true, strides = array<i32>} : memref<8x768xf32, #tpu.memory_space<vmem>>, vector<1x16xf32>,
      %parallel_loop3A_342 = arith.index_cast %parallel_loop3A_215 : i32 to index
      %parallel_loop3A_343 = arith.constant 224 : index
      %parallel_loop3A_344 = tpu.vector_load %arg5[%parallel_loop3A_342, %parallel_loop3A_343] {strides = array<i32>} : memref<8x768xf32, #tpu.memory_space<vmem>>, vector<1x16xf32>,
      %parallel_loop3A_345 = vector.shape_cast %parallel_loop3A_344 : vector<1x16xf32> to vector<16xf32>
      %parallel_loop3A_346 = arith.index_cast %parallel_loop3A_215 : i32 to index
      %parallel_loop3A_347 = arith.constant 224 : index
      %parallel_loop3A_348 = tpu.vector_load %arg8[%parallel_loop3A_346, %parallel_loop3A_347] {strides = array<i32>} : memref<8x768xf32, #tpu.memory_space<vmem>>, vector<1x16xf32>,
      %parallel_loop3A_349 = vector.shape_cast %parallel_loop3A_348 : vector<1x16xf32> to vector<16xf32>
      %parallel_loop3A_350 = vector.shape_cast %parallel_loop3A_345 : vector<16xf32> to vector<1x16xf32>
      tpu.vector_store %arg8[%parallel_loop3A_346, %parallel_loop3A_347], %parallel_loop3A_350 {add = true, strides = array<i32>} : memref<8x768xf32, #tpu.memory_space<vmem>>, vector<1x16xf32>,
      %parallel_loop3A_351 = arith.index_cast %parallel_loop3A_215 : i32 to index
      %parallel_loop3A_352 = arith.constant 240 : index
      %parallel_loop3A_353 = tpu.vector_load %arg5[%parallel_loop3A_351, %parallel_loop3A_352] {strides = array<i32>} : memref<8x768xf32, #tpu.memory_space<vmem>>, vector<1x16xf32>,
      %parallel_loop3A_354 = vector.shape_cast %parallel_loop3A_353 : vector<1x16xf32> to vector<16xf32>
      %parallel_loop3A_355 = arith.index_cast %parallel_loop3A_215 : i32 to index
      %parallel_loop3A_356 = arith.constant 240 : index
      %parallel_loop3A_357 = tpu.vector_load %arg8[%parallel_loop3A_355, %parallel_loop3A_356] {strides = array<i32>} : memref<8x768xf32, #tpu.memory_space<vmem>>, vector<1x16xf32>,
      %parallel_loop3A_358 = vector.shape_cast %parallel_loop3A_357 : vector<1x16xf32> to vector<16xf32>
      %parallel_loop3A_359 = vector.shape_cast %parallel_loop3A_354 : vector<16xf32> to vector<1x16xf32>
      tpu.vector_store %arg8[%parallel_loop3A_355, %parallel_loop3A_356], %parallel_loop3A_359 {add = true, strides = array<i32>} : memref<8x768xf32, #tpu.memory_space<vmem>>, vector<1x16xf32>,
      %parallel_loop3A_360 = arith.index_cast %parallel_loop3A_215 : i32 to index
      %parallel_loop3A_361 = arith.constant 256 : index
      %parallel_loop3A_362 = tpu.vector_load %arg5[%parallel_loop3A_360, %parallel_loop3A_361] {strides = array<i32>} : memref<8x768xf32, #tpu.memory_space<vmem>>, vector<1x16xf32>,
      %parallel_loop3A_363 = vector.shape_cast %parallel_loop3A_362 : vector<1x16xf32> to vector<16xf32>
      %parallel_loop3A_364 = arith.index_cast %parallel_loop3A_215 : i32 to index
      %parallel_loop3A_365 = arith.constant 256 : index
      %parallel_loop3A_366 = tpu.vector_load %arg8[%parallel_loop3A_364, %parallel_loop3A_365] {strides = array<i32>} : memref<8x768xf32, #tpu.memory_space<vmem>>, vector<1x16xf32>,
      %parallel_loop3A_367 = vector.shape_cast %parallel_loop3A_366 : vector<1x16xf32> to vector<16xf32>
      %parallel_loop3A_368 = vector.shape_cast %parallel_loop3A_363 : vector<16xf32> to vector<1x16xf32>
      tpu.vector_store %arg8[%parallel_loop3A_364, %parallel_loop3A_365], %parallel_loop3A_368 {add = true, strides = array<i32>} : memref<8x768xf32, #tpu.memory_space<vmem>>, vector<1x16xf32>,
      %parallel_loop3A_369 = arith.index_cast %parallel_loop3A_215 : i32 to index
      %parallel_loop3A_370 = arith.constant 272 : index
      %parallel_loop3A_371 = tpu.vector_load %arg5[%parallel_loop3A_369, %parallel_loop3A_370] {strides = array<i32>} : memref<8x768xf32, #tpu.memory_space<vmem>>, vector<1x16xf32>,
      %parallel_loop3A_372 = vector.shape_cast %parallel_loop3A_371 : vector<1x16xf32> to vector<16xf32>
      %parallel_loop3A_373 = arith.index_cast %parallel_loop3A_215 : i32 to index
      %parallel_loop3A_374 = arith.constant 272 : index
      %parallel_loop3A_375 = tpu.vector_load %arg8[%parallel_loop3A_373, %parallel_loop3A_374] {strides = array<i32>} : memref<8x768xf32, #tpu.memory_space<vmem>>, vector<1x16xf32>,
      %parallel_loop3A_376 = vector.shape_cast %parallel_loop3A_375 : vector<1x16xf32> to vector<16xf32>
      %parallel_loop3A_377 = vector.shape_cast %parallel_loop3A_372 : vector<16xf32> to vector<1x16xf32>
      tpu.vector_store %arg8[%parallel_loop3A_373, %parallel_loop3A_374], %parallel_loop3A_377 {add = true, strides = array<i32>} : memref<8x768xf32, #tpu.memory_space<vmem>>, vector<1x16xf32>,
      %parallel_loop3A_378 = arith.index_cast %parallel_loop3A_215 : i32 to index
      %parallel_loop3A_379 = arith.constant 288 : index
      %parallel_loop3A_380 = tpu.vector_load %arg5[%parallel_loop3A_378, %parallel_loop3A_379] {strides = array<i32>} : memref<8x768xf32, #tpu.memory_space<vmem>>, vector<1x16xf32>,
      %parallel_loop3A_381 = vector.shape_cast %parallel_loop3A_380 : vector<1x16xf32> to vector<16xf32>
      %parallel_loop3A_382 = arith.index_cast %parallel_loop3A_215 : i32 to index
      %parallel_loop3A_383 = arith.constant 288 : index
      %parallel_loop3A_384 = tpu.vector_load %arg8[%parallel_loop3A_382, %parallel_loop3A_383] {strides = array<i32>} : memref<8x768xf32, #tpu.memory_space<vmem>>, vector<1x16xf32>,
      %parallel_loop3A_385 = vector.shape_cast %parallel_loop3A_384 : vector<1x16xf32> to vector<16xf32>
      %parallel_loop3A_386 = vector.shape_cast %parallel_loop3A_381 : vector<16xf32> to vector<1x16xf32>
      tpu.vector_store %arg8[%parallel_loop3A_382, %parallel_loop3A_383], %parallel_loop3A_386 {add = true, strides = array<i32>} : memref<8x768xf32, #tpu.memory_space<vmem>>, vector<1x16xf32>,
      %parallel_loop3A_387 = arith.index_cast %parallel_loop3A_215 : i32 to index
      %parallel_loop3A_388 = arith.constant 304 : index
      %parallel_loop3A_389 = tpu.vector_load %arg5[%parallel_loop3A_387, %parallel_loop3A_388] {strides = array<i32>} : memref<8x768xf32, #tpu.memory_space<vmem>>, vector<1x16xf32>,
      %parallel_loop3A_390 = vector.shape_cast %parallel_loop3A_389 : vector<1x16xf32> to vector<16xf32>
      %parallel_loop3A_391 = arith.index_cast %parallel_loop3A_215 : i32 to index
      %parallel_loop3A_392 = arith.constant 304 : index
      %parallel_loop3A_393 = tpu.vector_load %arg8[%parallel_loop3A_391, %parallel_loop3A_392] {strides = array<i32>} : memref<8x768xf32, #tpu.memory_space<vmem>>, vector<1x16xf32>,
      %parallel_loop3A_394 = vector.shape_cast %parallel_loop3A_393 : vector<1x16xf32> to vector<16xf32>
      %parallel_loop3A_395 = vector.shape_cast %parallel_loop3A_390 : vector<16xf32> to vector<1x16xf32>
      tpu.vector_store %arg8[%parallel_loop3A_391, %parallel_loop3A_392], %parallel_loop3A_395 {add = true, strides = array<i32>} : memref<8x768xf32, #tpu.memory_space<vmem>>, vector<1x16xf32>,
      %parallel_loop3A_396 = arith.index_cast %parallel_loop3A_215 : i32 to index
      %parallel_loop3A_397 = arith.constant 320 : index
      %parallel_loop3A_398 = tpu.vector_load %arg5[%parallel_loop3A_396, %parallel_loop3A_397] {strides = array<i32>} : memref<8x768xf32, #tpu.memory_space<vmem>>, vector<1x16xf32>,
      %parallel_loop3A_399 = vector.shape_cast %parallel_loop3A_398 : vector<1x16xf32> to vector<16xf32>
      %parallel_loop3A_400 = arith.index_cast %parallel_loop3A_215 : i32 to index
      %parallel_loop3A_401 = arith.constant 320 : index
      %parallel_loop3A_402 = tpu.vector_load %arg8[%parallel_loop3A_400, %parallel_loop3A_401] {strides = array<i32>} : memref<8x768xf32, #tpu.memory_space<vmem>>, vector<1x16xf32>,
      %parallel_loop3A_403 = vector.shape_cast %parallel_loop3A_402 : vector<1x16xf32> to vector<16xf32>
      %parallel_loop3A_404 = vector.shape_cast %parallel_loop3A_399 : vector<16xf32> to vector<1x16xf32>
      tpu.vector_store %arg8[%parallel_loop3A_400, %parallel_loop3A_401], %parallel_loop3A_404 {add = true, strides = array<i32>} : memref<8x768xf32, #tpu.memory_space<vmem>>, vector<1x16xf32>,
      %parallel_loop3A_405 = arith.index_cast %parallel_loop3A_215 : i32 to index
      %parallel_loop3A_406 = arith.constant 336 : index
      %parallel_loop3A_407 = tpu.vector_load %arg5[%parallel_loop3A_405, %parallel_loop3A_406] {strides = array<i32>} : memref<8x768xf32, #tpu.memory_space<vmem>>, vector<1x16xf32>,
      %parallel_loop3A_408 = vector.shape_cast %parallel_loop3A_407 : vector<1x16xf32> to vector<16xf32>
      %parallel_loop3A_409 = arith.index_cast %parallel_loop3A_215 : i32 to index
      %parallel_loop3A_410 = arith.constant 336 : index
      %parallel_loop3A_411 = tpu.vector_load %arg8[%parallel_loop3A_409, %parallel_loop3A_410] {strides = array<i32>} : memref<8x768xf32, #tpu.memory_space<vmem>>, vector<1x16xf32>,
      %parallel_loop3A_412 = vector.shape_cast %parallel_loop3A_411 : vector<1x16xf32> to vector<16xf32>
      %parallel_loop3A_413 = vector.shape_cast %parallel_loop3A_408 : vector<16xf32> to vector<1x16xf32>
      tpu.vector_store %arg8[%parallel_loop3A_409, %parallel_loop3A_410], %parallel_loop3A_413 {add = true, strides = array<i32>} : memref<8x768xf32, #tpu.memory_space<vmem>>, vector<1x16xf32>,
      %parallel_loop3A_414 = arith.index_cast %parallel_loop3A_215 : i32 to index
      %parallel_loop3A_415 = arith.constant 352 : index
      %parallel_loop3A_416 = tpu.vector_load %arg5[%parallel_loop3A_414, %parallel_loop3A_415] {strides = array<i32>} : memref<8x768xf32, #tpu.memory_space<vmem>>, vector<1x16xf32>,
      %parallel_loop3A_417 = vector.shape_cast %parallel_loop3A_416 : vector<1x16xf32> to vector<16xf32>
      %parallel_loop3A_418 = arith.index_cast %parallel_loop3A_215 : i32 to index
      %parallel_loop3A_419 = arith.constant 352 : index
      %parallel_loop3A_420 = tpu.vector_load %arg8[%parallel_loop3A_418, %parallel_loop3A_419] {strides = array<i32>} : memref<8x768xf32, #tpu.memory_space<vmem>>, vector<1x16xf32>,
      %parallel_loop3A_421 = vector.shape_cast %parallel_loop3A_420 : vector<1x16xf32> to vector<16xf32>
      %parallel_loop3A_422 = vector.shape_cast %parallel_loop3A_417 : vector<16xf32> to vector<1x16xf32>
      tpu.vector_store %arg8[%parallel_loop3A_418, %parallel_loop3A_419], %parallel_loop3A_422 {add = true, strides = array<i32>} : memref<8x768xf32, #tpu.memory_space<vmem>>, vector<1x16xf32>,
      %parallel_loop3A_423 = arith.index_cast %parallel_loop3A_215 : i32 to index
      %parallel_loop3A_424 = arith.constant 368 : index
      %parallel_loop3A_425 = tpu.vector_load %arg5[%parallel_loop3A_423, %parallel_loop3A_424] {strides = array<i32>} : memref<8x768xf32, #tpu.memory_space<vmem>>, vector<1x16xf32>,
      %parallel_loop3A_426 = vector.shape_cast %parallel_loop3A_425 : vector<1x16xf32> to vector<16xf32>
      %parallel_loop3A_427 = arith.index_cast %parallel_loop3A_215 : i32 to index
      %parallel_loop3A_428 = arith.constant 368 : index
      %parallel_loop3A_429 = tpu.vector_load %arg8[%parallel_loop3A_427, %parallel_loop3A_428] {strides = array<i32>} : memref<8x768xf32, #tpu.memory_space<vmem>>, vector<1x16xf32>,
      %parallel_loop3A_430 = vector.shape_cast %parallel_loop3A_429 : vector<1x16xf32> to vector<16xf32>
      %parallel_loop3A_431 = vector.shape_cast %parallel_loop3A_426 : vector<16xf32> to vector<1x16xf32>
      tpu.vector_store %arg8[%parallel_loop3A_427, %parallel_loop3A_428], %parallel_loop3A_431 {add = true, strides = array<i32>} : memref<8x768xf32, #tpu.memory_space<vmem>>, vector<1x16xf32>,
      %parallel_loop3A_432 = arith.index_cast %parallel_loop3A_215 : i32 to index
      %parallel_loop3A_433 = arith.constant 384 : index
      %parallel_loop3A_434 = tpu.vector_load %arg5[%parallel_loop3A_432, %parallel_loop3A_433] {strides = array<i32>} : memref<8x768xf32, #tpu.memory_space<vmem>>, vector<1x16xf32>,
      %parallel_loop3A_435 = vector.shape_cast %parallel_loop3A_434 : vector<1x16xf32> to vector<16xf32>
      %parallel_loop3A_436 = arith.index_cast %parallel_loop3A_215 : i32 to index
      %parallel_loop3A_437 = arith.constant 384 : index
      %parallel_loop3A_438 = tpu.vector_load %arg8[%parallel_loop3A_436, %parallel_loop3A_437] {strides = array<i32>} : memref<8x768xf32, #tpu.memory_space<vmem>>, vector<1x16xf32>,
      %parallel_loop3A_439 = vector.shape_cast %parallel_loop3A_438 : vector<1x16xf32> to vector<16xf32>
      %parallel_loop3A_440 = vector.shape_cast %parallel_loop3A_435 : vector<16xf32> to vector<1x16xf32>
      tpu.vector_store %arg8[%parallel_loop3A_436, %parallel_loop3A_437], %parallel_loop3A_440 {add = true, strides = array<i32>} : memref<8x768xf32, #tpu.memory_space<vmem>>, vector<1x16xf32>,
      %parallel_loop3A_441 = arith.index_cast %parallel_loop3A_215 : i32 to index
      %parallel_loop3A_442 = arith.constant 400 : index
      %parallel_loop3A_443 = tpu.vector_load %arg5[%parallel_loop3A_441, %parallel_loop3A_442] {strides = array<i32>} : memref<8x768xf32, #tpu.memory_space<vmem>>, vector<1x16xf32>,
      %parallel_loop3A_444 = vector.shape_cast %parallel_loop3A_443 : vector<1x16xf32> to vector<16xf32>
      %parallel_loop3A_445 = arith.index_cast %parallel_loop3A_215 : i32 to index
      %parallel_loop3A_446 = arith.constant 400 : index
      %parallel_loop3A_447 = tpu.vector_load %arg8[%parallel_loop3A_445, %parallel_loop3A_446] {strides = array<i32>} : memref<8x768xf32, #tpu.memory_space<vmem>>, vector<1x16xf32>,
      %parallel_loop3A_448 = vector.shape_cast %parallel_loop3A_447 : vector<1x16xf32> to vector<16xf32>
      %parallel_loop3A_449 = vector.shape_cast %parallel_loop3A_444 : vector<16xf32> to vector<1x16xf32>
      tpu.vector_store %arg8[%parallel_loop3A_445, %parallel_loop3A_446], %parallel_loop3A_449 {add = true, strides = array<i32>} : memref<8x768xf32, #tpu.memory_space<vmem>>, vector<1x16xf32>,
      %parallel_loop3A_450 = arith.index_cast %parallel_loop3A_215 : i32 to index
      %parallel_loop3A_451 = arith.constant 416 : index
      %parallel_loop3A_452 = tpu.vector_load %arg5[%parallel_loop3A_450, %parallel_loop3A_451] {strides = array<i32>} : memref<8x768xf32, #tpu.memory_space<vmem>>, vector<1x16xf32>,
      %parallel_loop3A_453 = vector.shape_cast %parallel_loop3A_452 : vector<1x16xf32> to vector<16xf32>
      %parallel_loop3A_454 = arith.index_cast %parallel_loop3A_215 : i32 to index
      %parallel_loop3A_455 = arith.constant 416 : index
      %parallel_loop3A_456 = tpu.vector_load %arg8[%parallel_loop3A_454, %parallel_loop3A_455] {strides = array<i32>} : memref<8x768xf32, #tpu.memory_space<vmem>>, vector<1x16xf32>,
      %parallel_loop3A_457 = vector.shape_cast %parallel_loop3A_456 : vector<1x16xf32> to vector<16xf32>
      %parallel_loop3A_458 = vector.shape_cast %parallel_loop3A_453 : vector<16xf32> to vector<1x16xf32>
      tpu.vector_store %arg8[%parallel_loop3A_454, %parallel_loop3A_455], %parallel_loop3A_458 {add = true, strides = array<i32>} : memref<8x768xf32, #tpu.memory_space<vmem>>, vector<1x16xf32>,
      %parallel_loop3A_459 = arith.index_cast %parallel_loop3A_215 : i32 to index
      %parallel_loop3A_460 = arith.constant 432 : index
      %parallel_loop3A_461 = tpu.vector_load %arg5[%parallel_loop3A_459, %parallel_loop3A_460] {strides = array<i32>} : memref<8x768xf32, #tpu.memory_space<vmem>>, vector<1x16xf32>,
      %parallel_loop3A_462 = vector.shape_cast %parallel_loop3A_461 : vector<1x16xf32> to vector<16xf32>
      %parallel_loop3A_463 = arith.index_cast %parallel_loop3A_215 : i32 to index
      %parallel_loop3A_464 = arith.constant 432 : index
      %parallel_loop3A_465 = tpu.vector_load %arg8[%parallel_loop3A_463, %parallel_loop3A_464] {strides = array<i32>} : memref<8x768xf32, #tpu.memory_space<vmem>>, vector<1x16xf32>,
      %parallel_loop3A_466 = vector.shape_cast %parallel_loop3A_465 : vector<1x16xf32> to vector<16xf32>
      %parallel_loop3A_467 = vector.shape_cast %parallel_loop3A_462 : vector<16xf32> to vector<1x16xf32>
      tpu.vector_store %arg8[%parallel_loop3A_463, %parallel_loop3A_464], %parallel_loop3A_467 {add = true, strides = array<i32>} : memref<8x768xf32, #tpu.memory_space<vmem>>, vector<1x16xf32>,
      %parallel_loop3A_468 = arith.index_cast %parallel_loop3A_215 : i32 to index
      %parallel_loop3A_469 = arith.constant 448 : index
      %parallel_loop3A_470 = tpu.vector_load %arg5[%parallel_loop3A_468, %parallel_loop3A_469] {strides = array<i32>} : memref<8x768xf32, #tpu.memory_space<vmem>>, vector<1x16xf32>,
      %parallel_loop3A_471 = vector.shape_cast %parallel_loop3A_470 : vector<1x16xf32> to vector<16xf32>
      %parallel_loop3A_472 = arith.index_cast %parallel_loop3A_215 : i32 to index
      %parallel_loop3A_473 = arith.constant 448 : index
      %parallel_loop3A_474 = tpu.vector_load %arg8[%parallel_loop3A_472, %parallel_loop3A_473] {strides = array<i32>} : memref<8x768xf32, #tpu.memory_space<vmem>>, vector<1x16xf32>,
      %parallel_loop3A_475 = vector.shape_cast %parallel_loop3A_474 : vector<1x16xf32> to vector<16xf32>
      %parallel_loop3A_476 = vector.shape_cast %parallel_loop3A_471 : vector<16xf32> to vector<1x16xf32>
      tpu.vector_store %arg8[%parallel_loop3A_472, %parallel_loop3A_473], %parallel_loop3A_476 {add = true, strides = array<i32>} : memref<8x768xf32, #tpu.memory_space<vmem>>, vector<1x16xf32>,
      %parallel_loop3A_477 = arith.index_cast %parallel_loop3A_215 : i32 to index
      %parallel_loop3A_478 = arith.constant 464 : index
      %parallel_loop3A_479 = tpu.vector_load %arg5[%parallel_loop3A_477, %parallel_loop3A_478] {strides = array<i32>} : memref<8x768xf32, #tpu.memory_space<vmem>>, vector<1x16xf32>,
      %parallel_loop3A_480 = vector.shape_cast %parallel_loop3A_479 : vector<1x16xf32> to vector<16xf32>
      %parallel_loop3A_481 = arith.index_cast %parallel_loop3A_215 : i32 to index
      %parallel_loop3A_482 = arith.constant 464 : index
      %parallel_loop3A_483 = tpu.vector_load %arg8[%parallel_loop3A_481, %parallel_loop3A_482] {strides = array<i32>} : memref<8x768xf32, #tpu.memory_space<vmem>>, vector<1x16xf32>,
      %parallel_loop3A_484 = vector.shape_cast %parallel_loop3A_483 : vector<1x16xf32> to vector<16xf32>
      %parallel_loop3A_485 = vector.shape_cast %parallel_loop3A_480 : vector<16xf32> to vector<1x16xf32>
      tpu.vector_store %arg8[%parallel_loop3A_481, %parallel_loop3A_482], %parallel_loop3A_485 {add = true, strides = array<i32>} : memref<8x768xf32, #tpu.memory_space<vmem>>, vector<1x16xf32>,
      %parallel_loop3A_486 = arith.index_cast %parallel_loop3A_215 : i32 to index
      %parallel_loop3A_487 = arith.constant 480 : index
      %parallel_loop3A_488 = tpu.vector_load %arg5[%parallel_loop3A_486, %parallel_loop3A_487] {strides = array<i32>} : memref<8x768xf32, #tpu.memory_space<vmem>>, vector<1x16xf32>,
      %parallel_loop3A_489 = vector.shape_cast %parallel_loop3A_488 : vector<1x16xf32> to vector<16xf32>
      %parallel_loop3A_490 = arith.index_cast %parallel_loop3A_215 : i32 to index
      %parallel_loop3A_491 = arith.constant 480 : index
      %parallel_loop3A_492 = tpu.vector_load %arg8[%parallel_loop3A_490, %parallel_loop3A_491] {strides = array<i32>} : memref<8x768xf32, #tpu.memory_space<vmem>>, vector<1x16xf32>,
      %parallel_loop3A_493 = vector.shape_cast %parallel_loop3A_492 : vector<1x16xf32> to vector<16xf32>
      %parallel_loop3A_494 = vector.shape_cast %parallel_loop3A_489 : vector<16xf32> to vector<1x16xf32>
      tpu.vector_store %arg8[%parallel_loop3A_490, %parallel_loop3A_491], %parallel_loop3A_494 {add = true, strides = array<i32>} : memref<8x768xf32, #tpu.memory_space<vmem>>, vector<1x16xf32>,
      %parallel_loop3A_495 = arith.index_cast %parallel_loop3A_215 : i32 to index
      %parallel_loop3A_496 = arith.constant 496 : index
      %parallel_loop3A_497 = tpu.vector_load %arg5[%parallel_loop3A_495, %parallel_loop3A_496] {strides = array<i32>} : memref<8x768xf32, #tpu.memory_space<vmem>>, vector<1x16xf32>,
      %parallel_loop3A_498 = vector.shape_cast %parallel_loop3A_497 : vector<1x16xf32> to vector<16xf32>
      %parallel_loop3A_499 = arith.index_cast %parallel_loop3A_215 : i32 to index
      %parallel_loop3A_500 = arith.constant 496 : index
      %parallel_loop3A_501 = tpu.vector_load %arg8[%parallel_loop3A_499, %parallel_loop3A_500] {strides = array<i32>} : memref<8x768xf32, #tpu.memory_space<vmem>>, vector<1x16xf32>,
      %parallel_loop3A_502 = vector.shape_cast %parallel_loop3A_501 : vector<1x16xf32> to vector<16xf32>
      %parallel_loop3A_503 = vector.shape_cast %parallel_loop3A_498 : vector<16xf32> to vector<1x16xf32>
      tpu.vector_store %arg8[%parallel_loop3A_499, %parallel_loop3A_500], %parallel_loop3A_503 {add = true, strides = array<i32>} : memref<8x768xf32, #tpu.memory_space<vmem>>, vector<1x16xf32>,
      %parallel_loop3A_504 = arith.index_cast %parallel_loop3A_215 : i32 to index
      %parallel_loop3A_505 = arith.constant 512 : index
      %parallel_loop3A_506 = tpu.vector_load %arg5[%parallel_loop3A_504, %parallel_loop3A_505] {strides = array<i32>} : memref<8x768xf32, #tpu.memory_space<vmem>>, vector<1x16xf32>,
      %parallel_loop3A_507 = vector.shape_cast %parallel_loop3A_506 : vector<1x16xf32> to vector<16xf32>
      %parallel_loop3A_508 = arith.index_cast %parallel_loop3A_215 : i32 to index
      %parallel_loop3A_509 = arith.constant 512 : index
      %parallel_loop3A_510 = tpu.vector_load %arg8[%parallel_loop3A_508, %parallel_loop3A_509] {strides = array<i32>} : memref<8x768xf32, #tpu.memory_space<vmem>>, vector<1x16xf32>,
      %parallel_loop3A_511 = vector.shape_cast %parallel_loop3A_510 : vector<1x16xf32> to vector<16xf32>
      %parallel_loop3A_512 = vector.shape_cast %parallel_loop3A_507 : vector<16xf32> to vector<1x16xf32>
      tpu.vector_store %arg8[%parallel_loop3A_508, %parallel_loop3A_509], %parallel_loop3A_512 {add = true, strides = array<i32>} : memref<8x768xf32, #tpu.memory_space<vmem>>, vector<1x16xf32>,
      %parallel_loop3A_513 = arith.index_cast %parallel_loop3A_215 : i32 to index
      %parallel_loop3A_514 = arith.constant 528 : index
      %parallel_loop3A_515 = tpu.vector_load %arg5[%parallel_loop3A_513, %parallel_loop3A_514] {strides = array<i32>} : memref<8x768xf32, #tpu.memory_space<vmem>>, vector<1x16xf32>,
      %parallel_loop3A_516 = vector.shape_cast %parallel_loop3A_515 : vector<1x16xf32> to vector<16xf32>
      %parallel_loop3A_517 = arith.index_cast %parallel_loop3A_215 : i32 to index
      %parallel_loop3A_518 = arith.constant 528 : index
      %parallel_loop3A_519 = tpu.vector_load %arg8[%parallel_loop3A_517, %parallel_loop3A_518] {strides = array<i32>} : memref<8x768xf32, #tpu.memory_space<vmem>>, vector<1x16xf32>,
      %parallel_loop3A_520 = vector.shape_cast %parallel_loop3A_519 : vector<1x16xf32> to vector<16xf32>
      %parallel_loop3A_521 = vector.shape_cast %parallel_loop3A_516 : vector<16xf32> to vector<1x16xf32>
      tpu.vector_store %arg8[%parallel_loop3A_517, %parallel_loop3A_518], %parallel_loop3A_521 {add = true, strides = array<i32>} : memref<8x768xf32, #tpu.memory_space<vmem>>, vector<1x16xf32>,
      %parallel_loop3A_522 = arith.index_cast %parallel_loop3A_215 : i32 to index
      %parallel_loop3A_523 = arith.constant 544 : index
      %parallel_loop3A_524 = tpu.vector_load %arg5[%parallel_loop3A_522, %parallel_loop3A_523] {strides = array<i32>} : memref<8x768xf32, #tpu.memory_space<vmem>>, vector<1x16xf32>,
      %parallel_loop3A_525 = vector.shape_cast %parallel_loop3A_524 : vector<1x16xf32> to vector<16xf32>
      %parallel_loop3A_526 = arith.index_cast %parallel_loop3A_215 : i32 to index
      %parallel_loop3A_527 = arith.constant 544 : index
      %parallel_loop3A_528 = tpu.vector_load %arg8[%parallel_loop3A_526, %parallel_loop3A_527] {strides = array<i32>} : memref<8x768xf32, #tpu.memory_space<vmem>>, vector<1x16xf32>,
      %parallel_loop3A_529 = vector.shape_cast %parallel_loop3A_528 : vector<1x16xf32> to vector<16xf32>
      %parallel_loop3A_530 = vector.shape_cast %parallel_loop3A_525 : vector<16xf32> to vector<1x16xf32>
      tpu.vector_store %arg8[%parallel_loop3A_526, %parallel_loop3A_527], %parallel_loop3A_530 {add = true, strides = array<i32>} : memref<8x768xf32, #tpu.memory_space<vmem>>, vector<1x16xf32>,
      %parallel_loop3A_531 = arith.index_cast %parallel_loop3A_215 : i32 to index
      %parallel_loop3A_532 = arith.constant 560 : index
      %parallel_loop3A_533 = tpu.vector_load %arg5[%parallel_loop3A_531, %parallel_loop3A_532] {strides = array<i32>} : memref<8x768xf32, #tpu.memory_space<vmem>>, vector<1x16xf32>,
      %parallel_loop3A_534 = vector.shape_cast %parallel_loop3A_533 : vector<1x16xf32> to vector<16xf32>
      %parallel_loop3A_535 = arith.index_cast %parallel_loop3A_215 : i32 to index
      %parallel_loop3A_536 = arith.constant 560 : index
      %parallel_loop3A_537 = tpu.vector_load %arg8[%parallel_loop3A_535, %parallel_loop3A_536] {strides = array<i32>} : memref<8x768xf32, #tpu.memory_space<vmem>>, vector<1x16xf32>,
      %parallel_loop3A_538 = vector.shape_cast %parallel_loop3A_537 : vector<1x16xf32> to vector<16xf32>
      %parallel_loop3A_539 = vector.shape_cast %parallel_loop3A_534 : vector<16xf32> to vector<1x16xf32>
      tpu.vector_store %arg8[%parallel_loop3A_535, %parallel_loop3A_536], %parallel_loop3A_539 {add = true, strides = array<i32>} : memref<8x768xf32, #tpu.memory_space<vmem>>, vector<1x16xf32>,
      %parallel_loop3A_540 = arith.index_cast %parallel_loop3A_215 : i32 to index
      %parallel_loop3A_541 = arith.constant 576 : index
      %parallel_loop3A_542 = tpu.vector_load %arg5[%parallel_loop3A_540, %parallel_loop3A_541] {strides = array<i32>} : memref<8x768xf32, #tpu.memory_space<vmem>>, vector<1x16xf32>,
      %parallel_loop3A_543 = vector.shape_cast %parallel_loop3A_542 : vector<1x16xf32> to vector<16xf32>
      %parallel_loop3A_544 = arith.index_cast %parallel_loop3A_215 : i32 to index
      %parallel_loop3A_545 = arith.constant 576 : index
      %parallel_loop3A_546 = tpu.vector_load %arg8[%parallel_loop3A_544, %parallel_loop3A_545] {strides = array<i32>} : memref<8x768xf32, #tpu.memory_space<vmem>>, vector<1x16xf32>,
      %parallel_loop3A_547 = vector.shape_cast %parallel_loop3A_546 : vector<1x16xf32> to vector<16xf32>
      %parallel_loop3A_548 = vector.shape_cast %parallel_loop3A_543 : vector<16xf32> to vector<1x16xf32>
      tpu.vector_store %arg8[%parallel_loop3A_544, %parallel_loop3A_545], %parallel_loop3A_548 {add = true, strides = array<i32>} : memref<8x768xf32, #tpu.memory_space<vmem>>, vector<1x16xf32>,
      %parallel_loop3A_549 = arith.index_cast %parallel_loop3A_215 : i32 to index
      %parallel_loop3A_550 = arith.constant 592 : index
      %parallel_loop3A_551 = tpu.vector_load %arg5[%parallel_loop3A_549, %parallel_loop3A_550] {strides = array<i32>} : memref<8x768xf32, #tpu.memory_space<vmem>>, vector<1x16xf32>,
      %parallel_loop3A_552 = vector.shape_cast %parallel_loop3A_551 : vector<1x16xf32> to vector<16xf32>
      %parallel_loop3A_553 = arith.index_cast %parallel_loop3A_215 : i32 to index
      %parallel_loop3A_554 = arith.constant 592 : index
      %parallel_loop3A_555 = tpu.vector_load %arg8[%parallel_loop3A_553, %parallel_loop3A_554] {strides = array<i32>} : memref<8x768xf32, #tpu.memory_space<vmem>>, vector<1x16xf32>,
      %parallel_loop3A_556 = vector.shape_cast %parallel_loop3A_555 : vector<1x16xf32> to vector<16xf32>
      %parallel_loop3A_557 = vector.shape_cast %parallel_loop3A_552 : vector<16xf32> to vector<1x16xf32>
      tpu.vector_store %arg8[%parallel_loop3A_553, %parallel_loop3A_554], %parallel_loop3A_557 {add = true, strides = array<i32>} : memref<8x768xf32, #tpu.memory_space<vmem>>, vector<1x16xf32>,
      %parallel_loop3A_558 = arith.index_cast %parallel_loop3A_215 : i32 to index
      %parallel_loop3A_559 = arith.constant 608 : index
      %parallel_loop3A_560 = tpu.vector_load %arg5[%parallel_loop3A_558, %parallel_loop3A_559] {strides = array<i32>} : memref<8x768xf32, #tpu.memory_space<vmem>>, vector<1x16xf32>,
      %parallel_loop3A_561 = vector.shape_cast %parallel_loop3A_560 : vector<1x16xf32> to vector<16xf32>
      %parallel_loop3A_562 = arith.index_cast %parallel_loop3A_215 : i32 to index
      %parallel_loop3A_563 = arith.constant 608 : index
      %parallel_loop3A_564 = tpu.vector_load %arg8[%parallel_loop3A_562, %parallel_loop3A_563] {strides = array<i32>} : memref<8x768xf32, #tpu.memory_space<vmem>>, vector<1x16xf32>,
      %parallel_loop3A_565 = vector.shape_cast %parallel_loop3A_564 : vector<1x16xf32> to vector<16xf32>
      %parallel_loop3A_566 = vector.shape_cast %parallel_loop3A_561 : vector<16xf32> to vector<1x16xf32>
      tpu.vector_store %arg8[%parallel_loop3A_562, %parallel_loop3A_563], %parallel_loop3A_566 {add = true, strides = array<i32>} : memref<8x768xf32, #tpu.memory_space<vmem>>, vector<1x16xf32>,
      %parallel_loop3A_567 = arith.index_cast %parallel_loop3A_215 : i32 to index
      %parallel_loop3A_568 = arith.constant 624 : index
      %parallel_loop3A_569 = tpu.vector_load %arg5[%parallel_loop3A_567, %parallel_loop3A_568] {strides = array<i32>} : memref<8x768xf32, #tpu.memory_space<vmem>>, vector<1x16xf32>,
      %parallel_loop3A_570 = vector.shape_cast %parallel_loop3A_569 : vector<1x16xf32> to vector<16xf32>
      %parallel_loop3A_571 = arith.index_cast %parallel_loop3A_215 : i32 to index
      %parallel_loop3A_572 = arith.constant 624 : index
      %parallel_loop3A_573 = tpu.vector_load %arg8[%parallel_loop3A_571, %parallel_loop3A_572] {strides = array<i32>} : memref<8x768xf32, #tpu.memory_space<vmem>>, vector<1x16xf32>,
      %parallel_loop3A_574 = vector.shape_cast %parallel_loop3A_573 : vector<1x16xf32> to vector<16xf32>
      %parallel_loop3A_575 = vector.shape_cast %parallel_loop3A_570 : vector<16xf32> to vector<1x16xf32>
      tpu.vector_store %arg8[%parallel_loop3A_571, %parallel_loop3A_572], %parallel_loop3A_575 {add = true, strides = array<i32>} : memref<8x768xf32, #tpu.memory_space<vmem>>, vector<1x16xf32>,
      %parallel_loop3A_576 = arith.index_cast %parallel_loop3A_215 : i32 to index
      %parallel_loop3A_577 = arith.constant 640 : index
      %parallel_loop3A_578 = tpu.vector_load %arg5[%parallel_loop3A_576, %parallel_loop3A_577] {strides = array<i32>} : memref<8x768xf32, #tpu.memory_space<vmem>>, vector<1x16xf32>,
      %parallel_loop3A_579 = vector.shape_cast %parallel_loop3A_578 : vector<1x16xf32> to vector<16xf32>
      %parallel_loop3A_580 = arith.index_cast %parallel_loop3A_215 : i32 to index
      %parallel_loop3A_581 = arith.constant 640 : index
      %parallel_loop3A_582 = tpu.vector_load %arg8[%parallel_loop3A_580, %parallel_loop3A_581] {strides = array<i32>} : memref<8x768xf32, #tpu.memory_space<vmem>>, vector<1x16xf32>,
      %parallel_loop3A_583 = vector.shape_cast %parallel_loop3A_582 : vector<1x16xf32> to vector<16xf32>
      %parallel_loop3A_584 = vector.shape_cast %parallel_loop3A_579 : vector<16xf32> to vector<1x16xf32>
      tpu.vector_store %arg8[%parallel_loop3A_580, %parallel_loop3A_581], %parallel_loop3A_584 {add = true, strides = array<i32>} : memref<8x768xf32, #tpu.memory_space<vmem>>, vector<1x16xf32>,
      %parallel_loop3A_585 = arith.index_cast %parallel_loop3A_215 : i32 to index
      %parallel_loop3A_586 = arith.constant 656 : index
      %parallel_loop3A_587 = tpu.vector_load %arg5[%parallel_loop3A_585, %parallel_loop3A_586] {strides = array<i32>} : memref<8x768xf32, #tpu.memory_space<vmem>>, vector<1x16xf32>,
      %parallel_loop3A_588 = vector.shape_cast %parallel_loop3A_587 : vector<1x16xf32> to vector<16xf32>
      %parallel_loop3A_589 = arith.index_cast %parallel_loop3A_215 : i32 to index
      %parallel_loop3A_590 = arith.constant 656 : index
      %parallel_loop3A_591 = tpu.vector_load %arg8[%parallel_loop3A_589, %parallel_loop3A_590] {strides = array<i32>} : memref<8x768xf32, #tpu.memory_space<vmem>>, vector<1x16xf32>,
      %parallel_loop3A_592 = vector.shape_cast %parallel_loop3A_591 : vector<1x16xf32> to vector<16xf32>
      %parallel_loop3A_593 = vector.shape_cast %parallel_loop3A_588 : vector<16xf32> to vector<1x16xf32>
      tpu.vector_store %arg8[%parallel_loop3A_589, %parallel_loop3A_590], %parallel_loop3A_593 {add = true, strides = array<i32>} : memref<8x768xf32, #tpu.memory_space<vmem>>, vector<1x16xf32>,
      %parallel_loop3A_594 = arith.index_cast %parallel_loop3A_215 : i32 to index
      %parallel_loop3A_595 = arith.constant 672 : index
      %parallel_loop3A_596 = tpu.vector_load %arg5[%parallel_loop3A_594, %parallel_loop3A_595] {strides = array<i32>} : memref<8x768xf32, #tpu.memory_space<vmem>>, vector<1x16xf32>,
      %parallel_loop3A_597 = vector.shape_cast %parallel_loop3A_596 : vector<1x16xf32> to vector<16xf32>
      %parallel_loop3A_598 = arith.index_cast %parallel_loop3A_215 : i32 to index
      %parallel_loop3A_599 = arith.constant 672 : index
      %parallel_loop3A_600 = tpu.vector_load %arg8[%parallel_loop3A_598, %parallel_loop3A_599] {strides = array<i32>} : memref<8x768xf32, #tpu.memory_space<vmem>>, vector<1x16xf32>,
      %parallel_loop3A_601 = vector.shape_cast %parallel_loop3A_600 : vector<1x16xf32> to vector<16xf32>
      %parallel_loop3A_602 = vector.shape_cast %parallel_loop3A_597 : vector<16xf32> to vector<1x16xf32>
      tpu.vector_store %arg8[%parallel_loop3A_598, %parallel_loop3A_599], %parallel_loop3A_602 {add = true, strides = array<i32>} : memref<8x768xf32, #tpu.memory_space<vmem>>, vector<1x16xf32>,
      %parallel_loop3A_603 = arith.index_cast %parallel_loop3A_215 : i32 to index
      %parallel_loop3A_604 = arith.constant 688 : index
      %parallel_loop3A_605 = tpu.vector_load %arg5[%parallel_loop3A_603, %parallel_loop3A_604] {strides = array<i32>} : memref<8x768xf32, #tpu.memory_space<vmem>>, vector<1x16xf32>,
      %parallel_loop3A_606 = vector.shape_cast %parallel_loop3A_605 : vector<1x16xf32> to vector<16xf32>
      %parallel_loop3A_607 = arith.index_cast %parallel_loop3A_215 : i32 to index
      %parallel_loop3A_608 = arith.constant 688 : index
      %parallel_loop3A_609 = tpu.vector_load %arg8[%parallel_loop3A_607, %parallel_loop3A_608] {strides = array<i32>} : memref<8x768xf32, #tpu.memory_space<vmem>>, vector<1x16xf32>,
      %parallel_loop3A_610 = vector.shape_cast %parallel_loop3A_609 : vector<1x16xf32> to vector<16xf32>
      %parallel_loop3A_611 = vector.shape_cast %parallel_loop3A_606 : vector<16xf32> to vector<1x16xf32>
      tpu.vector_store %arg8[%parallel_loop3A_607, %parallel_loop3A_608], %parallel_loop3A_611 {add = true, strides = array<i32>} : memref<8x768xf32, #tpu.memory_space<vmem>>, vector<1x16xf32>,
      %parallel_loop3A_612 = arith.index_cast %parallel_loop3A_215 : i32 to index
      %parallel_loop3A_613 = arith.constant 704 : index
      %parallel_loop3A_614 = tpu.vector_load %arg5[%parallel_loop3A_612, %parallel_loop3A_613] {strides = array<i32>} : memref<8x768xf32, #tpu.memory_space<vmem>>, vector<1x16xf32>,
      %parallel_loop3A_615 = vector.shape_cast %parallel_loop3A_614 : vector<1x16xf32> to vector<16xf32>
      %parallel_loop3A_616 = arith.index_cast %parallel_loop3A_215 : i32 to index
      %parallel_loop3A_617 = arith.constant 704 : index
      %parallel_loop3A_618 = tpu.vector_load %arg8[%parallel_loop3A_616, %parallel_loop3A_617] {strides = array<i32>} : memref<8x768xf32, #tpu.memory_space<vmem>>, vector<1x16xf32>,
      %parallel_loop3A_619 = vector.shape_cast %parallel_loop3A_618 : vector<1x16xf32> to vector<16xf32>
      %parallel_loop3A_620 = vector.shape_cast %parallel_loop3A_615 : vector<16xf32> to vector<1x16xf32>
      tpu.vector_store %arg8[%parallel_loop3A_616, %parallel_loop3A_617], %parallel_loop3A_620 {add = true, strides = array<i32>} : memref<8x768xf32, #tpu.memory_space<vmem>>, vector<1x16xf32>,
      %parallel_loop3A_621 = arith.index_cast %parallel_loop3A_215 : i32 to index
      %parallel_loop3A_622 = arith.constant 720 : index
      %parallel_loop3A_623 = tpu.vector_load %arg5[%parallel_loop3A_621, %parallel_loop3A_622] {strides = array<i32>} : memref<8x768xf32, #tpu.memory_space<vmem>>, vector<1x16xf32>,
      %parallel_loop3A_624 = vector.shape_cast %parallel_loop3A_623 : vector<1x16xf32> to vector<16xf32>
      %parallel_loop3A_625 = arith.index_cast %parallel_loop3A_215 : i32 to index
      %parallel_loop3A_626 = arith.constant 720 : index
      %parallel_loop3A_627 = tpu.vector_load %arg8[%parallel_loop3A_625, %parallel_loop3A_626] {strides = array<i32>} : memref<8x768xf32, #tpu.memory_space<vmem>>, vector<1x16xf32>,
      %parallel_loop3A_628 = vector.shape_cast %parallel_loop3A_627 : vector<1x16xf32> to vector<16xf32>
      %parallel_loop3A_629 = vector.shape_cast %parallel_loop3A_624 : vector<16xf32> to vector<1x16xf32>
      tpu.vector_store %arg8[%parallel_loop3A_625, %parallel_loop3A_626], %parallel_loop3A_629 {add = true, strides = array<i32>} : memref<8x768xf32, #tpu.memory_space<vmem>>, vector<1x16xf32>,
      %parallel_loop3A_630 = arith.index_cast %parallel_loop3A_215 : i32 to index
      %parallel_loop3A_631 = arith.constant 736 : index
      %parallel_loop3A_632 = tpu.vector_load %arg5[%parallel_loop3A_630, %parallel_loop3A_631] {strides = array<i32>} : memref<8x768xf32, #tpu.memory_space<vmem>>, vector<1x16xf32>,
      %parallel_loop3A_633 = vector.shape_cast %parallel_loop3A_632 : vector<1x16xf32> to vector<16xf32>
      %parallel_loop3A_634 = arith.index_cast %parallel_loop3A_215 : i32 to index
      %parallel_loop3A_635 = arith.constant 736 : index
      %parallel_loop3A_636 = tpu.vector_load %arg8[%parallel_loop3A_634, %parallel_loop3A_635] {strides = array<i32>} : memref<8x768xf32, #tpu.memory_space<vmem>>, vector<1x16xf32>,
      %parallel_loop3A_637 = vector.shape_cast %parallel_loop3A_636 : vector<1x16xf32> to vector<16xf32>
      %parallel_loop3A_638 = vector.shape_cast %parallel_loop3A_633 : vector<16xf32> to vector<1x16xf32>
      tpu.vector_store %arg8[%parallel_loop3A_634, %parallel_loop3A_635], %parallel_loop3A_638 {add = true, strides = array<i32>} : memref<8x768xf32, #tpu.memory_space<vmem>>, vector<1x16xf32>,
      %parallel_loop3A_639 = arith.index_cast %parallel_loop3A_215 : i32 to index
      %parallel_loop3A_640 = arith.constant 752 : index
      %parallel_loop3A_641 = tpu.vector_load %arg5[%parallel_loop3A_639, %parallel_loop3A_640] {strides = array<i32>} : memref<8x768xf32, #tpu.memory_space<vmem>>, vector<1x16xf32>,
      %parallel_loop3A_642 = vector.shape_cast %parallel_loop3A_641 : vector<1x16xf32> to vector<16xf32>
      %parallel_loop3A_643 = arith.index_cast %parallel_loop3A_215 : i32 to index
      %parallel_loop3A_644 = arith.constant 752 : index
      %parallel_loop3A_645 = tpu.vector_load %arg8[%parallel_loop3A_643, %parallel_loop3A_644] {strides = array<i32>} : memref<8x768xf32, #tpu.memory_space<vmem>>, vector<1x16xf32>,
      %parallel_loop3A_646 = vector.shape_cast %parallel_loop3A_645 : vector<1x16xf32> to vector<16xf32>
      %parallel_loop3A_647 = vector.shape_cast %parallel_loop3A_642 : vector<16xf32> to vector<1x16xf32>
      tpu.vector_store %arg8[%parallel_loop3A_643, %parallel_loop3A_644], %parallel_loop3A_647 {add = true, strides = array<i32>} : memref<8x768xf32, #tpu.memory_space<vmem>>, vector<1x16xf32>,
    } {sc.loop_unroll_factor = 1 : i64, sc.parallel_access}
    %dma_start3A_147 = arith.constant 2 : i32
    %dma_start3A_148 = arith.constant 0 : i32
    %dma_start3A_149 = arith.constant 0 : i32
    %dma_start3A_150 = tpu.memref_slice %arg4[%dma_start3A_147, %dma_start3A_148, %dma_start3A_149] : memref<4x256x768xf32, #tpu.memory_space<hbm>> -> memref<1x256x768xf32, #tpu.memory_space<hbm>>
    %dma_start3A_151 = tpu.memref_squeeze %dma_start3A_150 : memref<1x256x768xf32, #tpu.memory_space<hbm>> -> memref<256x768xf32, #tpu.memory_space<hbm>>
    %dma_start3A_152 = arith.constant 0 : i32
    %dma_start3A_153 = tpu.memref_slice %dma_start3A_151[%mul3A_2, %dma_start3A_152] : memref<256x768xf32, #tpu.memory_space<hbm>> -> memref<8x768xf32, #tpu.memory_space<hbm>>
    %dma_start3A_154 = arith.constant 0 : i32
    %dma_start3A_155 = arith.constant 0 : i32
    %dma_start3A_156 = tpu.memref_slice %arg4[%dma_start3A_147, %dma_start3A_154, %dma_start3A_155] : memref<4x256x768xf32, #tpu.memory_space<hbm>> -> memref<1x256x768xf32, #tpu.memory_space<hbm>>
    %dma_start3A_157 = tpu.memref_squeeze %dma_start3A_156 : memref<1x256x768xf32, #tpu.memory_space<hbm>> -> memref<256x768xf32, #tpu.memory_space<hbm>>
    %dma_start3A_158 = arith.constant 0 : i32
    %dma_start3A_159 = tpu.memref_slice %dma_start3A_157[%mul3A_2, %dma_start3A_158] : memref<256x768xf32, #tpu.memory_space<hbm>> -> memref<8x768xf32, #tpu.memory_space<hbm>>
    tpu.enqueue_dma source(%arg8 : memref<8x768xf32, #tpu.memory_space<vmem>>) target(%dma_start3A_159 : memref<8x768xf32, #tpu.memory_space<hbm>>) target_semaphore(%arg15 : memref<!tpu.dma_semaphore, #tpu.memory_space<semaphore_mem>>)
    %dma_wait3A_160 = arith.constant 3 : i32
    %dma_wait3A_161 = arith.constant 0 : i32
    %dma_wait3A_162 = arith.constant 0 : i32
    %dma_wait3A_163 = tpu.memref_slice %arg2[%dma_wait3A_160, %dma_wait3A_161, %dma_wait3A_162] : memref<4x2048x768xf32, #tpu.memory_space<hbm>> -> memref<1x2048x768xf32, #tpu.memory_space<hbm>>
    %dma_wait3A_164 = tpu.memref_squeeze %dma_wait3A_163 : memref<1x2048x768xf32, #tpu.memory_space<hbm>> -> memref<2048x768xf32, #tpu.memory_space<hbm>>
    %dma_wait3A_165 = arith.constant 0 : i32
    %dma_wait3A_166 = tpu.memref_slice %dma_wait3A_164[%mul3A_2, %dma_wait3A_165] : memref<2048x768xf32, #tpu.memory_space<hbm>> -> memref<8x768xf32, #tpu.memory_space<hbm>>
    %dma_wait3A_167 = arith.constant 0 : i32
    %dma_wait3A_168 = arith.constant 0 : i32
    %dma_wait3A_169 = tpu.memref_slice %arg2[%dma_wait3A_160, %dma_wait3A_167, %dma_wait3A_168] : memref<4x2048x768xf32, #tpu.memory_space<hbm>> -> memref<1x2048x768xf32, #tpu.memory_space<hbm>>
    %dma_wait3A_170 = tpu.memref_squeeze %dma_wait3A_169 : memref<1x2048x768xf32, #tpu.memory_space<hbm>> -> memref<2048x768xf32, #tpu.memory_space<hbm>>
    %dma_wait3A_171 = arith.constant 0 : i32
    %dma_wait3A_172 = tpu.memref_slice %dma_wait3A_170[%mul3A_2, %dma_wait3A_171] : memref<2048x768xf32, #tpu.memory_space<hbm>> -> memref<8x768xf32, #tpu.memory_space<hbm>>
    tpu.wait_dma2 semaphore(%arg10 : memref<!tpu.dma_semaphore, #tpu.memory_space<semaphore_mem>>) src(%dma_wait3A_172 : memref<8x768xf32, #tpu.memory_space<hbm>>) dst(%arg6 : memref<8x768xf32, #tpu.memory_space<vmem>>)
    %parallel_loop3A_173 = arith.constant 0 : i32
    %parallel_loop3A_174 = arith.constant 8 : i32
    %parallel_loop3A_175 = arith.constant 1 : i32
    scf.for %parallel_loop3A_215 = %parallel_loop3A_173 to %parallel_loop3A_174 step %parallel_loop3A_175  : i32 {
      %parallel_loop3A_216 = arith.index_cast %parallel_loop3A_215 : i32 to index
      %parallel_loop3A_217 = arith.constant 0 : index
      %parallel_loop3A_218 = tpu.vector_load %arg5[%parallel_loop3A_216, %parallel_loop3A_217] {strides = array<i32>} : memref<8x768xf32, #tpu.memory_space<vmem>>, vector<1x16xf32>,
      %parallel_loop3A_219 = vector.shape_cast %parallel_loop3A_218 : vector<1x16xf32> to vector<16xf32>
      %parallel_loop3A_220 = arith.index_cast %parallel_loop3A_215 : i32 to index
      %parallel_loop3A_221 = arith.constant 0 : index
      %parallel_loop3A_222 = tpu.vector_load %arg6[%parallel_loop3A_220, %parallel_loop3A_221] {strides = array<i32>} : memref<8x768xf32, #tpu.memory_space<vmem>>, vector<1x16xf32>,
      %parallel_loop3A_223 = vector.shape_cast %parallel_loop3A_222 : vector<1x16xf32> to vector<16xf32>
      %parallel_loop3A_224 = vector.shape_cast %parallel_loop3A_219 : vector<16xf32> to vector<1x16xf32>
      tpu.vector_store %arg6[%parallel_loop3A_220, %parallel_loop3A_221], %parallel_loop3A_224 {add = true, strides = array<i32>} : memref<8x768xf32, #tpu.memory_space<vmem>>, vector<1x16xf32>,
      %parallel_loop3A_225 = arith.index_cast %parallel_loop3A_215 : i32 to index
      %parallel_loop3A_226 = arith.constant 16 : index
      %parallel_loop3A_227 = tpu.vector_load %arg5[%parallel_loop3A_225, %parallel_loop3A_226] {strides = array<i32>} : memref<8x768xf32, #tpu.memory_space<vmem>>, vector<1x16xf32>,
      %parallel_loop3A_228 = vector.shape_cast %parallel_loop3A_227 : vector<1x16xf32> to vector<16xf32>
      %parallel_loop3A_229 = arith.index_cast %parallel_loop3A_215 : i32 to index
      %parallel_loop3A_230 = arith.constant 16 : index
      %parallel_loop3A_231 = tpu.vector_load %arg6[%parallel_loop3A_229, %parallel_loop3A_230] {strides = array<i32>} : memref<8x768xf32, #tpu.memory_space<vmem>>, vector<1x16xf32>,
      %parallel_loop3A_232 = vector.shape_cast %parallel_loop3A_231 : vector<1x16xf32> to vector<16xf32>
      %parallel_loop3A_233 = vector.shape_cast %parallel_loop3A_228 : vector<16xf32> to vector<1x16xf32>
      tpu.vector_store %arg6[%parallel_loop3A_229, %parallel_loop3A_230], %parallel_loop3A_233 {add = true, strides = array<i32>} : memref<8x768xf32, #tpu.memory_space<vmem>>, vector<1x16xf32>,
      %parallel_loop3A_234 = arith.index_cast %parallel_loop3A_215 : i32 to index
      %parallel_loop3A_235 = arith.constant 32 : index
      %parallel_loop3A_236 = tpu.vector_load %arg5[%parallel_loop3A_234, %parallel_loop3A_235] {strides = array<i32>} : memref<8x768xf32, #tpu.memory_space<vmem>>, vector<1x16xf32>,
      %parallel_loop3A_237 = vector.shape_cast %parallel_loop3A_236 : vector<1x16xf32> to vector<16xf32>
      %parallel_loop3A_238 = arith.index_cast %parallel_loop3A_215 : i32 to index
      %parallel_loop3A_239 = arith.constant 32 : index
      %parallel_loop3A_240 = tpu.vector_load %arg6[%parallel_loop3A_238, %parallel_loop3A_239] {strides = array<i32>} : memref<8x768xf32, #tpu.memory_space<vmem>>, vector<1x16xf32>,
      %parallel_loop3A_241 = vector.shape_cast %parallel_loop3A_240 : vector<1x16xf32> to vector<16xf32>
      %parallel_loop3A_242 = vector.shape_cast %parallel_loop3A_237 : vector<16xf32> to vector<1x16xf32>
      tpu.vector_store %arg6[%parallel_loop3A_238, %parallel_loop3A_239], %parallel_loop3A_242 {add = true, strides = array<i32>} : memref<8x768xf32, #tpu.memory_space<vmem>>, vector<1x16xf32>,
      %parallel_loop3A_243 = arith.index_cast %parallel_loop3A_215 : i32 to index
      %parallel_loop3A_244 = arith.constant 48 : index
      %parallel_loop3A_245 = tpu.vector_load %arg5[%parallel_loop3A_243, %parallel_loop3A_244] {strides = array<i32>} : memref<8x768xf32, #tpu.memory_space<vmem>>, vector<1x16xf32>,
      %parallel_loop3A_246 = vector.shape_cast %parallel_loop3A_245 : vector<1x16xf32> to vector<16xf32>
      %parallel_loop3A_247 = arith.index_cast %parallel_loop3A_215 : i32 to index
      %parallel_loop3A_248 = arith.constant 48 : index
      %parallel_loop3A_249 = tpu.vector_load %arg6[%parallel_loop3A_247, %parallel_loop3A_248] {strides = array<i32>} : memref<8x768xf32, #tpu.memory_space<vmem>>, vector<1x16xf32>,
      %parallel_loop3A_250 = vector.shape_cast %parallel_loop3A_249 : vector<1x16xf32> to vector<16xf32>
      %parallel_loop3A_251 = vector.shape_cast %parallel_loop3A_246 : vector<16xf32> to vector<1x16xf32>
      tpu.vector_store %arg6[%parallel_loop3A_247, %parallel_loop3A_248], %parallel_loop3A_251 {add = true, strides = array<i32>} : memref<8x768xf32, #tpu.memory_space<vmem>>, vector<1x16xf32>,
      %parallel_loop3A_252 = arith.index_cast %parallel_loop3A_215 : i32 to index
      %parallel_loop3A_253 = arith.constant 64 : index
      %parallel_loop3A_254 = tpu.vector_load %arg5[%parallel_loop3A_252, %parallel_loop3A_253] {strides = array<i32>} : memref<8x768xf32, #tpu.memory_space<vmem>>, vector<1x16xf32>,
      %parallel_loop3A_255 = vector.shape_cast %parallel_loop3A_254 : vector<1x16xf32> to vector<16xf32>
      %parallel_loop3A_256 = arith.index_cast %parallel_loop3A_215 : i32 to index
      %parallel_loop3A_257 = arith.constant 64 : index
      %parallel_loop3A_258 = tpu.vector_load %arg6[%parallel_loop3A_256, %parallel_loop3A_257] {strides = array<i32>} : memref<8x768xf32, #tpu.memory_space<vmem>>, vector<1x16xf32>,
      %parallel_loop3A_259 = vector.shape_cast %parallel_loop3A_258 : vector<1x16xf32> to vector<16xf32>
      %parallel_loop3A_260 = vector.shape_cast %parallel_loop3A_255 : vector<16xf32> to vector<1x16xf32>
      tpu.vector_store %arg6[%parallel_loop3A_256, %parallel_loop3A_257], %parallel_loop3A_260 {add = true, strides = array<i32>} : memref<8x768xf32, #tpu.memory_space<vmem>>, vector<1x16xf32>,
      %parallel_loop3A_261 = arith.index_cast %parallel_loop3A_215 : i32 to index
      %parallel_loop3A_262 = arith.constant 80 : index
      %parallel_loop3A_263 = tpu.vector_load %arg5[%parallel_loop3A_261, %parallel_loop3A_262] {strides = array<i32>} : memref<8x768xf32, #tpu.memory_space<vmem>>, vector<1x16xf32>,
      %parallel_loop3A_264 = vector.shape_cast %parallel_loop3A_263 : vector<1x16xf32> to vector<16xf32>
      %parallel_loop3A_265 = arith.index_cast %parallel_loop3A_215 : i32 to index
      %parallel_loop3A_266 = arith.constant 80 : index
      %parallel_loop3A_267 = tpu.vector_load %arg6[%parallel_loop3A_265, %parallel_loop3A_266] {strides = array<i32>} : memref<8x768xf32, #tpu.memory_space<vmem>>, vector<1x16xf32>,
      %parallel_loop3A_268 = vector.shape_cast %parallel_loop3A_267 : vector<1x16xf32> to vector<16xf32>
      %parallel_loop3A_269 = vector.shape_cast %parallel_loop3A_264 : vector<16xf32> to vector<1x16xf32>
      tpu.vector_store %arg6[%parallel_loop3A_265, %parallel_loop3A_266], %parallel_loop3A_269 {add = true, strides = array<i32>} : memref<8x768xf32, #tpu.memory_space<vmem>>, vector<1x16xf32>,
      %parallel_loop3A_270 = arith.index_cast %parallel_loop3A_215 : i32 to index
      %parallel_loop3A_271 = arith.constant 96 : index
      %parallel_loop3A_272 = tpu.vector_load %arg5[%parallel_loop3A_270, %parallel_loop3A_271] {strides = array<i32>} : memref<8x768xf32, #tpu.memory_space<vmem>>, vector<1x16xf32>,
      %parallel_loop3A_273 = vector.shape_cast %parallel_loop3A_272 : vector<1x16xf32> to vector<16xf32>
      %parallel_loop3A_274 = arith.index_cast %parallel_loop3A_215 : i32 to index
      %parallel_loop3A_275 = arith.constant 96 : index
      %parallel_loop3A_276 = tpu.vector_load %arg6[%parallel_loop3A_274, %parallel_loop3A_275] {strides = array<i32>} : memref<8x768xf32, #tpu.memory_space<vmem>>, vector<1x16xf32>,
      %parallel_loop3A_277 = vector.shape_cast %parallel_loop3A_276 : vector<1x16xf32> to vector<16xf32>
      %parallel_loop3A_278 = vector.shape_cast %parallel_loop3A_273 : vector<16xf32> to vector<1x16xf32>
      tpu.vector_store %arg6[%parallel_loop3A_274, %parallel_loop3A_275], %parallel_loop3A_278 {add = true, strides = array<i32>} : memref<8x768xf32, #tpu.memory_space<vmem>>, vector<1x16xf32>,
      %parallel_loop3A_279 = arith.index_cast %parallel_loop3A_215 : i32 to index
      %parallel_loop3A_280 = arith.constant 112 : index
      %parallel_loop3A_281 = tpu.vector_load %arg5[%parallel_loop3A_279, %parallel_loop3A_280] {strides = array<i32>} : memref<8x768xf32, #tpu.memory_space<vmem>>, vector<1x16xf32>,
      %parallel_loop3A_282 = vector.shape_cast %parallel_loop3A_281 : vector<1x16xf32> to vector<16xf32>
      %parallel_loop3A_283 = arith.index_cast %parallel_loop3A_215 : i32 to index
      %parallel_loop3A_284 = arith.constant 112 : index
      %parallel_loop3A_285 = tpu.vector_load %arg6[%parallel_loop3A_283, %parallel_loop3A_284] {strides = array<i32>} : memref<8x768xf32, #tpu.memory_space<vmem>>, vector<1x16xf32>,
      %parallel_loop3A_286 = vector.shape_cast %parallel_loop3A_285 : vector<1x16xf32> to vector<16xf32>
      %parallel_loop3A_287 = vector.shape_cast %parallel_loop3A_282 : vector<16xf32> to vector<1x16xf32>
      tpu.vector_store %arg6[%parallel_loop3A_283, %parallel_loop3A_284], %parallel_loop3A_287 {add = true, strides = array<i32>} : memref<8x768xf32, #tpu.memory_space<vmem>>, vector<1x16xf32>,
      %parallel_loop3A_288 = arith.index_cast %parallel_loop3A_215 : i32 to index
      %parallel_loop3A_289 = arith.constant 128 : index
      %parallel_loop3A_290 = tpu.vector_load %arg5[%parallel_loop3A_288, %parallel_loop3A_289] {strides = array<i32>} : memref<8x768xf32, #tpu.memory_space<vmem>>, vector<1x16xf32>,
      %parallel_loop3A_291 = vector.shape_cast %parallel_loop3A_290 : vector<1x16xf32> to vector<16xf32>
      %parallel_loop3A_292 = arith.index_cast %parallel_loop3A_215 : i32 to index
      %parallel_loop3A_293 = arith.constant 128 : index
      %parallel_loop3A_294 = tpu.vector_load %arg6[%parallel_loop3A_292, %parallel_loop3A_293] {strides = array<i32>} : memref<8x768xf32, #tpu.memory_space<vmem>>, vector<1x16xf32>,
      %parallel_loop3A_295 = vector.shape_cast %parallel_loop3A_294 : vector<1x16xf32> to vector<16xf32>
      %parallel_loop3A_296 = vector.shape_cast %parallel_loop3A_291 : vector<16xf32> to vector<1x16xf32>
      tpu.vector_store %arg6[%parallel_loop3A_292, %parallel_loop3A_293], %parallel_loop3A_296 {add = true, strides = array<i32>} : memref<8x768xf32, #tpu.memory_space<vmem>>, vector<1x16xf32>,
      %parallel_loop3A_297 = arith.index_cast %parallel_loop3A_215 : i32 to index
      %parallel_loop3A_298 = arith.constant 144 : index
      %parallel_loop3A_299 = tpu.vector_load %arg5[%parallel_loop3A_297, %parallel_loop3A_298] {strides = array<i32>} : memref<8x768xf32, #tpu.memory_space<vmem>>, vector<1x16xf32>,
      %parallel_loop3A_300 = vector.shape_cast %parallel_loop3A_299 : vector<1x16xf32> to vector<16xf32>
      %parallel_loop3A_301 = arith.index_cast %parallel_loop3A_215 : i32 to index
      %parallel_loop3A_302 = arith.constant 144 : index
      %parallel_loop3A_303 = tpu.vector_load %arg6[%parallel_loop3A_301, %parallel_loop3A_302] {strides = array<i32>} : memref<8x768xf32, #tpu.memory_space<vmem>>, vector<1x16xf32>,
      %parallel_loop3A_304 = vector.shape_cast %parallel_loop3A_303 : vector<1x16xf32> to vector<16xf32>
      %parallel_loop3A_305 = vector.shape_cast %parallel_loop3A_300 : vector<16xf32> to vector<1x16xf32>
      tpu.vector_store %arg6[%parallel_loop3A_301, %parallel_loop3A_302], %parallel_loop3A_305 {add = true, strides = array<i32>} : memref<8x768xf32, #tpu.memory_space<vmem>>, vector<1x16xf32>,
      %parallel_loop3A_306 = arith.index_cast %parallel_loop3A_215 : i32 to index
      %parallel_loop3A_307 = arith.constant 160 : index
      %parallel_loop3A_308 = tpu.vector_load %arg5[%parallel_loop3A_306, %parallel_loop3A_307] {strides = array<i32>} : memref<8x768xf32, #tpu.memory_space<vmem>>, vector<1x16xf32>,
      %parallel_loop3A_309 = vector.shape_cast %parallel_loop3A_308 : vector<1x16xf32> to vector<16xf32>
      %parallel_loop3A_310 = arith.index_cast %parallel_loop3A_215 : i32 to index
      %parallel_loop3A_311 = arith.constant 160 : index
      %parallel_loop3A_312 = tpu.vector_load %arg6[%parallel_loop3A_310, %parallel_loop3A_311] {strides = array<i32>} : memref<8x768xf32, #tpu.memory_space<vmem>>, vector<1x16xf32>,
      %parallel_loop3A_313 = vector.shape_cast %parallel_loop3A_312 : vector<1x16xf32> to vector<16xf32>
      %parallel_loop3A_314 = vector.shape_cast %parallel_loop3A_309 : vector<16xf32> to vector<1x16xf32>
      tpu.vector_store %arg6[%parallel_loop3A_310, %parallel_loop3A_311], %parallel_loop3A_314 {add = true, strides = array<i32>} : memref<8x768xf32, #tpu.memory_space<vmem>>, vector<1x16xf32>,
      %parallel_loop3A_315 = arith.index_cast %parallel_loop3A_215 : i32 to index
      %parallel_loop3A_316 = arith.constant 176 : index
      %parallel_loop3A_317 = tpu.vector_load %arg5[%parallel_loop3A_315, %parallel_loop3A_316] {strides = array<i32>} : memref<8x768xf32, #tpu.memory_space<vmem>>, vector<1x16xf32>,
      %parallel_loop3A_318 = vector.shape_cast %parallel_loop3A_317 : vector<1x16xf32> to vector<16xf32>
      %parallel_loop3A_319 = arith.index_cast %parallel_loop3A_215 : i32 to index
      %parallel_loop3A_320 = arith.constant 176 : index
      %parallel_loop3A_321 = tpu.vector_load %arg6[%parallel_loop3A_319, %parallel_loop3A_320] {strides = array<i32>} : memref<8x768xf32, #tpu.memory_space<vmem>>, vector<1x16xf32>,
      %parallel_loop3A_322 = vector.shape_cast %parallel_loop3A_321 : vector<1x16xf32> to vector<16xf32>
      %parallel_loop3A_323 = vector.shape_cast %parallel_loop3A_318 : vector<16xf32> to vector<1x16xf32>
      tpu.vector_store %arg6[%parallel_loop3A_319, %parallel_loop3A_320], %parallel_loop3A_323 {add = true, strides = array<i32>} : memref<8x768xf32, #tpu.memory_space<vmem>>, vector<1x16xf32>,
      %parallel_loop3A_324 = arith.index_cast %parallel_loop3A_215 : i32 to index
      %parallel_loop3A_325 = arith.constant 192 : index
      %parallel_loop3A_326 = tpu.vector_load %arg5[%parallel_loop3A_324, %parallel_loop3A_325] {strides = array<i32>} : memref<8x768xf32, #tpu.memory_space<vmem>>, vector<1x16xf32>,
      %parallel_loop3A_327 = vector.shape_cast %parallel_loop3A_326 : vector<1x16xf32> to vector<16xf32>
      %parallel_loop3A_328 = arith.index_cast %parallel_loop3A_215 : i32 to index
      %parallel_loop3A_329 = arith.constant 192 : index
      %parallel_loop3A_330 = tpu.vector_load %arg6[%parallel_loop3A_328, %parallel_loop3A_329] {strides = array<i32>} : memref<8x768xf32, #tpu.memory_space<vmem>>, vector<1x16xf32>,
      %parallel_loop3A_331 = vector.shape_cast %parallel_loop3A_330 : vector<1x16xf32> to vector<16xf32>
      %parallel_loop3A_332 = vector.shape_cast %parallel_loop3A_327 : vector<16xf32> to vector<1x16xf32>
      tpu.vector_store %arg6[%parallel_loop3A_328, %parallel_loop3A_329], %parallel_loop3A_332 {add = true, strides = array<i32>} : memref<8x768xf32, #tpu.memory_space<vmem>>, vector<1x16xf32>,
      %parallel_loop3A_333 = arith.index_cast %parallel_loop3A_215 : i32 to index
      %parallel_loop3A_334 = arith.constant 208 : index
      %parallel_loop3A_335 = tpu.vector_load %arg5[%parallel_loop3A_333, %parallel_loop3A_334] {strides = array<i32>} : memref<8x768xf32, #tpu.memory_space<vmem>>, vector<1x16xf32>,
      %parallel_loop3A_336 = vector.shape_cast %parallel_loop3A_335 : vector<1x16xf32> to vector<16xf32>
      %parallel_loop3A_337 = arith.index_cast %parallel_loop3A_215 : i32 to index
      %parallel_loop3A_338 = arith.constant 208 : index
      %parallel_loop3A_339 = tpu.vector_load %arg6[%parallel_loop3A_337, %parallel_loop3A_338] {strides = array<i32>} : memref<8x768xf32, #tpu.memory_space<vmem>>, vector<1x16xf32>,
      %parallel_loop3A_340 = vector.shape_cast %parallel_loop3A_339 : vector<1x16xf32> to vector<16xf32>
      %parallel_loop3A_341 = vector.shape_cast %parallel_loop3A_336 : vector<16xf32> to vector<1x16xf32>
      tpu.vector_store %arg6[%parallel_loop3A_337, %parallel_loop3A_338], %parallel_loop3A_341 {add = true, strides = array<i32>} : memref<8x768xf32, #tpu.memory_space<vmem>>, vector<1x16xf32>,
      %parallel_loop3A_342 = arith.index_cast %parallel_loop3A_215 : i32 to index
      %parallel_loop3A_343 = arith.constant 224 : index
      %parallel_loop3A_344 = tpu.vector_load %arg5[%parallel_loop3A_342, %parallel_loop3A_343] {strides = array<i32>} : memref<8x768xf32, #tpu.memory_space<vmem>>, vector<1x16xf32>,
      %parallel_loop3A_345 = vector.shape_cast %parallel_loop3A_344 : vector<1x16xf32> to vector<16xf32>
      %parallel_loop3A_346 = arith.index_cast %parallel_loop3A_215 : i32 to index
      %parallel_loop3A_347 = arith.constant 224 : index
      %parallel_loop3A_348 = tpu.vector_load %arg6[%parallel_loop3A_346, %parallel_loop3A_347] {strides = array<i32>} : memref<8x768xf32, #tpu.memory_space<vmem>>, vector<1x16xf32>,
      %parallel_loop3A_349 = vector.shape_cast %parallel_loop3A_348 : vector<1x16xf32> to vector<16xf32>
      %parallel_loop3A_350 = vector.shape_cast %parallel_loop3A_345 : vector<16xf32> to vector<1x16xf32>
      tpu.vector_store %arg6[%parallel_loop3A_346, %parallel_loop3A_347], %parallel_loop3A_350 {add = true, strides = array<i32>} : memref<8x768xf32, #tpu.memory_space<vmem>>, vector<1x16xf32>,
      %parallel_loop3A_351 = arith.index_cast %parallel_loop3A_215 : i32 to index
      %parallel_loop3A_352 = arith.constant 240 : index
      %parallel_loop3A_353 = tpu.vector_load %arg5[%parallel_loop3A_351, %parallel_loop3A_352] {strides = array<i32>} : memref<8x768xf32, #tpu.memory_space<vmem>>, vector<1x16xf32>,
      %parallel_loop3A_354 = vector.shape_cast %parallel_loop3A_353 : vector<1x16xf32> to vector<16xf32>
      %parallel_loop3A_355 = arith.index_cast %parallel_loop3A_215 : i32 to index
      %parallel_loop3A_356 = arith.constant 240 : index
      %parallel_loop3A_357 = tpu.vector_load %arg6[%parallel_loop3A_355, %parallel_loop3A_356] {strides = array<i32>} : memref<8x768xf32, #tpu.memory_space<vmem>>, vector<1x16xf32>,
      %parallel_loop3A_358 = vector.shape_cast %parallel_loop3A_357 : vector<1x16xf32> to vector<16xf32>
      %parallel_loop3A_359 = vector.shape_cast %parallel_loop3A_354 : vector<16xf32> to vector<1x16xf32>
      tpu.vector_store %arg6[%parallel_loop3A_355, %parallel_loop3A_356], %parallel_loop3A_359 {add = true, strides = array<i32>} : memref<8x768xf32, #tpu.memory_space<vmem>>, vector<1x16xf32>,
      %parallel_loop3A_360 = arith.index_cast %parallel_loop3A_215 : i32 to index
      %parallel_loop3A_361 = arith.constant 256 : index
      %parallel_loop3A_362 = tpu.vector_load %arg5[%parallel_loop3A_360, %parallel_loop3A_361] {strides = array<i32>} : memref<8x768xf32, #tpu.memory_space<vmem>>, vector<1x16xf32>,
      %parallel_loop3A_363 = vector.shape_cast %parallel_loop3A_362 : vector<1x16xf32> to vector<16xf32>
      %parallel_loop3A_364 = arith.index_cast %parallel_loop3A_215 : i32 to index
      %parallel_loop3A_365 = arith.constant 256 : index
      %parallel_loop3A_366 = tpu.vector_load %arg6[%parallel_loop3A_364, %parallel_loop3A_365] {strides = array<i32>} : memref<8x768xf32, #tpu.memory_space<vmem>>, vector<1x16xf32>,
      %parallel_loop3A_367 = vector.shape_cast %parallel_loop3A_366 : vector<1x16xf32> to vector<16xf32>
      %parallel_loop3A_368 = vector.shape_cast %parallel_loop3A_363 : vector<16xf32> to vector<1x16xf32>
      tpu.vector_store %arg6[%parallel_loop3A_364, %parallel_loop3A_365], %parallel_loop3A_368 {add = true, strides = array<i32>} : memref<8x768xf32, #tpu.memory_space<vmem>>, vector<1x16xf32>,
      %parallel_loop3A_369 = arith.index_cast %parallel_loop3A_215 : i32 to index
      %parallel_loop3A_370 = arith.constant 272 : index
      %parallel_loop3A_371 = tpu.vector_load %arg5[%parallel_loop3A_369, %parallel_loop3A_370] {strides = array<i32>} : memref<8x768xf32, #tpu.memory_space<vmem>>, vector<1x16xf32>,
      %parallel_loop3A_372 = vector.shape_cast %parallel_loop3A_371 : vector<1x16xf32> to vector<16xf32>
      %parallel_loop3A_373 = arith.index_cast %parallel_loop3A_215 : i32 to index
      %parallel_loop3A_374 = arith.constant 272 : index
      %parallel_loop3A_375 = tpu.vector_load %arg6[%parallel_loop3A_373, %parallel_loop3A_374] {strides = array<i32>} : memref<8x768xf32, #tpu.memory_space<vmem>>, vector<1x16xf32>,
      %parallel_loop3A_376 = vector.shape_cast %parallel_loop3A_375 : vector<1x16xf32> to vector<16xf32>
      %parallel_loop3A_377 = vector.shape_cast %parallel_loop3A_372 : vector<16xf32> to vector<1x16xf32>
      tpu.vector_store %arg6[%parallel_loop3A_373, %parallel_loop3A_374], %parallel_loop3A_377 {add = true, strides = array<i32>} : memref<8x768xf32, #tpu.memory_space<vmem>>, vector<1x16xf32>,
      %parallel_loop3A_378 = arith.index_cast %parallel_loop3A_215 : i32 to index
      %parallel_loop3A_379 = arith.constant 288 : index
      %parallel_loop3A_380 = tpu.vector_load %arg5[%parallel_loop3A_378, %parallel_loop3A_379] {strides = array<i32>} : memref<8x768xf32, #tpu.memory_space<vmem>>, vector<1x16xf32>,
      %parallel_loop3A_381 = vector.shape_cast %parallel_loop3A_380 : vector<1x16xf32> to vector<16xf32>
      %parallel_loop3A_382 = arith.index_cast %parallel_loop3A_215 : i32 to index
      %parallel_loop3A_383 = arith.constant 288 : index
      %parallel_loop3A_384 = tpu.vector_load %arg6[%parallel_loop3A_382, %parallel_loop3A_383] {strides = array<i32>} : memref<8x768xf32, #tpu.memory_space<vmem>>, vector<1x16xf32>,
      %parallel_loop3A_385 = vector.shape_cast %parallel_loop3A_384 : vector<1x16xf32> to vector<16xf32>
      %parallel_loop3A_386 = vector.shape_cast %parallel_loop3A_381 : vector<16xf32> to vector<1x16xf32>
      tpu.vector_store %arg6[%parallel_loop3A_382, %parallel_loop3A_383], %parallel_loop3A_386 {add = true, strides = array<i32>} : memref<8x768xf32, #tpu.memory_space<vmem>>, vector<1x16xf32>,
      %parallel_loop3A_387 = arith.index_cast %parallel_loop3A_215 : i32 to index
      %parallel_loop3A_388 = arith.constant 304 : index
      %parallel_loop3A_389 = tpu.vector_load %arg5[%parallel_loop3A_387, %parallel_loop3A_388] {strides = array<i32>} : memref<8x768xf32, #tpu.memory_space<vmem>>, vector<1x16xf32>,
      %parallel_loop3A_390 = vector.shape_cast %parallel_loop3A_389 : vector<1x16xf32> to vector<16xf32>
      %parallel_loop3A_391 = arith.index_cast %parallel_loop3A_215 : i32 to index
      %parallel_loop3A_392 = arith.constant 304 : index
      %parallel_loop3A_393 = tpu.vector_load %arg6[%parallel_loop3A_391, %parallel_loop3A_392] {strides = array<i32>} : memref<8x768xf32, #tpu.memory_space<vmem>>, vector<1x16xf32>,
      %parallel_loop3A_394 = vector.shape_cast %parallel_loop3A_393 : vector<1x16xf32> to vector<16xf32>
      %parallel_loop3A_395 = vector.shape_cast %parallel_loop3A_390 : vector<16xf32> to vector<1x16xf32>
      tpu.vector_store %arg6[%parallel_loop3A_391, %parallel_loop3A_392], %parallel_loop3A_395 {add = true, strides = array<i32>} : memref<8x768xf32, #tpu.memory_space<vmem>>, vector<1x16xf32>,
      %parallel_loop3A_396 = arith.index_cast %parallel_loop3A_215 : i32 to index
      %parallel_loop3A_397 = arith.constant 320 : index
      %parallel_loop3A_398 = tpu.vector_load %arg5[%parallel_loop3A_396, %parallel_loop3A_397] {strides = array<i32>} : memref<8x768xf32, #tpu.memory_space<vmem>>, vector<1x16xf32>,
      %parallel_loop3A_399 = vector.shape_cast %parallel_loop3A_398 : vector<1x16xf32> to vector<16xf32>
      %parallel_loop3A_400 = arith.index_cast %parallel_loop3A_215 : i32 to index
      %parallel_loop3A_401 = arith.constant 320 : index
      %parallel_loop3A_402 = tpu.vector_load %arg6[%parallel_loop3A_400, %parallel_loop3A_401] {strides = array<i32>} : memref<8x768xf32, #tpu.memory_space<vmem>>, vector<1x16xf32>,
      %parallel_loop3A_403 = vector.shape_cast %parallel_loop3A_402 : vector<1x16xf32> to vector<16xf32>
      %parallel_loop3A_404 = vector.shape_cast %parallel_loop3A_399 : vector<16xf32> to vector<1x16xf32>
      tpu.vector_store %arg6[%parallel_loop3A_400, %parallel_loop3A_401], %parallel_loop3A_404 {add = true, strides = array<i32>} : memref<8x768xf32, #tpu.memory_space<vmem>>, vector<1x16xf32>,
      %parallel_loop3A_405 = arith.index_cast %parallel_loop3A_215 : i32 to index
      %parallel_loop3A_406 = arith.constant 336 : index
      %parallel_loop3A_407 = tpu.vector_load %arg5[%parallel_loop3A_405, %parallel_loop3A_406] {strides = array<i32>} : memref<8x768xf32, #tpu.memory_space<vmem>>, vector<1x16xf32>,
      %parallel_loop3A_408 = vector.shape_cast %parallel_loop3A_407 : vector<1x16xf32> to vector<16xf32>
      %parallel_loop3A_409 = arith.index_cast %parallel_loop3A_215 : i32 to index
      %parallel_loop3A_410 = arith.constant 336 : index
      %parallel_loop3A_411 = tpu.vector_load %arg6[%parallel_loop3A_409, %parallel_loop3A_410] {strides = array<i32>} : memref<8x768xf32, #tpu.memory_space<vmem>>, vector<1x16xf32>,
      %parallel_loop3A_412 = vector.shape_cast %parallel_loop3A_411 : vector<1x16xf32> to vector<16xf32>
      %parallel_loop3A_413 = vector.shape_cast %parallel_loop3A_408 : vector<16xf32> to vector<1x16xf32>
      tpu.vector_store %arg6[%parallel_loop3A_409, %parallel_loop3A_410], %parallel_loop3A_413 {add = true, strides = array<i32>} : memref<8x768xf32, #tpu.memory_space<vmem>>, vector<1x16xf32>,
      %parallel_loop3A_414 = arith.index_cast %parallel_loop3A_215 : i32 to index
      %parallel_loop3A_415 = arith.constant 352 : index
      %parallel_loop3A_416 = tpu.vector_load %arg5[%parallel_loop3A_414, %parallel_loop3A_415] {strides = array<i32>} : memref<8x768xf32, #tpu.memory_space<vmem>>, vector<1x16xf32>,
      %parallel_loop3A_417 = vector.shape_cast %parallel_loop3A_416 : vector<1x16xf32> to vector<16xf32>
      %parallel_loop3A_418 = arith.index_cast %parallel_loop3A_215 : i32 to index
      %parallel_loop3A_419 = arith.constant 352 : index
      %parallel_loop3A_420 = tpu.vector_load %arg6[%parallel_loop3A_418, %parallel_loop3A_419] {strides = array<i32>} : memref<8x768xf32, #tpu.memory_space<vmem>>, vector<1x16xf32>,
      %parallel_loop3A_421 = vector.shape_cast %parallel_loop3A_420 : vector<1x16xf32> to vector<16xf32>
      %parallel_loop3A_422 = vector.shape_cast %parallel_loop3A_417 : vector<16xf32> to vector<1x16xf32>
      tpu.vector_store %arg6[%parallel_loop3A_418, %parallel_loop3A_419], %parallel_loop3A_422 {add = true, strides = array<i32>} : memref<8x768xf32, #tpu.memory_space<vmem>>, vector<1x16xf32>,
      %parallel_loop3A_423 = arith.index_cast %parallel_loop3A_215 : i32 to index
      %parallel_loop3A_424 = arith.constant 368 : index
      %parallel_loop3A_425 = tpu.vector_load %arg5[%parallel_loop3A_423, %parallel_loop3A_424] {strides = array<i32>} : memref<8x768xf32, #tpu.memory_space<vmem>>, vector<1x16xf32>,
      %parallel_loop3A_426 = vector.shape_cast %parallel_loop3A_425 : vector<1x16xf32> to vector<16xf32>
      %parallel_loop3A_427 = arith.index_cast %parallel_loop3A_215 : i32 to index
      %parallel_loop3A_428 = arith.constant 368 : index
      %parallel_loop3A_429 = tpu.vector_load %arg6[%parallel_loop3A_427, %parallel_loop3A_428] {strides = array<i32>} : memref<8x768xf32, #tpu.memory_space<vmem>>, vector<1x16xf32>,
      %parallel_loop3A_430 = vector.shape_cast %parallel_loop3A_429 : vector<1x16xf32> to vector<16xf32>
      %parallel_loop3A_431 = vector.shape_cast %parallel_loop3A_426 : vector<16xf32> to vector<1x16xf32>
      tpu.vector_store %arg6[%parallel_loop3A_427, %parallel_loop3A_428], %parallel_loop3A_431 {add = true, strides = array<i32>} : memref<8x768xf32, #tpu.memory_space<vmem>>, vector<1x16xf32>,
      %parallel_loop3A_432 = arith.index_cast %parallel_loop3A_215 : i32 to index
      %parallel_loop3A_433 = arith.constant 384 : index
      %parallel_loop3A_434 = tpu.vector_load %arg5[%parallel_loop3A_432, %parallel_loop3A_433] {strides = array<i32>} : memref<8x768xf32, #tpu.memory_space<vmem>>, vector<1x16xf32>,
      %parallel_loop3A_435 = vector.shape_cast %parallel_loop3A_434 : vector<1x16xf32> to vector<16xf32>
      %parallel_loop3A_436 = arith.index_cast %parallel_loop3A_215 : i32 to index
      %parallel_loop3A_437 = arith.constant 384 : index
      %parallel_loop3A_438 = tpu.vector_load %arg6[%parallel_loop3A_436, %parallel_loop3A_437] {strides = array<i32>} : memref<8x768xf32, #tpu.memory_space<vmem>>, vector<1x16xf32>,
      %parallel_loop3A_439 = vector.shape_cast %parallel_loop3A_438 : vector<1x16xf32> to vector<16xf32>
      %parallel_loop3A_440 = vector.shape_cast %parallel_loop3A_435 : vector<16xf32> to vector<1x16xf32>
      tpu.vector_store %arg6[%parallel_loop3A_436, %parallel_loop3A_437], %parallel_loop3A_440 {add = true, strides = array<i32>} : memref<8x768xf32, #tpu.memory_space<vmem>>, vector<1x16xf32>,
      %parallel_loop3A_441 = arith.index_cast %parallel_loop3A_215 : i32 to index
      %parallel_loop3A_442 = arith.constant 400 : index
      %parallel_loop3A_443 = tpu.vector_load %arg5[%parallel_loop3A_441, %parallel_loop3A_442] {strides = array<i32>} : memref<8x768xf32, #tpu.memory_space<vmem>>, vector<1x16xf32>,
      %parallel_loop3A_444 = vector.shape_cast %parallel_loop3A_443 : vector<1x16xf32> to vector<16xf32>
      %parallel_loop3A_445 = arith.index_cast %parallel_loop3A_215 : i32 to index
      %parallel_loop3A_446 = arith.constant 400 : index
      %parallel_loop3A_447 = tpu.vector_load %arg6[%parallel_loop3A_445, %parallel_loop3A_446] {strides = array<i32>} : memref<8x768xf32, #tpu.memory_space<vmem>>, vector<1x16xf32>,
      %parallel_loop3A_448 = vector.shape_cast %parallel_loop3A_447 : vector<1x16xf32> to vector<16xf32>
      %parallel_loop3A_449 = vector.shape_cast %parallel_loop3A_444 : vector<16xf32> to vector<1x16xf32>
      tpu.vector_store %arg6[%parallel_loop3A_445, %parallel_loop3A_446], %parallel_loop3A_449 {add = true, strides = array<i32>} : memref<8x768xf32, #tpu.memory_space<vmem>>, vector<1x16xf32>,
      %parallel_loop3A_450 = arith.index_cast %parallel_loop3A_215 : i32 to index
      %parallel_loop3A_451 = arith.constant 416 : index
      %parallel_loop3A_452 = tpu.vector_load %arg5[%parallel_loop3A_450, %parallel_loop3A_451] {strides = array<i32>} : memref<8x768xf32, #tpu.memory_space<vmem>>, vector<1x16xf32>,
      %parallel_loop3A_453 = vector.shape_cast %parallel_loop3A_452 : vector<1x16xf32> to vector<16xf32>
      %parallel_loop3A_454 = arith.index_cast %parallel_loop3A_215 : i32 to index
      %parallel_loop3A_455 = arith.constant 416 : index
      %parallel_loop3A_456 = tpu.vector_load %arg6[%parallel_loop3A_454, %parallel_loop3A_455] {strides = array<i32>} : memref<8x768xf32, #tpu.memory_space<vmem>>, vector<1x16xf32>,
      %parallel_loop3A_457 = vector.shape_cast %parallel_loop3A_456 : vector<1x16xf32> to vector<16xf32>
      %parallel_loop3A_458 = vector.shape_cast %parallel_loop3A_453 : vector<16xf32> to vector<1x16xf32>
      tpu.vector_store %arg6[%parallel_loop3A_454, %parallel_loop3A_455], %parallel_loop3A_458 {add = true, strides = array<i32>} : memref<8x768xf32, #tpu.memory_space<vmem>>, vector<1x16xf32>,
      %parallel_loop3A_459 = arith.index_cast %parallel_loop3A_215 : i32 to index
      %parallel_loop3A_460 = arith.constant 432 : index
      %parallel_loop3A_461 = tpu.vector_load %arg5[%parallel_loop3A_459, %parallel_loop3A_460] {strides = array<i32>} : memref<8x768xf32, #tpu.memory_space<vmem>>, vector<1x16xf32>,
      %parallel_loop3A_462 = vector.shape_cast %parallel_loop3A_461 : vector<1x16xf32> to vector<16xf32>
      %parallel_loop3A_463 = arith.index_cast %parallel_loop3A_215 : i32 to index
      %parallel_loop3A_464 = arith.constant 432 : index
      %parallel_loop3A_465 = tpu.vector_load %arg6[%parallel_loop3A_463, %parallel_loop3A_464] {strides = array<i32>} : memref<8x768xf32, #tpu.memory_space<vmem>>, vector<1x16xf32>,
      %parallel_loop3A_466 = vector.shape_cast %parallel_loop3A_465 : vector<1x16xf32> to vector<16xf32>
      %parallel_loop3A_467 = vector.shape_cast %parallel_loop3A_462 : vector<16xf32> to vector<1x16xf32>
      tpu.vector_store %arg6[%parallel_loop3A_463, %parallel_loop3A_464], %parallel_loop3A_467 {add = true, strides = array<i32>} : memref<8x768xf32, #tpu.memory_space<vmem>>, vector<1x16xf32>,
      %parallel_loop3A_468 = arith.index_cast %parallel_loop3A_215 : i32 to index
      %parallel_loop3A_469 = arith.constant 448 : index
      %parallel_loop3A_470 = tpu.vector_load %arg5[%parallel_loop3A_468, %parallel_loop3A_469] {strides = array<i32>} : memref<8x768xf32, #tpu.memory_space<vmem>>, vector<1x16xf32>,
      %parallel_loop3A_471 = vector.shape_cast %parallel_loop3A_470 : vector<1x16xf32> to vector<16xf32>
      %parallel_loop3A_472 = arith.index_cast %parallel_loop3A_215 : i32 to index
      %parallel_loop3A_473 = arith.constant 448 : index
      %parallel_loop3A_474 = tpu.vector_load %arg6[%parallel_loop3A_472, %parallel_loop3A_473] {strides = array<i32>} : memref<8x768xf32, #tpu.memory_space<vmem>>, vector<1x16xf32>,
      %parallel_loop3A_475 = vector.shape_cast %parallel_loop3A_474 : vector<1x16xf32> to vector<16xf32>
      %parallel_loop3A_476 = vector.shape_cast %parallel_loop3A_471 : vector<16xf32> to vector<1x16xf32>
      tpu.vector_store %arg6[%parallel_loop3A_472, %parallel_loop3A_473], %parallel_loop3A_476 {add = true, strides = array<i32>} : memref<8x768xf32, #tpu.memory_space<vmem>>, vector<1x16xf32>,
      %parallel_loop3A_477 = arith.index_cast %parallel_loop3A_215 : i32 to index
      %parallel_loop3A_478 = arith.constant 464 : index
      %parallel_loop3A_479 = tpu.vector_load %arg5[%parallel_loop3A_477, %parallel_loop3A_478] {strides = array<i32>} : memref<8x768xf32, #tpu.memory_space<vmem>>, vector<1x16xf32>,
      %parallel_loop3A_480 = vector.shape_cast %parallel_loop3A_479 : vector<1x16xf32> to vector<16xf32>
      %parallel_loop3A_481 = arith.index_cast %parallel_loop3A_215 : i32 to index
      %parallel_loop3A_482 = arith.constant 464 : index
      %parallel_loop3A_483 = tpu.vector_load %arg6[%parallel_loop3A_481, %parallel_loop3A_482] {strides = array<i32>} : memref<8x768xf32, #tpu.memory_space<vmem>>, vector<1x16xf32>,
      %parallel_loop3A_484 = vector.shape_cast %parallel_loop3A_483 : vector<1x16xf32> to vector<16xf32>
      %parallel_loop3A_485 = vector.shape_cast %parallel_loop3A_480 : vector<16xf32> to vector<1x16xf32>
      tpu.vector_store %arg6[%parallel_loop3A_481, %parallel_loop3A_482], %parallel_loop3A_485 {add = true, strides = array<i32>} : memref<8x768xf32, #tpu.memory_space<vmem>>, vector<1x16xf32>,
      %parallel_loop3A_486 = arith.index_cast %parallel_loop3A_215 : i32 to index
      %parallel_loop3A_487 = arith.constant 480 : index
      %parallel_loop3A_488 = tpu.vector_load %arg5[%parallel_loop3A_486, %parallel_loop3A_487] {strides = array<i32>} : memref<8x768xf32, #tpu.memory_space<vmem>>, vector<1x16xf32>,
      %parallel_loop3A_489 = vector.shape_cast %parallel_loop3A_488 : vector<1x16xf32> to vector<16xf32>
      %parallel_loop3A_490 = arith.index_cast %parallel_loop3A_215 : i32 to index
      %parallel_loop3A_491 = arith.constant 480 : index
      %parallel_loop3A_492 = tpu.vector_load %arg6[%parallel_loop3A_490, %parallel_loop3A_491] {strides = array<i32>} : memref<8x768xf32, #tpu.memory_space<vmem>>, vector<1x16xf32>,
      %parallel_loop3A_493 = vector.shape_cast %parallel_loop3A_492 : vector<1x16xf32> to vector<16xf32>
      %parallel_loop3A_494 = vector.shape_cast %parallel_loop3A_489 : vector<16xf32> to vector<1x16xf32>
      tpu.vector_store %arg6[%parallel_loop3A_490, %parallel_loop3A_491], %parallel_loop3A_494 {add = true, strides = array<i32>} : memref<8x768xf32, #tpu.memory_space<vmem>>, vector<1x16xf32>,
      %parallel_loop3A_495 = arith.index_cast %parallel_loop3A_215 : i32 to index
      %parallel_loop3A_496 = arith.constant 496 : index
      %parallel_loop3A_497 = tpu.vector_load %arg5[%parallel_loop3A_495, %parallel_loop3A_496] {strides = array<i32>} : memref<8x768xf32, #tpu.memory_space<vmem>>, vector<1x16xf32>,
      %parallel_loop3A_498 = vector.shape_cast %parallel_loop3A_497 : vector<1x16xf32> to vector<16xf32>
      %parallel_loop3A_499 = arith.index_cast %parallel_loop3A_215 : i32 to index
      %parallel_loop3A_500 = arith.constant 496 : index
      %parallel_loop3A_501 = tpu.vector_load %arg6[%parallel_loop3A_499, %parallel_loop3A_500] {strides = array<i32>} : memref<8x768xf32, #tpu.memory_space<vmem>>, vector<1x16xf32>,
      %parallel_loop3A_502 = vector.shape_cast %parallel_loop3A_501 : vector<1x16xf32> to vector<16xf32>
      %parallel_loop3A_503 = vector.shape_cast %parallel_loop3A_498 : vector<16xf32> to vector<1x16xf32>
      tpu.vector_store %arg6[%parallel_loop3A_499, %parallel_loop3A_500], %parallel_loop3A_503 {add = true, strides = array<i32>} : memref<8x768xf32, #tpu.memory_space<vmem>>, vector<1x16xf32>,
      %parallel_loop3A_504 = arith.index_cast %parallel_loop3A_215 : i32 to index
      %parallel_loop3A_505 = arith.constant 512 : index
      %parallel_loop3A_506 = tpu.vector_load %arg5[%parallel_loop3A_504, %parallel_loop3A_505] {strides = array<i32>} : memref<8x768xf32, #tpu.memory_space<vmem>>, vector<1x16xf32>,
      %parallel_loop3A_507 = vector.shape_cast %parallel_loop3A_506 : vector<1x16xf32> to vector<16xf32>
      %parallel_loop3A_508 = arith.index_cast %parallel_loop3A_215 : i32 to index
      %parallel_loop3A_509 = arith.constant 512 : index
      %parallel_loop3A_510 = tpu.vector_load %arg6[%parallel_loop3A_508, %parallel_loop3A_509] {strides = array<i32>} : memref<8x768xf32, #tpu.memory_space<vmem>>, vector<1x16xf32>,
      %parallel_loop3A_511 = vector.shape_cast %parallel_loop3A_510 : vector<1x16xf32> to vector<16xf32>
      %parallel_loop3A_512 = vector.shape_cast %parallel_loop3A_507 : vector<16xf32> to vector<1x16xf32>
      tpu.vector_store %arg6[%parallel_loop3A_508, %parallel_loop3A_509], %parallel_loop3A_512 {add = true, strides = array<i32>} : memref<8x768xf32, #tpu.memory_space<vmem>>, vector<1x16xf32>,
      %parallel_loop3A_513 = arith.index_cast %parallel_loop3A_215 : i32 to index
      %parallel_loop3A_514 = arith.constant 528 : index
      %parallel_loop3A_515 = tpu.vector_load %arg5[%parallel_loop3A_513, %parallel_loop3A_514] {strides = array<i32>} : memref<8x768xf32, #tpu.memory_space<vmem>>, vector<1x16xf32>,
      %parallel_loop3A_516 = vector.shape_cast %parallel_loop3A_515 : vector<1x16xf32> to vector<16xf32>
      %parallel_loop3A_517 = arith.index_cast %parallel_loop3A_215 : i32 to index
      %parallel_loop3A_518 = arith.constant 528 : index
      %parallel_loop3A_519 = tpu.vector_load %arg6[%parallel_loop3A_517, %parallel_loop3A_518] {strides = array<i32>} : memref<8x768xf32, #tpu.memory_space<vmem>>, vector<1x16xf32>,
      %parallel_loop3A_520 = vector.shape_cast %parallel_loop3A_519 : vector<1x16xf32> to vector<16xf32>
      %parallel_loop3A_521 = vector.shape_cast %parallel_loop3A_516 : vector<16xf32> to vector<1x16xf32>
      tpu.vector_store %arg6[%parallel_loop3A_517, %parallel_loop3A_518], %parallel_loop3A_521 {add = true, strides = array<i32>} : memref<8x768xf32, #tpu.memory_space<vmem>>, vector<1x16xf32>,
      %parallel_loop3A_522 = arith.index_cast %parallel_loop3A_215 : i32 to index
      %parallel_loop3A_523 = arith.constant 544 : index
      %parallel_loop3A_524 = tpu.vector_load %arg5[%parallel_loop3A_522, %parallel_loop3A_523] {strides = array<i32>} : memref<8x768xf32, #tpu.memory_space<vmem>>, vector<1x16xf32>,
      %parallel_loop3A_525 = vector.shape_cast %parallel_loop3A_524 : vector<1x16xf32> to vector<16xf32>
      %parallel_loop3A_526 = arith.index_cast %parallel_loop3A_215 : i32 to index
      %parallel_loop3A_527 = arith.constant 544 : index
      %parallel_loop3A_528 = tpu.vector_load %arg6[%parallel_loop3A_526, %parallel_loop3A_527] {strides = array<i32>} : memref<8x768xf32, #tpu.memory_space<vmem>>, vector<1x16xf32>,
      %parallel_loop3A_529 = vector.shape_cast %parallel_loop3A_528 : vector<1x16xf32> to vector<16xf32>
      %parallel_loop3A_530 = vector.shape_cast %parallel_loop3A_525 : vector<16xf32> to vector<1x16xf32>
      tpu.vector_store %arg6[%parallel_loop3A_526, %parallel_loop3A_527], %parallel_loop3A_530 {add = true, strides = array<i32>} : memref<8x768xf32, #tpu.memory_space<vmem>>, vector<1x16xf32>,
      %parallel_loop3A_531 = arith.index_cast %parallel_loop3A_215 : i32 to index
      %parallel_loop3A_532 = arith.constant 560 : index
      %parallel_loop3A_533 = tpu.vector_load %arg5[%parallel_loop3A_531, %parallel_loop3A_532] {strides = array<i32>} : memref<8x768xf32, #tpu.memory_space<vmem>>, vector<1x16xf32>,
      %parallel_loop3A_534 = vector.shape_cast %parallel_loop3A_533 : vector<1x16xf32> to vector<16xf32>
      %parallel_loop3A_535 = arith.index_cast %parallel_loop3A_215 : i32 to index
      %parallel_loop3A_536 = arith.constant 560 : index
      %parallel_loop3A_537 = tpu.vector_load %arg6[%parallel_loop3A_535, %parallel_loop3A_536] {strides = array<i32>} : memref<8x768xf32, #tpu.memory_space<vmem>>, vector<1x16xf32>,
      %parallel_loop3A_538 = vector.shape_cast %parallel_loop3A_537 : vector<1x16xf32> to vector<16xf32>
      %parallel_loop3A_539 = vector.shape_cast %parallel_loop3A_534 : vector<16xf32> to vector<1x16xf32>
      tpu.vector_store %arg6[%parallel_loop3A_535, %parallel_loop3A_536], %parallel_loop3A_539 {add = true, strides = array<i32>} : memref<8x768xf32, #tpu.memory_space<vmem>>, vector<1x16xf32>,
      %parallel_loop3A_540 = arith.index_cast %parallel_loop3A_215 : i32 to index
      %parallel_loop3A_541 = arith.constant 576 : index
      %parallel_loop3A_542 = tpu.vector_load %arg5[%parallel_loop3A_540, %parallel_loop3A_541] {strides = array<i32>} : memref<8x768xf32, #tpu.memory_space<vmem>>, vector<1x16xf32>,
      %parallel_loop3A_543 = vector.shape_cast %parallel_loop3A_542 : vector<1x16xf32> to vector<16xf32>
      %parallel_loop3A_544 = arith.index_cast %parallel_loop3A_215 : i32 to index
      %parallel_loop3A_545 = arith.constant 576 : index
      %parallel_loop3A_546 = tpu.vector_load %arg6[%parallel_loop3A_544, %parallel_loop3A_545] {strides = array<i32>} : memref<8x768xf32, #tpu.memory_space<vmem>>, vector<1x16xf32>,
      %parallel_loop3A_547 = vector.shape_cast %parallel_loop3A_546 : vector<1x16xf32> to vector<16xf32>
      %parallel_loop3A_548 = vector.shape_cast %parallel_loop3A_543 : vector<16xf32> to vector<1x16xf32>
      tpu.vector_store %arg6[%parallel_loop3A_544, %parallel_loop3A_545], %parallel_loop3A_548 {add = true, strides = array<i32>} : memref<8x768xf32, #tpu.memory_space<vmem>>, vector<1x16xf32>,
      %parallel_loop3A_549 = arith.index_cast %parallel_loop3A_215 : i32 to index
      %parallel_loop3A_550 = arith.constant 592 : index
      %parallel_loop3A_551 = tpu.vector_load %arg5[%parallel_loop3A_549, %parallel_loop3A_550] {strides = array<i32>} : memref<8x768xf32, #tpu.memory_space<vmem>>, vector<1x16xf32>,
      %parallel_loop3A_552 = vector.shape_cast %parallel_loop3A_551 : vector<1x16xf32> to vector<16xf32>
      %parallel_loop3A_553 = arith.index_cast %parallel_loop3A_215 : i32 to index
      %parallel_loop3A_554 = arith.constant 592 : index
      %parallel_loop3A_555 = tpu.vector_load %arg6[%parallel_loop3A_553, %parallel_loop3A_554] {strides = array<i32>} : memref<8x768xf32, #tpu.memory_space<vmem>>, vector<1x16xf32>,
      %parallel_loop3A_556 = vector.shape_cast %parallel_loop3A_555 : vector<1x16xf32> to vector<16xf32>
      %parallel_loop3A_557 = vector.shape_cast %parallel_loop3A_552 : vector<16xf32> to vector<1x16xf32>
      tpu.vector_store %arg6[%parallel_loop3A_553, %parallel_loop3A_554], %parallel_loop3A_557 {add = true, strides = array<i32>} : memref<8x768xf32, #tpu.memory_space<vmem>>, vector<1x16xf32>,
      %parallel_loop3A_558 = arith.index_cast %parallel_loop3A_215 : i32 to index
      %parallel_loop3A_559 = arith.constant 608 : index
      %parallel_loop3A_560 = tpu.vector_load %arg5[%parallel_loop3A_558, %parallel_loop3A_559] {strides = array<i32>} : memref<8x768xf32, #tpu.memory_space<vmem>>, vector<1x16xf32>,
      %parallel_loop3A_561 = vector.shape_cast %parallel_loop3A_560 : vector<1x16xf32> to vector<16xf32>
      %parallel_loop3A_562 = arith.index_cast %parallel_loop3A_215 : i32 to index
      %parallel_loop3A_563 = arith.constant 608 : index
      %parallel_loop3A_564 = tpu.vector_load %arg6[%parallel_loop3A_562, %parallel_loop3A_563] {strides = array<i32>} : memref<8x768xf32, #tpu.memory_space<vmem>>, vector<1x16xf32>,
      %parallel_loop3A_565 = vector.shape_cast %parallel_loop3A_564 : vector<1x16xf32> to vector<16xf32>
      %parallel_loop3A_566 = vector.shape_cast %parallel_loop3A_561 : vector<16xf32> to vector<1x16xf32>
      tpu.vector_store %arg6[%parallel_loop3A_562, %parallel_loop3A_563], %parallel_loop3A_566 {add = true, strides = array<i32>} : memref<8x768xf32, #tpu.memory_space<vmem>>, vector<1x16xf32>,
      %parallel_loop3A_567 = arith.index_cast %parallel_loop3A_215 : i32 to index
      %parallel_loop3A_568 = arith.constant 624 : index
      %parallel_loop3A_569 = tpu.vector_load %arg5[%parallel_loop3A_567, %parallel_loop3A_568] {strides = array<i32>} : memref<8x768xf32, #tpu.memory_space<vmem>>, vector<1x16xf32>,
      %parallel_loop3A_570 = vector.shape_cast %parallel_loop3A_569 : vector<1x16xf32> to vector<16xf32>
      %parallel_loop3A_571 = arith.index_cast %parallel_loop3A_215 : i32 to index
      %parallel_loop3A_572 = arith.constant 624 : index
      %parallel_loop3A_573 = tpu.vector_load %arg6[%parallel_loop3A_571, %parallel_loop3A_572] {strides = array<i32>} : memref<8x768xf32, #tpu.memory_space<vmem>>, vector<1x16xf32>,
      %parallel_loop3A_574 = vector.shape_cast %parallel_loop3A_573 : vector<1x16xf32> to vector<16xf32>
      %parallel_loop3A_575 = vector.shape_cast %parallel_loop3A_570 : vector<16xf32> to vector<1x16xf32>
      tpu.vector_store %arg6[%parallel_loop3A_571, %parallel_loop3A_572], %parallel_loop3A_575 {add = true, strides = array<i32>} : memref<8x768xf32, #tpu.memory_space<vmem>>, vector<1x16xf32>,
      %parallel_loop3A_576 = arith.index_cast %parallel_loop3A_215 : i32 to index
      %parallel_loop3A_577 = arith.constant 640 : index
      %parallel_loop3A_578 = tpu.vector_load %arg5[%parallel_loop3A_576, %parallel_loop3A_577] {strides = array<i32>} : memref<8x768xf32, #tpu.memory_space<vmem>>, vector<1x16xf32>,
      %parallel_loop3A_579 = vector.shape_cast %parallel_loop3A_578 : vector<1x16xf32> to vector<16xf32>
      %parallel_loop3A_580 = arith.index_cast %parallel_loop3A_215 : i32 to index
      %parallel_loop3A_581 = arith.constant 640 : index
      %parallel_loop3A_582 = tpu.vector_load %arg6[%parallel_loop3A_580, %parallel_loop3A_581] {strides = array<i32>} : memref<8x768xf32, #tpu.memory_space<vmem>>, vector<1x16xf32>,
      %parallel_loop3A_583 = vector.shape_cast %parallel_loop3A_582 : vector<1x16xf32> to vector<16xf32>
      %parallel_loop3A_584 = vector.shape_cast %parallel_loop3A_579 : vector<16xf32> to vector<1x16xf32>
      tpu.vector_store %arg6[%parallel_loop3A_580, %parallel_loop3A_581], %parallel_loop3A_584 {add = true, strides = array<i32>} : memref<8x768xf32, #tpu.memory_space<vmem>>, vector<1x16xf32>,
      %parallel_loop3A_585 = arith.index_cast %parallel_loop3A_215 : i32 to index
      %parallel_loop3A_586 = arith.constant 656 : index
      %parallel_loop3A_587 = tpu.vector_load %arg5[%parallel_loop3A_585, %parallel_loop3A_586] {strides = array<i32>} : memref<8x768xf32, #tpu.memory_space<vmem>>, vector<1x16xf32>,
      %parallel_loop3A_588 = vector.shape_cast %parallel_loop3A_587 : vector<1x16xf32> to vector<16xf32>
      %parallel_loop3A_589 = arith.index_cast %parallel_loop3A_215 : i32 to index
      %parallel_loop3A_590 = arith.constant 656 : index
      %parallel_loop3A_591 = tpu.vector_load %arg6[%parallel_loop3A_589, %parallel_loop3A_590] {strides = array<i32>} : memref<8x768xf32, #tpu.memory_space<vmem>>, vector<1x16xf32>,
      %parallel_loop3A_592 = vector.shape_cast %parallel_loop3A_591 : vector<1x16xf32> to vector<16xf32>
      %parallel_loop3A_593 = vector.shape_cast %parallel_loop3A_588 : vector<16xf32> to vector<1x16xf32>
      tpu.vector_store %arg6[%parallel_loop3A_589, %parallel_loop3A_590], %parallel_loop3A_593 {add = true, strides = array<i32>} : memref<8x768xf32, #tpu.memory_space<vmem>>, vector<1x16xf32>,
      %parallel_loop3A_594 = arith.index_cast %parallel_loop3A_215 : i32 to index
      %parallel_loop3A_595 = arith.constant 672 : index
      %parallel_loop3A_596 = tpu.vector_load %arg5[%parallel_loop3A_594, %parallel_loop3A_595] {strides = array<i32>} : memref<8x768xf32, #tpu.memory_space<vmem>>, vector<1x16xf32>,
      %parallel_loop3A_597 = vector.shape_cast %parallel_loop3A_596 : vector<1x16xf32> to vector<16xf32>
      %parallel_loop3A_598 = arith.index_cast %parallel_loop3A_215 : i32 to index
      %parallel_loop3A_599 = arith.constant 672 : index
      %parallel_loop3A_600 = tpu.vector_load %arg6[%parallel_loop3A_598, %parallel_loop3A_599] {strides = array<i32>} : memref<8x768xf32, #tpu.memory_space<vmem>>, vector<1x16xf32>,
      %parallel_loop3A_601 = vector.shape_cast %parallel_loop3A_600 : vector<1x16xf32> to vector<16xf32>
      %parallel_loop3A_602 = vector.shape_cast %parallel_loop3A_597 : vector<16xf32> to vector<1x16xf32>
      tpu.vector_store %arg6[%parallel_loop3A_598, %parallel_loop3A_599], %parallel_loop3A_602 {add = true, strides = array<i32>} : memref<8x768xf32, #tpu.memory_space<vmem>>, vector<1x16xf32>,
      %parallel_loop3A_603 = arith.index_cast %parallel_loop3A_215 : i32 to index
      %parallel_loop3A_604 = arith.constant 688 : index
      %parallel_loop3A_605 = tpu.vector_load %arg5[%parallel_loop3A_603, %parallel_loop3A_604] {strides = array<i32>} : memref<8x768xf32, #tpu.memory_space<vmem>>, vector<1x16xf32>,
      %parallel_loop3A_606 = vector.shape_cast %parallel_loop3A_605 : vector<1x16xf32> to vector<16xf32>
      %parallel_loop3A_607 = arith.index_cast %parallel_loop3A_215 : i32 to index
      %parallel_loop3A_608 = arith.constant 688 : index
      %parallel_loop3A_609 = tpu.vector_load %arg6[%parallel_loop3A_607, %parallel_loop3A_608] {strides = array<i32>} : memref<8x768xf32, #tpu.memory_space<vmem>>, vector<1x16xf32>,
      %parallel_loop3A_610 = vector.shape_cast %parallel_loop3A_609 : vector<1x16xf32> to vector<16xf32>
      %parallel_loop3A_611 = vector.shape_cast %parallel_loop3A_606 : vector<16xf32> to vector<1x16xf32>
      tpu.vector_store %arg6[%parallel_loop3A_607, %parallel_loop3A_608], %parallel_loop3A_611 {add = true, strides = array<i32>} : memref<8x768xf32, #tpu.memory_space<vmem>>, vector<1x16xf32>,
      %parallel_loop3A_612 = arith.index_cast %parallel_loop3A_215 : i32 to index
      %parallel_loop3A_613 = arith.constant 704 : index
      %parallel_loop3A_614 = tpu.vector_load %arg5[%parallel_loop3A_612, %parallel_loop3A_613] {strides = array<i32>} : memref<8x768xf32, #tpu.memory_space<vmem>>, vector<1x16xf32>,
      %parallel_loop3A_615 = vector.shape_cast %parallel_loop3A_614 : vector<1x16xf32> to vector<16xf32>
      %parallel_loop3A_616 = arith.index_cast %parallel_loop3A_215 : i32 to index
      %parallel_loop3A_617 = arith.constant 704 : index
      %parallel_loop3A_618 = tpu.vector_load %arg6[%parallel_loop3A_616, %parallel_loop3A_617] {strides = array<i32>} : memref<8x768xf32, #tpu.memory_space<vmem>>, vector<1x16xf32>,
      %parallel_loop3A_619 = vector.shape_cast %parallel_loop3A_618 : vector<1x16xf32> to vector<16xf32>
      %parallel_loop3A_620 = vector.shape_cast %parallel_loop3A_615 : vector<16xf32> to vector<1x16xf32>
      tpu.vector_store %arg6[%parallel_loop3A_616, %parallel_loop3A_617], %parallel_loop3A_620 {add = true, strides = array<i32>} : memref<8x768xf32, #tpu.memory_space<vmem>>, vector<1x16xf32>,
      %parallel_loop3A_621 = arith.index_cast %parallel_loop3A_215 : i32 to index
      %parallel_loop3A_622 = arith.constant 720 : index
      %parallel_loop3A_623 = tpu.vector_load %arg5[%parallel_loop3A_621, %parallel_loop3A_622] {strides = array<i32>} : memref<8x768xf32, #tpu.memory_space<vmem>>, vector<1x16xf32>,
      %parallel_loop3A_624 = vector.shape_cast %parallel_loop3A_623 : vector<1x16xf32> to vector<16xf32>
      %parallel_loop3A_625 = arith.index_cast %parallel_loop3A_215 : i32 to index
      %parallel_loop3A_626 = arith.constant 720 : index
      %parallel_loop3A_627 = tpu.vector_load %arg6[%parallel_loop3A_625, %parallel_loop3A_626] {strides = array<i32>} : memref<8x768xf32, #tpu.memory_space<vmem>>, vector<1x16xf32>,
      %parallel_loop3A_628 = vector.shape_cast %parallel_loop3A_627 : vector<1x16xf32> to vector<16xf32>
      %parallel_loop3A_629 = vector.shape_cast %parallel_loop3A_624 : vector<16xf32> to vector<1x16xf32>
      tpu.vector_store %arg6[%parallel_loop3A_625, %parallel_loop3A_626], %parallel_loop3A_629 {add = true, strides = array<i32>} : memref<8x768xf32, #tpu.memory_space<vmem>>, vector<1x16xf32>,
      %parallel_loop3A_630 = arith.index_cast %parallel_loop3A_215 : i32 to index
      %parallel_loop3A_631 = arith.constant 736 : index
      %parallel_loop3A_632 = tpu.vector_load %arg5[%parallel_loop3A_630, %parallel_loop3A_631] {strides = array<i32>} : memref<8x768xf32, #tpu.memory_space<vmem>>, vector<1x16xf32>,
      %parallel_loop3A_633 = vector.shape_cast %parallel_loop3A_632 : vector<1x16xf32> to vector<16xf32>
      %parallel_loop3A_634 = arith.index_cast %parallel_loop3A_215 : i32 to index
      %parallel_loop3A_635 = arith.constant 736 : index
      %parallel_loop3A_636 = tpu.vector_load %arg6[%parallel_loop3A_634, %parallel_loop3A_635] {strides = array<i32>} : memref<8x768xf32, #tpu.memory_space<vmem>>, vector<1x16xf32>,
      %parallel_loop3A_637 = vector.shape_cast %parallel_loop3A_636 : vector<1x16xf32> to vector<16xf32>
      %parallel_loop3A_638 = vector.shape_cast %parallel_loop3A_633 : vector<16xf32> to vector<1x16xf32>
      tpu.vector_store %arg6[%parallel_loop3A_634, %parallel_loop3A_635], %parallel_loop3A_638 {add = true, strides = array<i32>} : memref<8x768xf32, #tpu.memory_space<vmem>>, vector<1x16xf32>,
      %parallel_loop3A_639 = arith.index_cast %parallel_loop3A_215 : i32 to index
      %parallel_loop3A_640 = arith.constant 752 : index
      %parallel_loop3A_641 = tpu.vector_load %arg5[%parallel_loop3A_639, %parallel_loop3A_640] {strides = array<i32>} : memref<8x768xf32, #tpu.memory_space<vmem>>, vector<1x16xf32>,
      %parallel_loop3A_642 = vector.shape_cast %parallel_loop3A_641 : vector<1x16xf32> to vector<16xf32>
      %parallel_loop3A_643 = arith.index_cast %parallel_loop3A_215 : i32 to index
      %parallel_loop3A_644 = arith.constant 752 : index
      %parallel_loop3A_645 = tpu.vector_load %arg6[%parallel_loop3A_643, %parallel_loop3A_644] {strides = array<i32>} : memref<8x768xf32, #tpu.memory_space<vmem>>, vector<1x16xf32>,
      %parallel_loop3A_646 = vector.shape_cast %parallel_loop3A_645 : vector<1x16xf32> to vector<16xf32>
      %parallel_loop3A_647 = vector.shape_cast %parallel_loop3A_642 : vector<16xf32> to vector<1x16xf32>
      tpu.vector_store %arg6[%parallel_loop3A_643, %parallel_loop3A_644], %parallel_loop3A_647 {add = true, strides = array<i32>} : memref<8x768xf32, #tpu.memory_space<vmem>>, vector<1x16xf32>,
    } {sc.loop_unroll_factor = 1 : i64, sc.parallel_access}
    %dma_start3A_176 = arith.constant 3 : i32
    %dma_start3A_177 = arith.constant 0 : i32
    %dma_start3A_178 = arith.constant 0 : i32
    %dma_start3A_179 = tpu.memref_slice %arg4[%dma_start3A_176, %dma_start3A_177, %dma_start3A_178] : memref<4x256x768xf32, #tpu.memory_space<hbm>> -> memref<1x256x768xf32, #tpu.memory_space<hbm>>
    %dma_start3A_180 = tpu.memref_squeeze %dma_start3A_179 : memref<1x256x768xf32, #tpu.memory_space<hbm>> -> memref<256x768xf32, #tpu.memory_space<hbm>>
    %dma_start3A_181 = arith.constant 0 : i32
    %dma_start3A_182 = tpu.memref_slice %dma_start3A_180[%mul3A_2, %dma_start3A_181] : memref<256x768xf32, #tpu.memory_space<hbm>> -> memref<8x768xf32, #tpu.memory_space<hbm>>
    %dma_start3A_183 = arith.constant 0 : i32
    %dma_start3A_184 = arith.constant 0 : i32
    %dma_start3A_185 = tpu.memref_slice %arg4[%dma_start3A_176, %dma_start3A_183, %dma_start3A_184] : memref<4x256x768xf32, #tpu.memory_space<hbm>> -> memref<1x256x768xf32, #tpu.memory_space<hbm>>
    %dma_start3A_186 = tpu.memref_squeeze %dma_start3A_185 : memref<1x256x768xf32, #tpu.memory_space<hbm>> -> memref<256x768xf32, #tpu.memory_space<hbm>>
    %dma_start3A_187 = arith.constant 0 : i32
    %dma_start3A_188 = tpu.memref_slice %dma_start3A_186[%mul3A_2, %dma_start3A_187] : memref<256x768xf32, #tpu.memory_space<hbm>> -> memref<8x768xf32, #tpu.memory_space<hbm>>
    tpu.enqueue_dma source(%arg6 : memref<8x768xf32, #tpu.memory_space<vmem>>) target(%dma_start3A_188 : memref<8x768xf32, #tpu.memory_space<hbm>>) target_semaphore(%arg13 : memref<!tpu.dma_semaphore, #tpu.memory_space<semaphore_mem>>)
    %dma_wait3A_189 = arith.constant 2 : i32
    %dma_wait3A_190 = arith.constant 0 : i32
    %dma_wait3A_191 = arith.constant 0 : i32
    %dma_wait3A_192 = tpu.memref_slice %arg4[%dma_wait3A_189, %dma_wait3A_190, %dma_wait3A_191] : memref<4x256x768xf32, #tpu.memory_space<hbm>> -> memref<1x256x768xf32, #tpu.memory_space<hbm>>
    %dma_wait3A_193 = tpu.memref_squeeze %dma_wait3A_192 : memref<1x256x768xf32, #tpu.memory_space<hbm>> -> memref<256x768xf32, #tpu.memory_space<hbm>>
    %dma_wait3A_194 = arith.constant 0 : i32
    %dma_wait3A_195 = tpu.memref_slice %dma_wait3A_193[%mul3A_2, %dma_wait3A_194] : memref<256x768xf32, #tpu.memory_space<hbm>> -> memref<8x768xf32, #tpu.memory_space<hbm>>
    %dma_wait3A_196 = arith.constant 0 : i32
    %dma_wait3A_197 = arith.constant 0 : i32
    %dma_wait3A_198 = tpu.memref_slice %arg4[%dma_wait3A_189, %dma_wait3A_196, %dma_wait3A_197] : memref<4x256x768xf32, #tpu.memory_space<hbm>> -> memref<1x256x768xf32, #tpu.memory_space<hbm>>
    %dma_wait3A_199 = tpu.memref_squeeze %dma_wait3A_198 : memref<1x256x768xf32, #tpu.memory_space<hbm>> -> memref<256x768xf32, #tpu.memory_space<hbm>>
    %dma_wait3A_200 = arith.constant 0 : i32
    %dma_wait3A_201 = tpu.memref_slice %dma_wait3A_199[%mul3A_2, %dma_wait3A_200] : memref<256x768xf32, #tpu.memory_space<hbm>> -> memref<8x768xf32, #tpu.memory_space<hbm>>
    tpu.wait_dma2 semaphore(%arg15 : memref<!tpu.dma_semaphore, #tpu.memory_space<semaphore_mem>>) src(%arg8 : memref<8x768xf32, #tpu.memory_space<vmem>>) dst(%dma_wait3A_201 : memref<8x768xf32, #tpu.memory_space<hbm>>)
    %dma_wait3A_202 = arith.constant 3 : i32
    %dma_wait3A_203 = arith.constant 0 : i32
    %dma_wait3A_204 = arith.constant 0 : i32
    %dma_wait3A_205 = tpu.memref_slice %arg4[%dma_wait3A_202, %dma_wait3A_203, %dma_wait3A_204] : memref<4x256x768xf32, #tpu.memory_space<hbm>> -> memref<1x256x768xf32, #tpu.memory_space<hbm>>
    %dma_wait3A_206 = tpu.memref_squeeze %dma_wait3A_205 : memref<1x256x768xf32, #tpu.memory_space<hbm>> -> memref<256x768xf32, #tpu.memory_space<hbm>>
    %dma_wait3A_207 = arith.constant 0 : i32
    %dma_wait3A_208 = tpu.memref_slice %dma_wait3A_206[%mul3A_2, %dma_wait3A_207] : memref<256x768xf32, #tpu.memory_space<hbm>> -> memref<8x768xf32, #tpu.memory_space<hbm>>
    %dma_wait3A_209 = arith.constant 0 : i32
    %dma_wait3A_210 = arith.constant 0 : i32
    %dma_wait3A_211 = tpu.memref_slice %arg4[%dma_wait3A_202, %dma_wait3A_209, %dma_wait3A_210] : memref<4x256x768xf32, #tpu.memory_space<hbm>> -> memref<1x256x768xf32, #tpu.memory_space<hbm>>
    %dma_wait3A_212 = tpu.memref_squeeze %dma_wait3A_211 : memref<1x256x768xf32, #tpu.memory_space<hbm>> -> memref<256x768xf32, #tpu.memory_space<hbm>>
    %dma_wait3A_213 = arith.constant 0 : i32
    %dma_wait3A_214 = tpu.memref_slice %dma_wait3A_212[%mul3A_2, %dma_wait3A_213] : memref<256x768xf32, #tpu.memory_space<hbm>> -> memref<8x768xf32, #tpu.memory_space<hbm>>
    tpu.wait_dma2 semaphore(%arg13 : memref<!tpu.dma_semaphore, #tpu.memory_space<semaphore_mem>>) src(%arg6 : memref<8x768xf32, #tpu.memory_space<vmem>>) dst(%dma_wait3A_214 : memref<8x768xf32, #tpu.memory_space<hbm>>)
    return
  }
}

module attributes {stable_mosaic.version = 14 : i64} {
  func.func @_tc_body(%arg0: i32, %arg1: i32, %arg2: memref<2x256x768xf32, #tpu.memory_space<vmem>>, %arg3: memref<256x768xf32, #tpu.memory_space<vmem>>, %arg4: memref<2x256x768xf32, #tpu.memory_space<vmem>>) attributes {dimension_semantics = [#tpu.dimension_semantics<arbitrary>, #tpu.dimension_semantics<arbitrary>], iteration_bounds = array<i64: 7, 2>, scalar_prefetch = 0 : i64, scratch_operands = 0 : i64, tpu.core_type = #tpu.core_type<tc>, window_params = [{transform_indices = @transform_0, window_bounds = array<i64: 2, 256, 768>}, {transform_indices = @transform_1, window_bounds = array<i64: 256, 768>}, {transform_indices = @transform_2, window_bounds = array<i64: 2, 256, 768>}]} {
    %get3A = arith.constant 0 : index
    %get3A_0 = arith.constant 0 : index
    %get3A_1 = arith.constant 0 : index
    %get3A_2 = vector.load %arg2[%get3A, %get3A_0, %get3A_1] : memref<2x256x768xf32, #tpu.memory_space<vmem>>, vector<2x256x768xf32>
    %get3A_3 = arith.constant 0 : index
    %get3A_4 = arith.constant 0 : index
    %get3A_5 = vector.load %arg3[%get3A_3, %get3A_4] : memref<256x768xf32, #tpu.memory_space<vmem>>, vector<256x768xf32>
    %broadcast_in_dim3A = vector.shape_cast %get3A_5 : vector<256x768xf32> to vector<1x256x768xf32>
    %add3A = vector.broadcast %broadcast_in_dim3A : vector<1x256x768xf32> to vector<2x256x768xf32>
    %add3A_6 = arith.addf %get3A_2, %add3A : vector<2x256x768xf32>
    %swap3A = arith.constant 0 : index
    %swap3A_7 = arith.constant 0 : index
    %swap3A_8 = arith.constant 0 : index
    %swap3A_9 = vector.load %arg4[%swap3A, %swap3A_7, %swap3A_8] : memref<2x256x768xf32, #tpu.memory_space<vmem>>, vector<2x256x768xf32>
    tpu.vector_store %arg4[%swap3A, %swap3A_7, %swap3A_8], %add3A_6 {strides = array<i32>} : memref<2x256x768xf32, #tpu.memory_space<vmem>>, vector<2x256x768xf32>,
    return
  }
  func.func @transform_0(%arg0: i32, %arg1: i32) -> (i32, i32, i32) {
    %add3A = arith.constant 1 : i32
    %add3A_0 = arith.addi %arg0, %add3A : i32
    %c0_i32 = arith.constant 0 : i32
    %c0_i32_1 = arith.constant 0 : i32
    return %arg1, %add3A_0, %c0_i32 : i32, i32, i32
  }
  func.func @transform_1(%arg0: i32, %arg1: i32) -> (i32, i32) {
    %add3A = arith.constant 1 : i32
    %add3A_0 = arith.addi %arg0, %add3A : i32
    %c0_i32 = arith.constant 0 : i32
    %c0_i32_1 = arith.constant 0 : i32
    return %add3A_0, %c0_i32 : i32, i32
  }
  func.func @transform_2(%arg0: i32, %arg1: i32) -> (i32, i32, i32) {
    %add3A = arith.constant 1 : i32
    %add3A_0 = arith.addi %arg0, %add3A : i32
    %c0_i32 = arith.constant 0 : i32
    %c0_i32_1 = arith.constant 0 : i32
    return %arg1, %add3A_0, %c0_i32 : i32, i32, i32
  }
}

</mosaic_0001>

<sc_bundles>
// kernel: kernel.4.cloned.1.call-start
scs
__scs_entry_jumppad:
0x0: {  	(pc) =	sbr.rel $0x88, $3  }
0x1: {  	(tag) =	ssettag $0x0;
	lr =	simm.s32 $0x1  }
0x2: {  	[smem:$0x3F9F] =	sst lr;
	_ =	strace $0xD0000000  }
0x3: {  	_ = 	snop  }
0x4: {  	_ = 	snop  }
0x5: {  	_ = 	snop  }
0x6: {  	_ = 	snop  }
0x7: {  	_ = 	snop  }
__scs_overlays_trampoline_lowered:
0x8: {  	[smem:$0x3FAE] =	sst s0  }
0x9: {  	[smem:$0x3FAF] =	sst s1  }
0xa: {  	[smem:$0x3FB0] =	sst s2  }
0xb: {  	[smem:$0x3FB1] =	sst s3  }
0xc: {  	[smem:$0x3FB2] =	sst s4  }
0xd: {  	[smem:$0x3FB3] =	sst s5  }
0xe: {  	[smem:$0x3FB4] =	sst s6  }
0xf: {  	[smem:$0x3FB5] =	sst s7  }
0x10: {  	[smem:$0x3FB6] =	sst s8  }
0x11: {  	[smem:$0x3FB7] =	sst s9;
	s0 =	simm.s32 @!p0 $0x0  }
0x12: {  	s1 =	sld [smem:$0x3F9D];
	s0 =	simm.s32 @p0 $0x1  }
0x13: {  	[smem:$0x3FB8] =	sst s0;
	s0 =	simm.s32 @!p1 $0x0  }
0x14: {  	s2 =	sld [smem:$0x3F9C];
	s0 =	simm.s32 @p1 $0x1  }
0x15: {  	[smem:$0x3FB9] =	sst s0;
	s0 =	simm.s32 @!p2 $0x0  }
0x16: {  	s3 =	sld [smem:$0x3FDB];
	s0 =	simm.s32 @p2 $0x1  }
0x17: {  	s4 =	simm.s32 $0x1BF5;
	[smem:$0x3FBB] =	sst s0  }
0x18: {  	s0 =	sld [smem:$0x3F9E];
	_ =	swait.ge [sflag:s4], $0x0  }
0x19: {  	s7 =	sld [smem:$0x3F9F]  }
0x1a: {  	s8 =	sadd.s32 $0xFFFFE003, lr  }
0x1b: {  	s9 =	sadd.s32 $0xFFFFFEF7, lr;
	s5 =	simm.s32 $0xFFFFFFFF;
	p2 =	slt.u32 s8, $0xFFFFF086  }
0x1c: {  	p1 =	slt.u32 s9, $0xF7A;
	s5 =	simm.s32 @!p2 $0x0  }
0x1d: {  	s5 =	simm.s32 @p1 $0x1;
	p0 =	seq.s32 s7, s2  }
0x1e: {  	s7 =	smul.u32 @!p0 $0xF7A, s2;
	p2 =	seq.s32 @!p0 s5, $0x0  }
0x1f: {  	s9 =	smul.u32 $0xF7A, s1;
	s8 =	simm.s32 @!p0 $0x1BF5;
	p2 =	por !p2, p0  }
0x20: {  	[sflag:s8] =	ssyncset.s32 @!p0 $0xFFFFF086;
	s6 =	sadd.s32 @!p0 s3, s7;
	s7 =	simm.s32 @!p0 $0x108  }
0x21: {  	s3 =	sadd.s32 s3, s9;
	s6 =	sadd.s32 @!p0 $0x88, s6;
	s7 =	simm.s32 @p2 $0x1082  }
0x22: {  	[simem:s7], [sflag:s8] =	dma.local @!p0 [hbm:s6], $0xF7A  }
0x23: {  	s9 =	sor.u32 $0xD0000000, s2;
	s6 =	simm.s32 $0x108;
	_ =	swait.ge @!p0 [sflag:s8], $0x0  }
0x24: {  	s3 =	sadd.s32 $0x88, s3;
	s6 =	simm.s32 @!p1 $0x1082;
	[sflag:s4] =	ssyncset.s32 $0xFFFFF086  }
0x25: {  	[simem:s6], [sflag:s4] =	dma.local [hbm:s3], $0xF7A  }
0x26: {  	[smem:$0x3F9F] =	sst s1;
	(tag) =	ssettag s2;
	_ =	strace s9  }
0x27: {  	s1 =	sld [smem:$0x3FAF]  }
0x28: {  	s2 =	sld [smem:$0x3FB0]  }
0x29: {  	s4 =	sld [smem:$0x3FB2]  }
0x2a: {  	p0 =	seq.s32 s5, $0x0;
	s5 =	sld [smem:$0x3FB3]  }
0x2b: {  	s6 =	sld [smem:$0x3FB4]  }
0x2c: {  	s7 =	sld [smem:$0x3FB5]  }
0x2d: {  	s3 =	simm.s32 $0x108;
	s8 =	sld [smem:$0x3FB6]  }
0x2e: {  	s3 =	simm.s32 @!p0 $0x1082;
	s9 =	sld [smem:$0x3FB7]  }
0x2f: {  	lr =	sadd.s32 s0, s3;
	s0 =	sld [smem:$0x3FAE]  }
0x30: {  	s3 =	sld [smem:$0x3FB1]  }
0x31: {  	[smem:$0x3FBA] =	sst s10  }
0x32: {  	s10 =	sld [smem:$0x3FB8];
	_ =	sdelay $0x3  }
0x33: {  	p0 =	seq.s32 s10, $0x1;
	s10 =	sld [smem:$0x3FBA];
	_ =	sdelay $0x3  }
0x34: {  	[smem:$0x3FBA] =	sst s10  }
0x35: {  	s10 =	sld [smem:$0x3FB9];
	_ =	sdelay $0x3  }
0x36: {  	p1 =	seq.s32 s10, $0x1;
	s10 =	sld [smem:$0x3FBA];
	_ =	sdelay $0x3  }
0x37: {  	[smem:$0x3FBA] =	sst s10  }
0x38: {  	s10 =	sld [smem:$0x3FBB]  }
0x39: {  	_ = 	snop;
	(pc) =	sbr.ind lr, $3  }
0x3a: {  	_ = 	snop  }
0x3b: {  	_ = 	snop  }
0x3c: {  	p2 =	seq.s32 s10, $0x1;
	s10 =	sld [smem:$0x3FBA]  }
0x3d: {  	_ =	shalt  }
0x3e: {  	_ =	shalt  }
0x3f: {  	_ =	shalt  }
0x40: {  	_ =	shalt  }
0x41: {  	_ =	shalt  }
0x42: {  	_ =	shalt  }
0x43: {  	_ =	shalt  }
0x44: {  	_ =	shalt  }
0x45: {  	_ =	shalt  }
0x46: {  	_ =	shalt  }
0x47: {  	_ =	shalt  }
0x48: {  	_ =	shalt  }
0x49: {  	_ =	shalt  }
0x4a: {  	_ =	shalt  }
0x4b: {  	_ =	shalt  }
0x4c: {  	_ =	shalt  }
0x4d: {  	_ =	shalt  }
0x4e: {  	_ =	shalt  }
0x4f: {  	_ =	shalt  }
0x50: {  	_ =	shalt  }
0x51: {  	_ =	shalt  }
0x52: {  	_ =	shalt  }
0x53: {  	_ =	shalt  }
0x54: {  	_ =	shalt  }
0x55: {  	_ =	shalt  }
0x56: {  	_ =	shalt  }
0x57: {  	_ =	shalt  }
0x58: {  	_ =	shalt  }
0x59: {  	_ =	shalt  }
0x5a: {  	_ =	shalt  }
0x5b: {  	_ =	shalt  }
0x5c: {  	_ =	shalt  }
0x5d: {  	_ =	shalt  }
0x5e: {  	_ =	shalt  }
0x5f: {  	_ =	shalt  }
0x60: {  	_ =	shalt  }
0x61: {  	_ =	shalt  }
0x62: {  	_ =	shalt  }
0x63: {  	_ =	shalt  }
0x64: {  	_ =	shalt  }
0x65: {  	_ =	shalt  }
0x66: {  	_ =	shalt  }
0x67: {  	_ =	shalt  }
0x68: {  	_ =	shalt  }
0x69: {  	_ =	shalt  }
0x6a: {  	_ =	shalt  }
0x6b: {  	_ =	shalt  }
0x6c: {  	_ =	shalt  }
0x6d: {  	_ =	shalt  }
0x6e: {  	_ =	shalt  }
0x6f: {  	_ =	shalt  }
0x70: {  	_ =	shalt  }
0x71: {  	_ =	shalt  }
0x72: {  	_ =	shalt  }
0x73: {  	_ =	shalt  }
0x74: {  	_ =	shalt  }
0x75: {  	_ =	shalt  }
0x76: {  	_ =	shalt  }
0x77: {  	_ =	shalt  }
0x78: {  	_ =	shalt  }
0x79: {  	_ =	shalt  }
0x7a: {  	_ =	shalt  }
0x7b: {  	_ =	shalt  }
0x7c: {  	_ =	shalt  }
0x7d: {  	_ =	shalt  }
0x7e: {  	_ =	shalt  }
0x7f: {  	_ =	shalt  }
0x80: {  	_ =	shalt  }
0x81: {  	_ =	shalt  }
0x82: {  	_ =	shalt  }
0x83: {  	_ =	shalt  }
0x84: {  	_ =	shalt  }
0x85: {  	_ =	shalt  }
0x86: {  	_ =	shalt  }
0x87: {  	_ =	shalt  }
.Lfunc_end0:
.L_simem_size_0:
called_computation_lowered:
.L_overlay_start_0:
0x88: {  	s2 =	sld [smem:$0x3FD9]  }
0x89: {  	s3 =	sld [smem:$0x3FFE];
	_ =	sdelay $0x1  }
0x8a: {  	s1 =	srdreg.scid  }
0x8b: {  	s0 =	sand.u32 $0x1, s1  }
0x8c: {  	s17 =	sshll.u32 s0, $0xA;
	s2 =	sadd.s32 s3, s2  }
0x8d: {  	s2 =	sadd.s32 s2, s17  }
0x8e: {  	[smem:$0x3FC6] =	sst s2  }
0x8f: {  	_ = 	snop  }
0x90: {  	s2 =	sld [smem:$0x3FC9]  }
0x91: {  	s18 =	sld [smem:$0x3FC8];
	(tm) =	ssettm $0x1  }
0x92: {  	s4 =	sld [smem:$0x3FFB];
	_ =	sdelay $0x3  }
0x93: {  	_ =	strace s4  }
0x94: {  	s4 =	sld [smem:$0x3FFC];
	_ =	sdelay $0x3  }
0x95: {  	_ =	strace s4  }
0x96: {  	s4 =	sld [smem:$0x3FFD];
	_ =	sdelay $0x3  }
0x97: {  	_ =	strace s4  }
0x98: {  	_ =	strace $0x8FFFFFFF  }
0x99: {  	s19 =	sld [smem:$0x3FDB];
	_ =	sdelay $0x1  }
0x9a: {  	s5 =	simm.s32 $_scs_section_size  }
0x9b: {  	s6 =	simm.s32 $_size__tile_overlayer_lowered;
	s7 =	simm.s32 $_tile_overlayer_lowered  }
0x9c: {  	s22 =	simm.s32 $0x1BFF;
	s21 =	sshll.u32 s7, $0x1;
	s4 =	sadd.s32 s5, s19  }
0x9d: {  	s8 =	simm.s32 $0x0;
	s20 =	sshll.u32 s6, $0x1;
	s6 =	sadd.s32 s21, s4  }
0x9e: {  	[timem:s8], [sflag:s22] =	dma.local [hbm:s6], s20  }
0x9f: {  	_ =	swait.ge [sflag:s22], s20  }
0xa0: {  	s5 =	ssub.s32 $0x0, s20;
	[sflag:s22] =	ssyncset.done $0x0  }
0xa1: {  	[sflag:s22] =	ssyncadd.s32 s5;
	_ =	sdelay $0x1  }
0xa2: {  	s23 =	simm.s32 $0x1B8B  }
0xa3: {  	_ =	swait.ge [sflag:s23], $0x1  }
0xa4: {  	[sflag:s23] =	ssyncset.done $0x0  }
0xa5: {  	s25 =	simm.s32 $0x1B8E;
	s24 =	sld [smem:$0x3FFE];
	[sflag:s23] =	ssyncadd.s32 $0xFFFFFFFF  }
0xa6: {  	s26 =	simm.s32 $execute0_lowered;
	[smem:$0x3FD2] =	sst s25  }
0xa7: {  	s6 =	sshll.u32 s26, $0x1;
	_ =	strace $0x80000046;
	[dreg:$0x1] =	wrdreg $0xFFFFFFFF  }
0xa8: {  	s28 =	simm.s32 $_size_execute0_lowered;
	s4 =	sadd.s32 s4, s6;
	[dreg:$0x0] =	wrdreg $0x0  }
0xa9: {  	s6 =	sshll.u32 s28, $0x1;
	[dreg:$0x2] =	wrdreg s4  }
0xaa: {  	[dreg:$0x3] =	wrdreg s6  }
0xab: {  	[dreg:$0x4] =	wrdreg $0xC0  }
0xac: {  	_ =	task [dreg:s8], $0x5FFFF  }
0xad: {  	[dreg:$0x1] =	wrdreg $0xFFFFFFFF  }
0xae: {  	[dreg:$0x0] =	wrdreg $0x60  }
0xaf: {  	[dreg:$0x2] =	wrdreg s2  }
0xb0: {  	[dreg:$0x3] =	wrdreg s18  }
0xb1: {  	[dreg:$0x4] =	wrdreg s24  }
0xb2: {  	[dreg:$0x5] =	wrdreg $0x9  }
0xb3: {  	_ =	task.clear_ibuf [dreg:s8], $0x6FFFF;
	_ =	strace $0x90000046  }
0xb4: {  	s29 =	simm.s32 $0x9;
	_ =	strace $0x80000048  }
0xb5: {  	_ =	swait.ge [sflag:s29], $0x1  }
0xb6: {  	[sflag:s29] =	ssyncadd.s32 $0xFFFFFFFF  }
0xb7: {  	_ =	strace $0x90000048  }
0xb8: {  	_ =	sfence  }
0xb9: {  	s30 =	sld [smem:$0x0];
	_ =	sdelay $0x2  }
0xba: {  	s31 =	sshll.u32 s1, $0xD;
	s1 =	sshrl.u32 s1, $0x2  }
0xbb: {  	s3 =	sand.u32 $0x4000, s31;
	s1 =	sadd.s32 s1, s30  }
0xbc: {  	s0 =	sor.u32 s3, s0;
	s1 =	sshll.u32 s1, $0x11  }
0xbd: {  	s0 =	sor.u32 s1, s0  }
0xbe: {  	s0 =	sadd.s32 $0x8F2B, s0  }
0xbf: {  	[sflag:s0] =	ssyncadd.remote.s32 $0x1  }
0xc0: {  	_ =	sfence.sel $0xFFFF  }
0xc1: {  	[dreg:$0x0] =	wrdreg $0xFFFFFFFF;
	(pc) =	sbr.abs _section_cstart, $3  }
0xc2: {  	[dreg:$0x1] =	wrdreg $0xFFFFFFFF  }
0xc3: {  	_ =	task.clear_ibuf [dreg:s8], $0x2FFFF;
	_ =	strace $0x9FFFFFFF  }
0xc4: {  	(tm) =	ssettm $0x7FFFFFFF  }
0xc5: {  	_ =	shalt  }
tec
execute0_lowered:
.L_overlay_start_1:
0x0: {  	(tag) =	ssettag $0x1  }
0x1: {  	s8 =	rddreg [dreg:$0x0]  }
0x2: {  	s4 =	rddreg [dreg:$0x1];
	s1 =	srdreg.scid  }
0x3: {  	s0 =	stileid.u32;
	s9 =	rddreg [dreg:$0x2]  }
0x4: {  	s2 =	simm.s32 $0x0;
	s11 =	simm.s32 $0x4800;
	s12 =	simm.s32 $0x1  }
0x5: {  	s13 =	simm.s32 $0x2;
	s14 =	simm.s32 $0x3;
	s16 =	simm.s32 $0x5  }
0x6: {  	s18 =	simm.s32 $0x4;
	s3 =	sand.u32 $0x1, s1;
	s1 =	rddreg [dreg:$0x3]  }
0x7: {  	s22 =	simm.s32 $0x0;
	s5 =	sshll.u32 s0, $0x1;
	[smem:$0x7FF] =	sst s2  }
0x8: {  	s15 =	sadd.s32 $0x6600, s9;
	s17 =	sadd.s32 $0x90000, s8;
	s5 =	sor.u32 s3, s5  }
0x9: {  	s19 =	sadd.s32 $0xC600, s9;
	s31 =	ssub.s32 $0x2, s3;
	s20 =	smul.u32 $0x300, s5  }
0xa: {  	s21 =	sadd.s32 $0x12600, s9;
	_ =	strace $0x80000047;
	s6 =	sshrl.u32 s31, $0x1  }
0xb: {  	s10 =	ssub.s32 s31, s6;
	s7 =	sadd.s32 s20, s9;
	s3 =	sadd.s32 s8, s20  }
0xc: {  	s4 =	sadd.s32 s4, s20;
	s8 =	smax.u32 s10, $0x1;
	s9 =	simm.s32 $0x1800  }
0xd: {  	s10 =	simm.s32 $0x3000;
	s15 =	sadd.s32 s20, s15;
	s17 =	sadd.s32 s20, s17  }
0xe: {  	s19 =	sadd.s32 s20, s19;
	s20 =	sadd.s32 s20, s21;
	s21 =	simm.s32 $0x7  }
0xf: {  	s5 =	sadd.s32 $0x30000, s3;
	s6 =	sadd.s32 $0x60000, s3;
	s7 =	sadd.s32 $0x600, s7  }
.LBB2_1:
0x10: {  	[tilespmem:s2], [sflag:$0x1] =	stream.linear.gather [hbm4b:s4+s2], $0x1800, $0x38;
	[tilespmem:$0x6000] =	vst v63  }
0x11: {  	_ = 	snop  }
0x12: {  	[tilespmem:s9], [sflag:$0x2] =	stream.linear.gather [hbm4b:s3+s2], $0x1800, $0x38;
	[tilespmem:$0x6000] =	vst v63  }
0x13: {  	_ = 	snop  }
0x14: {  	[tilespmem:s10], [sflag:$0x3] =	stream.linear.gather [hbm4b:s5+s2], $0x1800, $0x38;
	[tilespmem:$0x6000] =	vst v63  }
0x15: {  	_ = 	snop  }
0x16: {  	[tilespmem:s11], [sflag:$0x4] =	stream.linear.gather [hbm4b:s6+s2], $0x1800, $0x38;
	[tilespmem:$0x6000] =	vst v63  }
0x17: {  	_ =	swait.ge [sflag:s12], $0x1800  }
0x18: {  	[sflag:s12] =	ssyncset.done $0x0  }
0x19: {  	[sflag:s12] =	ssyncadd.s32 $0xFFFFE800  }
0x1a: {  	_ =	swait.ge [sflag:s13], $0x1800  }
0x1b: {  	[sflag:s13] =	ssyncset.done $0x0  }
0x1c: {  	s23 =	simm.s32 $0x0;
	s24 =	simm.s32 $0x200;
	[sflag:s13] =	ssyncadd.s32 $0xFFFFE800  }
.LBB2_2:
0x1d: {  	p0 =	sne.s32 s24, $0xE00;
	v0 =	vld [tilespmem:s23+$0x1470]  }
0x1e: {  	v1 =	vld [tilespmem:s23+$0x0]  }
0x1f: {  	v2 =	vld [tilespmem:s23+$0x10]  }
0x20: {  	v3 =	vld [tilespmem:s23+$0x20]  }
0x21: {  	v4 =	vld [tilespmem:s23+$0x30]  }
0x22: {  	[tilespmem:s23+$0x2C70] =	vst.add.f32.msk $0xffff, v0  }
0x23: {  	v0 =	vld [tilespmem:s23+$0x40]  }
0x24: {  	v5 =	vld [tilespmem:s23+$0x50]  }
0x25: {  	v6 =	vld [tilespmem:s23+$0x60]  }
0x26: {  	v7 =	vld [tilespmem:s23+$0x70]  }
0x27: {  	v8 =	vld [tilespmem:s23+$0x400]  }
0x28: {  	v9 =	vld [tilespmem:s23+$0x410]  }
0x29: {  	v10 =	vld [tilespmem:s23+$0x420]  }
0x2a: {  	v11 =	vld [tilespmem:s23+$0x430]  }
0x2b: {  	v12 =	vld [tilespmem:s23+$0x440]  }
0x2c: {  	v13 =	vld [tilespmem:s23+$0x450]  }
0x2d: {  	v14 =	vld [tilespmem:s23+$0x460]  }
0x2e: {  	v15 =	vld [tilespmem:s23+$0x470]  }
0x2f: {  	v16 =	vld [tilespmem:s23+$0x800]  }
0x30: {  	v17 =	vld [tilespmem:s23+$0x810]  }
0x31: {  	v18 =	vld [tilespmem:s23+$0x820]  }
0x32: {  	v19 =	vld [tilespmem:s23+$0x830]  }
0x33: {  	v20 =	vld [tilespmem:s23+$0x840]  }
0x34: {  	v21 =	vld [tilespmem:s23+$0x850]  }
0x35: {  	v22 =	vld [tilespmem:s23+$0x860]  }
0x36: {  	v23 =	vld [tilespmem:s23+$0x870]  }
0x37: {  	v24 =	vld [tilespmem:s23+$0xC00]  }
0x38: {  	v25 =	vld [tilespmem:s23+$0xC10]  }
0x39: {  	v26 =	vld [tilespmem:s23+$0xC20]  }
0x3a: {  	v27 =	vld [tilespmem:s23+$0xC30]  }
0x3b: {  	v28 =	vld [tilespmem:s23+$0xC40]  }
0x3c: {  	v29 =	vld [tilespmem:s23+$0xC50]  }
0x3d: {  	v30 =	vld [tilespmem:s23+$0xC60]  }
0x3e: {  	v31 =	vld [tilespmem:s23+$0xC70]  }
0x3f: {  	v32 =	vld [tilespmem:s23+$0x1000]  }
0x40: {  	v33 =	vld [tilespmem:s23+$0x1010]  }
0x41: {  	v34 =	vld [tilespmem:s23+$0x1020]  }
0x42: {  	v35 =	vld [tilespmem:s23+$0x1030]  }
0x43: {  	v36 =	vld [tilespmem:s23+$0x1040]  }
0x44: {  	v37 =	vld [tilespmem:s23+$0x1050]  }
0x45: {  	v38 =	vld [tilespmem:s23+$0x1060]  }
0x46: {  	v39 =	vld [tilespmem:s23+$0x1070]  }
0x47: {  	v40 =	vld [tilespmem:s23+$0x1400]  }
0x48: {  	v41 =	vld [tilespmem:s23+$0x1410]  }
0x49: {  	v42 =	vld [tilespmem:s23+$0x1420]  }
0x4a: {  	v43 =	vld [tilespmem:s23+$0x1430]  }
0x4b: {  	v44 =	vld [tilespmem:s23+$0x1440]  }
0x4c: {  	v45 =	vld [tilespmem:s23+$0x1450]  }
0x4d: {  	v46 =	vld [tilespmem:s23+$0x1460]  }
0x4e: {  	[tilespmem:s23+$0x1800] =	vst.add.f32.msk $0xffff, v1  }
0x4f: {  	[tilespmem:s23+$0x1810] =	vst.add.f32.msk $0xffff, v2  }
0x50: {  	[tilespmem:s23+$0x1820] =	vst.add.f32.msk $0xffff, v3  }
0x51: {  	[tilespmem:s23+$0x1830] =	vst.add.f32.msk $0xffff, v4  }
0x52: {  	[tilespmem:s23+$0x1840] =	vst.add.f32.msk $0xffff, v0  }
0x53: {  	[tilespmem:s23+$0x1850] =	vst.add.f32.msk $0xffff, v5  }
0x54: {  	[tilespmem:s23+$0x1860] =	vst.add.f32.msk $0xffff, v6  }
0x55: {  	[tilespmem:s23+$0x1870] =	vst.add.f32.msk $0xffff, v7  }
0x56: {  	[tilespmem:s23+$0x1C00] =	vst.add.f32.msk $0xffff, v8  }
0x57: {  	[tilespmem:s23+$0x1C10] =	vst.add.f32.msk $0xffff, v9  }
0x58: {  	[tilespmem:s23+$0x1C20] =	vst.add.f32.msk $0xffff, v10  }
0x59: {  	[tilespmem:s23+$0x1C30] =	vst.add.f32.msk $0xffff, v11  }
0x5a: {  	[tilespmem:s23+$0x1C40] =	vst.add.f32.msk $0xffff, v12  }
0x5b: {  	[tilespmem:s23+$0x1C50] =	vst.add.f32.msk $0xffff, v13  }
0x5c: {  	[tilespmem:s23+$0x1C60] =	vst.add.f32.msk $0xffff, v14  }
0x5d: {  	[tilespmem:s23+$0x1C70] =	vst.add.f32.msk $0xffff, v15  }
0x5e: {  	[tilespmem:s23+$0x2000] =	vst.add.f32.msk $0xffff, v16  }
0x5f: {  	[tilespmem:s23+$0x2010] =	vst.add.f32.msk $0xffff, v17  }
0x60: {  	[tilespmem:s23+$0x2020] =	vst.add.f32.msk $0xffff, v18  }
0x61: {  	[tilespmem:s23+$0x2030] =	vst.add.f32.msk $0xffff, v19  }
0x62: {  	[tilespmem:s23+$0x2040] =	vst.add.f32.msk $0xffff, v20  }
0x63: {  	[tilespmem:s23+$0x2050] =	vst.add.f32.msk $0xffff, v21  }
0x64: {  	[tilespmem:s23+$0x2060] =	vst.add.f32.msk $0xffff, v22  }
0x65: {  	[tilespmem:s23+$0x2070] =	vst.add.f32.msk $0xffff, v23  }
0x66: {  	[tilespmem:s23+$0x2400] =	vst.add.f32.msk $0xffff, v24  }
0x67: {  	[tilespmem:s23+$0x2410] =	vst.add.f32.msk $0xffff, v25  }
0x68: {  	[tilespmem:s23+$0x2420] =	vst.add.f32.msk $0xffff, v26  }
0x69: {  	[tilespmem:s23+$0x2430] =	vst.add.f32.msk $0xffff, v27  }
0x6a: {  	[tilespmem:s23+$0x2440] =	vst.add.f32.msk $0xffff, v28  }
0x6b: {  	[tilespmem:s23+$0x2450] =	vst.add.f32.msk $0xffff, v29  }
0x6c: {  	[tilespmem:s23+$0x2460] =	vst.add.f32.msk $0xffff, v30  }
0x6d: {  	[tilespmem:s23+$0x2470] =	vst.add.f32.msk $0xffff, v31  }
0x6e: {  	[tilespmem:s23+$0x2800] =	vst.add.f32.msk $0xffff, v32  }
0x6f: {  	[tilespmem:s23+$0x2810] =	vst.add.f32.msk $0xffff, v33  }
0x70: {  	[tilespmem:s23+$0x2820] =	vst.add.f32.msk $0xffff, v34  }
0x71: {  	[tilespmem:s23+$0x2830] =	vst.add.f32.msk $0xffff, v35  }
0x72: {  	[tilespmem:s23+$0x2840] =	vst.add.f32.msk $0xffff, v36  }
0x73: {  	[tilespmem:s23+$0x2850] =	vst.add.f32.msk $0xffff, v37  }
0x74: {  	[tilespmem:s23+$0x2860] =	vst.add.f32.msk $0xffff, v38  }
0x75: {  	[tilespmem:s23+$0x2870] =	vst.add.f32.msk $0xffff, v39  }
0x76: {  	[tilespmem:s23+$0x2C00] =	vst.add.f32.msk $0xffff, v40  }
0x77: {  	[tilespmem:s23+$0x2C10] =	vst.add.f32.msk $0xffff, v41  }
.Ltmp0:
0x78: {  	[tilespmem:s23+$0x2C20] =	vst.add.f32.msk $0xffff, v42;
	(pc) =	sbr.rel @p0 .LBB2_2-.Ltmp0, $4  }
0x79: {  	[tilespmem:s23+$0x2C30] =	vst.add.f32.msk $0xffff, v43  }
0x7a: {  	[tilespmem:s23+$0x2C40] =	vst.add.f32.msk $0xffff, v44  }
0x7b: {  	[tilespmem:s23+$0x2C50] =	vst.add.f32.msk $0xffff, v45  }
0x7c: {  	[tilespmem:s23+$0x2C60] =	vst.add.f32.msk $0xffff, v46;
	s23 =	sshra.s32 s24, $0x2;
	s24 =	sadd.s32 $0x200, s24  }
0x7d: {  	v0 =	vld [tilespmem:s23+$0x1470]  }
0x7e: {  	v1 =	vld [tilespmem:s23+$0x0]  }
0x7f: {  	v2 =	vld [tilespmem:s23+$0x10]  }
0x80: {  	v3 =	vld [tilespmem:s23+$0x20]  }
0x81: {  	v4 =	vld [tilespmem:s23+$0x30]  }
0x82: {  	v63 =	vld [tilespmem:s23+$0x40]  }
0x83: {  	v5 =	vld [tilespmem:s23+$0x50]  }
0x84: {  	v6 =	vld [tilespmem:s23+$0x60]  }
0x85: {  	v7 =	vld [tilespmem:s23+$0x70]  }
0x86: {  	v8 =	vld [tilespmem:s23+$0x400]  }
0x87: {  	v9 =	vld [tilespmem:s23+$0x410]  }
0x88: {  	v10 =	vld [tilespmem:s23+$0x420]  }
0x89: {  	v11 =	vld [tilespmem:s23+$0x430]  }
0x8a: {  	v12 =	vld [tilespmem:s23+$0x440]  }
0x8b: {  	v13 =	vld [tilespmem:s23+$0x450]  }
0x8c: {  	v14 =	vld [tilespmem:s23+$0x460]  }
0x8d: {  	v15 =	vld [tilespmem:s23+$0x470]  }
0x8e: {  	v16 =	vld [tilespmem:s23+$0x800]  }
0x8f: {  	v17 =	vld [tilespmem:s23+$0x810]  }
0x90: {  	v18 =	vld [tilespmem:s23+$0x820]  }
0x91: {  	v19 =	vld [tilespmem:s23+$0x830]  }
0x92: {  	v20 =	vld [tilespmem:s23+$0x840]  }
0x93: {  	v21 =	vld [tilespmem:s23+$0x850]  }
0x94: {  	v22 =	vld [tilespmem:s23+$0x860]  }
0x95: {  	v23 =	vld [tilespmem:s23+$0x870]  }
0x96: {  	v24 =	vld [tilespmem:s23+$0xC00]  }
0x97: {  	v25 =	vld [tilespmem:s23+$0xC10]  }
0x98: {  	v26 =	vld [tilespmem:s23+$0xC20]  }
0x99: {  	v27 =	vld [tilespmem:s23+$0xC30]  }
0x9a: {  	v28 =	vld [tilespmem:s23+$0xC40]  }
0x9b: {  	v29 =	vld [tilespmem:s23+$0xC50]  }
0x9c: {  	v30 =	vld [tilespmem:s23+$0xC60]  }
0x9d: {  	v31 =	vld [tilespmem:s23+$0xC70]  }
0x9e: {  	v32 =	vld [tilespmem:s23+$0x1000]  }
0x9f: {  	v33 =	vld [tilespmem:s23+$0x1010]  }
0xa0: {  	v34 =	vld [tilespmem:s23+$0x1020]  }
0xa1: {  	v35 =	vld [tilespmem:s23+$0x1030]  }
0xa2: {  	v36 =	vld [tilespmem:s23+$0x1040]  }
0xa3: {  	v37 =	vld [tilespmem:s23+$0x1050]  }
0xa4: {  	v38 =	vld [tilespmem:s23+$0x1060]  }
0xa5: {  	v39 =	vld [tilespmem:s23+$0x1070]  }
0xa6: {  	v40 =	vld [tilespmem:s23+$0x1400]  }
0xa7: {  	v41 =	vld [tilespmem:s23+$0x1410]  }
0xa8: {  	v42 =	vld [tilespmem:s23+$0x1420]  }
0xa9: {  	v43 =	vld [tilespmem:s23+$0x1430]  }
0xaa: {  	v44 =	vld [tilespmem:s23+$0x1440]  }
0xab: {  	v45 =	vld [tilespmem:s23+$0x1450]  }
0xac: {  	v46 =	vld [tilespmem:s23+$0x1460]  }
0xad: {  	[tilespmem:s23+$0x2C70] =	vst.add.f32.msk $0xffff, v0  }
0xae: {  	[tilespmem:s23+$0x1800] =	vst.add.f32.msk $0xffff, v1  }
0xaf: {  	[tilespmem:s23+$0x1810] =	vst.add.f32.msk $0xffff, v2  }
0xb0: {  	[tilespmem:s23+$0x1820] =	vst.add.f32.msk $0xffff, v3  }
0xb1: {  	[tilespmem:s23+$0x1830] =	vst.add.f32.msk $0xffff, v4  }
0xb2: {  	[tilespmem:s23+$0x1840] =	vst.add.f32.msk $0xffff, v63  }
0xb3: {  	[tilespmem:s23+$0x1850] =	vst.add.f32.msk $0xffff, v5  }
0xb4: {  	[tilespmem:s23+$0x1860] =	vst.add.f32.msk $0xffff, v6  }
0xb5: {  	[tilespmem:s23+$0x1870] =	vst.add.f32.msk $0xffff, v7  }
0xb6: {  	[tilespmem:s23+$0x1C00] =	vst.add.f32.msk $0xffff, v8  }
0xb7: {  	[tilespmem:s23+$0x1C10] =	vst.add.f32.msk $0xffff, v9  }
0xb8: {  	[tilespmem:s23+$0x1C20] =	vst.add.f32.msk $0xffff, v10  }
0xb9: {  	[tilespmem:s23+$0x1C30] =	vst.add.f32.msk $0xffff, v11  }
0xba: {  	[tilespmem:s23+$0x1C40] =	vst.add.f32.msk $0xffff, v12  }
0xbb: {  	[tilespmem:s23+$0x1C50] =	vst.add.f32.msk $0xffff, v13  }
0xbc: {  	[tilespmem:s23+$0x1C60] =	vst.add.f32.msk $0xffff, v14  }
0xbd: {  	[tilespmem:s23+$0x1C70] =	vst.add.f32.msk $0xffff, v15  }
0xbe: {  	[tilespmem:s23+$0x2000] =	vst.add.f32.msk $0xffff, v16  }
0xbf: {  	[tilespmem:s23+$0x2010] =	vst.add.f32.msk $0xffff, v17  }
0xc0: {  	[tilespmem:s23+$0x2020] =	vst.add.f32.msk $0xffff, v18  }
0xc1: {  	[tilespmem:s23+$0x2030] =	vst.add.f32.msk $0xffff, v19  }
0xc2: {  	[tilespmem:s23+$0x2040] =	vst.add.f32.msk $0xffff, v20  }
0xc3: {  	[tilespmem:s23+$0x2050] =	vst.add.f32.msk $0xffff, v21  }
0xc4: {  	[tilespmem:s23+$0x2060] =	vst.add.f32.msk $0xffff, v22  }
0xc5: {  	[tilespmem:s23+$0x2070] =	vst.add.f32.msk $0xffff, v23  }
0xc6: {  	[tilespmem:s23+$0x2400] =	vst.add.f32.msk $0xffff, v24  }
0xc7: {  	[tilespmem:s23+$0x2410] =	vst.add.f32.msk $0xffff, v25  }
0xc8: {  	[tilespmem:s23+$0x2420] =	vst.add.f32.msk $0xffff, v26  }
0xc9: {  	[tilespmem:s23+$0x2430] =	vst.add.f32.msk $0xffff, v27  }
0xca: {  	[tilespmem:s23+$0x2440] =	vst.add.f32.msk $0xffff, v28  }
0xcb: {  	[tilespmem:s23+$0x2450] =	vst.add.f32.msk $0xffff, v29  }
0xcc: {  	[tilespmem:s23+$0x2460] =	vst.add.f32.msk $0xffff, v30  }
0xcd: {  	[tilespmem:s23+$0x2470] =	vst.add.f32.msk $0xffff, v31  }
0xce: {  	[tilespmem:s23+$0x2800] =	vst.add.f32.msk $0xffff, v32  }
0xcf: {  	[tilespmem:s23+$0x2810] =	vst.add.f32.msk $0xffff, v33  }
0xd0: {  	[tilespmem:s23+$0x2820] =	vst.add.f32.msk $0xffff, v34  }
0xd1: {  	[tilespmem:s23+$0x2830] =	vst.add.f32.msk $0xffff, v35  }
0xd2: {  	[tilespmem:s23+$0x2840] =	vst.add.f32.msk $0xffff, v36  }
0xd3: {  	[tilespmem:s23+$0x2850] =	vst.add.f32.msk $0xffff, v37  }
0xd4: {  	[tilespmem:s23+$0x2860] =	vst.add.f32.msk $0xffff, v38  }
0xd5: {  	[tilespmem:s23+$0x2870] =	vst.add.f32.msk $0xffff, v39  }
0xd6: {  	[tilespmem:s23+$0x2C00] =	vst.add.f32.msk $0xffff, v40  }
0xd7: {  	[tilespmem:s23+$0x2C10] =	vst.add.f32.msk $0xffff, v41  }
0xd8: {  	[tilespmem:s23+$0x2C20] =	vst.add.f32.msk $0xffff, v42  }
0xd9: {  	[tilespmem:s23+$0x2C30] =	vst.add.f32.msk $0xffff, v43  }
0xda: {  	[tilespmem:s23+$0x2C40] =	vst.add.f32.msk $0xffff, v44  }
0xdb: {  	[tilespmem:s23+$0x2C50] =	vst.add.f32.msk $0xffff, v45  }
0xdc: {  	s31 =	simm.s32 $0x0;
	[tilespmem:s23+$0x2C60] =	vst.add.f32.msk $0xffff, v46  }
0xdd: {  	[hbm4b:s7+s31] =	stream.linear.scatter [tilespmem:s9], [sflag:$0x5], $0x1800, $0x38;
	[tilespmem:$0x6000] =	vst v63  }
0xde: {  	_ =	swait.ge [sflag:s14], $0x1800  }
0xdf: {  	[sflag:s14] =	ssyncset.done $0x0  }
0xe0: {  	s24 =	simm.s32 $0x200;
	s23 =	simm.s32 $0x0;
	[sflag:s14] =	ssyncadd.s32 $0xFFFFE800  }
.LBB2_4:
0xe1: {  	p0 =	sne.s32 s24, $0xE00;
	v0 =	vld [tilespmem:s23+$0x1470]  }
0xe2: {  	v1 =	vld [tilespmem:s23+$0x0]  }
0xe3: {  	v2 =	vld [tilespmem:s23+$0x10]  }
0xe4: {  	v3 =	vld [tilespmem:s23+$0x20]  }
0xe5: {  	v4 =	vld [tilespmem:s23+$0x30]  }
0xe6: {  	[tilespmem:s23+$0x4470] =	vst.add.f32.msk $0xffff, v0  }
0xe7: {  	v0 =	vld [tilespmem:s23+$0x40]  }
0xe8: {  	v5 =	vld [tilespmem:s23+$0x50]  }
0xe9: {  	v6 =	vld [tilespmem:s23+$0x60]  }
0xea: {  	v7 =	vld [tilespmem:s23+$0x70]  }
0xeb: {  	v8 =	vld [tilespmem:s23+$0x400]  }
0xec: {  	v9 =	vld [tilespmem:s23+$0x410]  }
0xed: {  	v10 =	vld [tilespmem:s23+$0x420]  }
0xee: {  	v11 =	vld [tilespmem:s23+$0x430]  }
0xef: {  	v12 =	vld [tilespmem:s23+$0x440]  }
0xf0: {  	v13 =	vld [tilespmem:s23+$0x450]  }
0xf1: {  	v14 =	vld [tilespmem:s23+$0x460]  }
0xf2: {  	v15 =	vld [tilespmem:s23+$0x470]  }
0xf3: {  	v16 =	vld [tilespmem:s23+$0x800]  }
0xf4: {  	v17 =	vld [tilespmem:s23+$0x810]  }
0xf5: {  	v18 =	vld [tilespmem:s23+$0x820]  }
0xf6: {  	v19 =	vld [tilespmem:s23+$0x830]  }
0xf7: {  	v20 =	vld [tilespmem:s23+$0x840]  }
0xf8: {  	v21 =	vld [tilespmem:s23+$0x850]  }
0xf9: {  	v22 =	vld [tilespmem:s23+$0x860]  }
0xfa: {  	v23 =	vld [tilespmem:s23+$0x870]  }
0xfb: {  	v24 =	vld [tilespmem:s23+$0xC00]  }
0xfc: {  	v25 =	vld [tilespmem:s23+$0xC10]  }
0xfd: {  	v26 =	vld [tilespmem:s23+$0xC20]  }
0xfe: {  	v27 =	vld [tilespmem:s23+$0xC30]  }
0xff: {  	v28 =	vld [tilespmem:s23+$0xC40]  }
0x100: {  	v29 =	vld [tilespmem:s23+$0xC50]  }
0x101: {  	v30 =	vld [tilespmem:s23+$0xC60]  }
0x102: {  	v31 =	vld [tilespmem:s23+$0xC70]  }
0x103: {  	v32 =	vld [tilespmem:s23+$0x1000]  }
0x104: {  	v33 =	vld [tilespmem:s23+$0x1010]  }
0x105: {  	v34 =	vld [tilespmem:s23+$0x1020]  }
0x106: {  	v35 =	vld [tilespmem:s23+$0x1030]  }
0x107: {  	v36 =	vld [tilespmem:s23+$0x1040]  }
0x108: {  	v37 =	vld [tilespmem:s23+$0x1050]  }
0x109: {  	v38 =	vld [tilespmem:s23+$0x1060]  }
0x10a: {  	v39 =	vld [tilespmem:s23+$0x1070]  }
0x10b: {  	v40 =	vld [tilespmem:s23+$0x1400]  }
0x10c: {  	v41 =	vld [tilespmem:s23+$0x1410]  }
0x10d: {  	v42 =	vld [tilespmem:s23+$0x1420]  }
0x10e: {  	v43 =	vld [tilespmem:s23+$0x1430]  }
0x10f: {  	v44 =	vld [tilespmem:s23+$0x1440]  }
0x110: {  	v45 =	vld [tilespmem:s23+$0x1450]  }
0x111: {  	v46 =	vld [tilespmem:s23+$0x1460]  }
0x112: {  	[tilespmem:s23+$0x3000] =	vst.add.f32.msk $0xffff, v1  }
0x113: {  	[tilespmem:s23+$0x3010] =	vst.add.f32.msk $0xffff, v2  }
0x114: {  	[tilespmem:s23+$0x3020] =	vst.add.f32.msk $0xffff, v3  }
0x115: {  	[tilespmem:s23+$0x3030] =	vst.add.f32.msk $0xffff, v4  }
0x116: {  	[tilespmem:s23+$0x3040] =	vst.add.f32.msk $0xffff, v0  }
0x117: {  	[tilespmem:s23+$0x3050] =	vst.add.f32.msk $0xffff, v5  }
0x118: {  	[tilespmem:s23+$0x3060] =	vst.add.f32.msk $0xffff, v6  }
0x119: {  	[tilespmem:s23+$0x3070] =	vst.add.f32.msk $0xffff, v7  }
0x11a: {  	[tilespmem:s23+$0x3400] =	vst.add.f32.msk $0xffff, v8  }
0x11b: {  	[tilespmem:s23+$0x3410] =	vst.add.f32.msk $0xffff, v9  }
0x11c: {  	[tilespmem:s23+$0x3420] =	vst.add.f32.msk $0xffff, v10  }
0x11d: {  	[tilespmem:s23+$0x3430] =	vst.add.f32.msk $0xffff, v11  }
0x11e: {  	[tilespmem:s23+$0x3440] =	vst.add.f32.msk $0xffff, v12  }
0x11f: {  	[tilespmem:s23+$0x3450] =	vst.add.f32.msk $0xffff, v13  }
0x120: {  	[tilespmem:s23+$0x3460] =	vst.add.f32.msk $0xffff, v14  }
0x121: {  	[tilespmem:s23+$0x3470] =	vst.add.f32.msk $0xffff, v15  }
0x122: {  	[tilespmem:s23+$0x3800] =	vst.add.f32.msk $0xffff, v16  }
0x123: {  	[tilespmem:s23+$0x3810] =	vst.add.f32.msk $0xffff, v17  }
0x124: {  	[tilespmem:s23+$0x3820] =	vst.add.f32.msk $0xffff, v18  }
0x125: {  	[tilespmem:s23+$0x3830] =	vst.add.f32.msk $0xffff, v19  }
0x126: {  	[tilespmem:s23+$0x3840] =	vst.add.f32.msk $0xffff, v20  }
0x127: {  	[tilespmem:s23+$0x3850] =	vst.add.f32.msk $0xffff, v21  }
0x128: {  	[tilespmem:s23+$0x3860] =	vst.add.f32.msk $0xffff, v22  }
0x129: {  	[tilespmem:s23+$0x3870] =	vst.add.f32.msk $0xffff, v23  }
0x12a: {  	[tilespmem:s23+$0x3C00] =	vst.add.f32.msk $0xffff, v24  }
0x12b: {  	[tilespmem:s23+$0x3C10] =	vst.add.f32.msk $0xffff, v25  }
0x12c: {  	[tilespmem:s23+$0x3C20] =	vst.add.f32.msk $0xffff, v26  }
0x12d: {  	[tilespmem:s23+$0x3C30] =	vst.add.f32.msk $0xffff, v27  }
0x12e: {  	[tilespmem:s23+$0x3C40] =	vst.add.f32.msk $0xffff, v28  }
0x12f: {  	[tilespmem:s23+$0x3C50] =	vst.add.f32.msk $0xffff, v29  }
0x130: {  	[tilespmem:s23+$0x3C60] =	vst.add.f32.msk $0xffff, v30  }
0x131: {  	[tilespmem:s23+$0x3C70] =	vst.add.f32.msk $0xffff, v31  }
0x132: {  	[tilespmem:s23+$0x4000] =	vst.add.f32.msk $0xffff, v32  }
0x133: {  	[tilespmem:s23+$0x4010] =	vst.add.f32.msk $0xffff, v33  }
0x134: {  	[tilespmem:s23+$0x4020] =	vst.add.f32.msk $0xffff, v34  }
0x135: {  	[tilespmem:s23+$0x4030] =	vst.add.f32.msk $0xffff, v35  }
0x136: {  	[tilespmem:s23+$0x4040] =	vst.add.f32.msk $0xffff, v36  }
0x137: {  	[tilespmem:s23+$0x4050] =	vst.add.f32.msk $0xffff, v37  }
0x138: {  	[tilespmem:s23+$0x4060] =	vst.add.f32.msk $0xffff, v38  }
0x139: {  	[tilespmem:s23+$0x4070] =	vst.add.f32.msk $0xffff, v39  }
0x13a: {  	[tilespmem:s23+$0x4400] =	vst.add.f32.msk $0xffff, v40  }
0x13b: {  	[tilespmem:s23+$0x4410] =	vst.add.f32.msk $0xffff, v41  }
.Ltmp1:
0x13c: {  	[tilespmem:s23+$0x4420] =	vst.add.f32.msk $0xffff, v42;
	(pc) =	sbr.rel @p0 .LBB2_4-.Ltmp1, $4  }
0x13d: {  	[tilespmem:s23+$0x4430] =	vst.add.f32.msk $0xffff, v43  }
0x13e: {  	[tilespmem:s23+$0x4440] =	vst.add.f32.msk $0xffff, v44  }
0x13f: {  	[tilespmem:s23+$0x4450] =	vst.add.f32.msk $0xffff, v45  }
0x140: {  	[tilespmem:s23+$0x4460] =	vst.add.f32.msk $0xffff, v46;
	s23 =	sshra.s32 s24, $0x2;
	s24 =	sadd.s32 $0x200, s24  }
0x141: {  	v0 =	vld [tilespmem:s23+$0x1470]  }
0x142: {  	v1 =	vld [tilespmem:s23+$0x0]  }
0x143: {  	v2 =	vld [tilespmem:s23+$0x10]  }
0x144: {  	v3 =	vld [tilespmem:s23+$0x20]  }
0x145: {  	v4 =	vld [tilespmem:s23+$0x30]  }
0x146: {  	v63 =	vld [tilespmem:s23+$0x40]  }
0x147: {  	v5 =	vld [tilespmem:s23+$0x50]  }
0x148: {  	v6 =	vld [tilespmem:s23+$0x60]  }
0x149: {  	v7 =	vld [tilespmem:s23+$0x70]  }
0x14a: {  	v8 =	vld [tilespmem:s23+$0x400]  }
0x14b: {  	v9 =	vld [tilespmem:s23+$0x410]  }
0x14c: {  	v10 =	vld [tilespmem:s23+$0x420]  }
0x14d: {  	v11 =	vld [tilespmem:s23+$0x430]  }
0x14e: {  	v12 =	vld [tilespmem:s23+$0x440]  }
0x14f: {  	v13 =	vld [tilespmem:s23+$0x450]  }
0x150: {  	v14 =	vld [tilespmem:s23+$0x460]  }
0x151: {  	v15 =	vld [tilespmem:s23+$0x470]  }
0x152: {  	v16 =	vld [tilespmem:s23+$0x800]  }
0x153: {  	v17 =	vld [tilespmem:s23+$0x810]  }
0x154: {  	v18 =	vld [tilespmem:s23+$0x820]  }
0x155: {  	v19 =	vld [tilespmem:s23+$0x830]  }
0x156: {  	v20 =	vld [tilespmem:s23+$0x840]  }
0x157: {  	v21 =	vld [tilespmem:s23+$0x850]  }
0x158: {  	v22 =	vld [tilespmem:s23+$0x860]  }
0x159: {  	v23 =	vld [tilespmem:s23+$0x870]  }
0x15a: {  	v24 =	vld [tilespmem:s23+$0xC00]  }
0x15b: {  	v25 =	vld [tilespmem:s23+$0xC10]  }
0x15c: {  	v26 =	vld [tilespmem:s23+$0xC20]  }
0x15d: {  	v27 =	vld [tilespmem:s23+$0xC30]  }
0x15e: {  	v28 =	vld [tilespmem:s23+$0xC40]  }
0x15f: {  	v29 =	vld [tilespmem:s23+$0xC50]  }
0x160: {  	v30 =	vld [tilespmem:s23+$0xC60]  }
0x161: {  	v31 =	vld [tilespmem:s23+$0xC70]  }
0x162: {  	v32 =	vld [tilespmem:s23+$0x1000]  }
0x163: {  	v33 =	vld [tilespmem:s23+$0x1010]  }
0x164: {  	v34 =	vld [tilespmem:s23+$0x1020]  }
0x165: {  	v35 =	vld [tilespmem:s23+$0x1030]  }
0x166: {  	v36 =	vld [tilespmem:s23+$0x1040]  }
0x167: {  	v37 =	vld [tilespmem:s23+$0x1050]  }
0x168: {  	v38 =	vld [tilespmem:s23+$0x1060]  }
0x169: {  	v39 =	vld [tilespmem:s23+$0x1070]  }
0x16a: {  	v40 =	vld [tilespmem:s23+$0x1400]  }
0x16b: {  	v41 =	vld [tilespmem:s23+$0x1410]  }
0x16c: {  	v42 =	vld [tilespmem:s23+$0x1420]  }
0x16d: {  	v43 =	vld [tilespmem:s23+$0x1430]  }
0x16e: {  	v44 =	vld [tilespmem:s23+$0x1440]  }
0x16f: {  	v45 =	vld [tilespmem:s23+$0x1450]  }
0x170: {  	v46 =	vld [tilespmem:s23+$0x1460]  }
0x171: {  	[tilespmem:s23+$0x4470] =	vst.add.f32.msk $0xffff, v0  }
0x172: {  	[tilespmem:s23+$0x3000] =	vst.add.f32.msk $0xffff, v1  }
0x173: {  	[tilespmem:s23+$0x3010] =	vst.add.f32.msk $0xffff, v2  }
0x174: {  	[tilespmem:s23+$0x3020] =	vst.add.f32.msk $0xffff, v3  }
0x175: {  	[tilespmem:s23+$0x3030] =	vst.add.f32.msk $0xffff, v4  }
0x176: {  	[tilespmem:s23+$0x3040] =	vst.add.f32.msk $0xffff, v63  }
0x177: {  	[tilespmem:s23+$0x3050] =	vst.add.f32.msk $0xffff, v5  }
0x178: {  	[tilespmem:s23+$0x3060] =	vst.add.f32.msk $0xffff, v6  }
0x179: {  	[tilespmem:s23+$0x3070] =	vst.add.f32.msk $0xffff, v7  }
0x17a: {  	[tilespmem:s23+$0x3400] =	vst.add.f32.msk $0xffff, v8  }
0x17b: {  	[tilespmem:s23+$0x3410] =	vst.add.f32.msk $0xffff, v9  }
0x17c: {  	[tilespmem:s23+$0x3420] =	vst.add.f32.msk $0xffff, v10  }
0x17d: {  	[tilespmem:s23+$0x3430] =	vst.add.f32.msk $0xffff, v11  }
0x17e: {  	[tilespmem:s23+$0x3440] =	vst.add.f32.msk $0xffff, v12  }
0x17f: {  	[tilespmem:s23+$0x3450] =	vst.add.f32.msk $0xffff, v13  }
0x180: {  	[tilespmem:s23+$0x3460] =	vst.add.f32.msk $0xffff, v14  }
0x181: {  	[tilespmem:s23+$0x3470] =	vst.add.f32.msk $0xffff, v15  }
0x182: {  	[tilespmem:s23+$0x3800] =	vst.add.f32.msk $0xffff, v16  }
0x183: {  	[tilespmem:s23+$0x3810] =	vst.add.f32.msk $0xffff, v17  }
0x184: {  	[tilespmem:s23+$0x3820] =	vst.add.f32.msk $0xffff, v18  }
0x185: {  	[tilespmem:s23+$0x3830] =	vst.add.f32.msk $0xffff, v19  }
0x186: {  	[tilespmem:s23+$0x3840] =	vst.add.f32.msk $0xffff, v20  }
0x187: {  	[tilespmem:s23+$0x3850] =	vst.add.f32.msk $0xffff, v21  }
0x188: {  	[tilespmem:s23+$0x3860] =	vst.add.f32.msk $0xffff, v22  }
0x189: {  	[tilespmem:s23+$0x3870] =	vst.add.f32.msk $0xffff, v23  }
0x18a: {  	[tilespmem:s23+$0x3C00] =	vst.add.f32.msk $0xffff, v24  }
0x18b: {  	[tilespmem:s23+$0x3C10] =	vst.add.f32.msk $0xffff, v25  }
0x18c: {  	[tilespmem:s23+$0x3C20] =	vst.add.f32.msk $0xffff, v26  }
0x18d: {  	[tilespmem:s23+$0x3C30] =	vst.add.f32.msk $0xffff, v27  }
0x18e: {  	[tilespmem:s23+$0x3C40] =	vst.add.f32.msk $0xffff, v28  }
0x18f: {  	[tilespmem:s23+$0x3C50] =	vst.add.f32.msk $0xffff, v29  }
0x190: {  	[tilespmem:s23+$0x3C60] =	vst.add.f32.msk $0xffff, v30  }
0x191: {  	[tilespmem:s23+$0x3C70] =	vst.add.f32.msk $0xffff, v31  }
0x192: {  	[tilespmem:s23+$0x4000] =	vst.add.f32.msk $0xffff, v32  }
0x193: {  	[tilespmem:s23+$0x4010] =	vst.add.f32.msk $0xffff, v33  }
0x194: {  	[tilespmem:s23+$0x4020] =	vst.add.f32.msk $0xffff, v34  }
0x195: {  	[tilespmem:s23+$0x4030] =	vst.add.f32.msk $0xffff, v35  }
0x196: {  	[tilespmem:s23+$0x4040] =	vst.add.f32.msk $0xffff, v36  }
0x197: {  	[tilespmem:s23+$0x4050] =	vst.add.f32.msk $0xffff, v37  }
0x198: {  	[tilespmem:s23+$0x4060] =	vst.add.f32.msk $0xffff, v38  }
0x199: {  	[tilespmem:s23+$0x4070] =	vst.add.f32.msk $0xffff, v39  }
0x19a: {  	[tilespmem:s23+$0x4400] =	vst.add.f32.msk $0xffff, v40  }
0x19b: {  	[tilespmem:s23+$0x4410] =	vst.add.f32.msk $0xffff, v41  }
0x19c: {  	[tilespmem:s23+$0x4420] =	vst.add.f32.msk $0xffff, v42  }
0x19d: {  	[tilespmem:s23+$0x4430] =	vst.add.f32.msk $0xffff, v43  }
0x19e: {  	[tilespmem:s23+$0x4440] =	vst.add.f32.msk $0xffff, v44  }
0x19f: {  	[tilespmem:s23+$0x4450] =	vst.add.f32.msk $0xffff, v45  }
0x1a0: {  	s31 =	simm.s32 $0x0;
	[tilespmem:s23+$0x4460] =	vst.add.f32.msk $0xffff, v46  }
0x1a1: {  	[hbm4b:s15+s31] =	stream.linear.scatter [tilespmem:s10], [sflag:$0x6], $0x1800, $0x38;
	[tilespmem:$0x6000] =	vst v63  }
0x1a2: {  	_ =	swait.ge [sflag:s16], $0x1800  }
0x1a3: {  	[sflag:s16] =	ssyncset.done $0x0  }
0x1a4: {  	[sflag:s16] =	ssyncadd.s32 $0xFFFFE800  }
0x1a5: {  	[tilespmem:s9], [sflag:$0x2] =	stream.linear.gather [hbm4b:s17+s31], $0x1800, $0x38;
	[tilespmem:$0x6000] =	vst v63  }
0x1a6: {  	_ =	swait.ge [sflag:s18], $0x1800  }
0x1a7: {  	[sflag:s18] =	ssyncset.done $0x0  }
0x1a8: {  	s24 =	simm.s32 $0x200;
	s23 =	simm.s32 $0x0;
	[sflag:s18] =	ssyncadd.s32 $0xFFFFE800  }
.LBB2_6:
0x1a9: {  	p0 =	sne.s32 s24, $0xE00;
	v0 =	vld [tilespmem:s23+$0x1470]  }
0x1aa: {  	v1 =	vld [tilespmem:s23+$0x0]  }
0x1ab: {  	v2 =	vld [tilespmem:s23+$0x10]  }
0x1ac: {  	v3 =	vld [tilespmem:s23+$0x20]  }
0x1ad: {  	v4 =	vld [tilespmem:s23+$0x30]  }
0x1ae: {  	[tilespmem:s23+$0x5C70] =	vst.add.f32.msk $0xffff, v0  }
0x1af: {  	v0 =	vld [tilespmem:s23+$0x40]  }
0x1b0: {  	v5 =	vld [tilespmem:s23+$0x50]  }
0x1b1: {  	v6 =	vld [tilespmem:s23+$0x60]  }
0x1b2: {  	v7 =	vld [tilespmem:s23+$0x70]  }
0x1b3: {  	v8 =	vld [tilespmem:s23+$0x400]  }
0x1b4: {  	v9 =	vld [tilespmem:s23+$0x410]  }
0x1b5: {  	v10 =	vld [tilespmem:s23+$0x420]  }
0x1b6: {  	v11 =	vld [tilespmem:s23+$0x430]  }
0x1b7: {  	v12 =	vld [tilespmem:s23+$0x440]  }
0x1b8: {  	v13 =	vld [tilespmem:s23+$0x450]  }
0x1b9: {  	v14 =	vld [tilespmem:s23+$0x460]  }
0x1ba: {  	v15 =	vld [tilespmem:s23+$0x470]  }
0x1bb: {  	v16 =	vld [tilespmem:s23+$0x800]  }
0x1bc: {  	v17 =	vld [tilespmem:s23+$0x810]  }
0x1bd: {  	v18 =	vld [tilespmem:s23+$0x820]  }
0x1be: {  	v19 =	vld [tilespmem:s23+$0x830]  }
0x1bf: {  	v20 =	vld [tilespmem:s23+$0x840]  }
0x1c0: {  	v21 =	vld [tilespmem:s23+$0x850]  }
0x1c1: {  	v22 =	vld [tilespmem:s23+$0x860]  }
0x1c2: {  	v23 =	vld [tilespmem:s23+$0x870]  }
0x1c3: {  	v24 =	vld [tilespmem:s23+$0xC00]  }
0x1c4: {  	v25 =	vld [tilespmem:s23+$0xC10]  }
0x1c5: {  	v26 =	vld [tilespmem:s23+$0xC20]  }
0x1c6: {  	v27 =	vld [tilespmem:s23+$0xC30]  }
0x1c7: {  	v28 =	vld [tilespmem:s23+$0xC40]  }
0x1c8: {  	v29 =	vld [tilespmem:s23+$0xC50]  }
0x1c9: {  	v30 =	vld [tilespmem:s23+$0xC60]  }
0x1ca: {  	v31 =	vld [tilespmem:s23+$0xC70]  }
0x1cb: {  	v32 =	vld [tilespmem:s23+$0x1000]  }
0x1cc: {  	v33 =	vld [tilespmem:s23+$0x1010]  }
0x1cd: {  	v34 =	vld [tilespmem:s23+$0x1020]  }
0x1ce: {  	v35 =	vld [tilespmem:s23+$0x1030]  }
0x1cf: {  	v36 =	vld [tilespmem:s23+$0x1040]  }
0x1d0: {  	v37 =	vld [tilespmem:s23+$0x1050]  }
0x1d1: {  	v38 =	vld [tilespmem:s23+$0x1060]  }
0x1d2: {  	v39 =	vld [tilespmem:s23+$0x1070]  }
0x1d3: {  	v40 =	vld [tilespmem:s23+$0x1400]  }
0x1d4: {  	v41 =	vld [tilespmem:s23+$0x1410]  }
0x1d5: {  	v42 =	vld [tilespmem:s23+$0x1420]  }
0x1d6: {  	v43 =	vld [tilespmem:s23+$0x1430]  }
0x1d7: {  	v44 =	vld [tilespmem:s23+$0x1440]  }
0x1d8: {  	v45 =	vld [tilespmem:s23+$0x1450]  }
0x1d9: {  	v46 =	vld [tilespmem:s23+$0x1460]  }
0x1da: {  	[tilespmem:s23+$0x4800] =	vst.add.f32.msk $0xffff, v1  }
0x1db: {  	[tilespmem:s23+$0x4810] =	vst.add.f32.msk $0xffff, v2  }
0x1dc: {  	[tilespmem:s23+$0x4820] =	vst.add.f32.msk $0xffff, v3  }
0x1dd: {  	[tilespmem:s23+$0x4830] =	vst.add.f32.msk $0xffff, v4  }
0x1de: {  	[tilespmem:s23+$0x4840] =	vst.add.f32.msk $0xffff, v0  }
0x1df: {  	[tilespmem:s23+$0x4850] =	vst.add.f32.msk $0xffff, v5  }
0x1e0: {  	[tilespmem:s23+$0x4860] =	vst.add.f32.msk $0xffff, v6  }
0x1e1: {  	[tilespmem:s23+$0x4870] =	vst.add.f32.msk $0xffff, v7  }
0x1e2: {  	[tilespmem:s23+$0x4C00] =	vst.add.f32.msk $0xffff, v8  }
0x1e3: {  	[tilespmem:s23+$0x4C10] =	vst.add.f32.msk $0xffff, v9  }
0x1e4: {  	[tilespmem:s23+$0x4C20] =	vst.add.f32.msk $0xffff, v10  }
0x1e5: {  	[tilespmem:s23+$0x4C30] =	vst.add.f32.msk $0xffff, v11  }
0x1e6: {  	[tilespmem:s23+$0x4C40] =	vst.add.f32.msk $0xffff, v12  }
0x1e7: {  	[tilespmem:s23+$0x4C50] =	vst.add.f32.msk $0xffff, v13  }
0x1e8: {  	[tilespmem:s23+$0x4C60] =	vst.add.f32.msk $0xffff, v14  }
0x1e9: {  	[tilespmem:s23+$0x4C70] =	vst.add.f32.msk $0xffff, v15  }
0x1ea: {  	[tilespmem:s23+$0x5000] =	vst.add.f32.msk $0xffff, v16  }
0x1eb: {  	[tilespmem:s23+$0x5010] =	vst.add.f32.msk $0xffff, v17  }
0x1ec: {  	[tilespmem:s23+$0x5020] =	vst.add.f32.msk $0xffff, v18  }
0x1ed: {  	[tilespmem:s23+$0x5030] =	vst.add.f32.msk $0xffff, v19  }
0x1ee: {  	[tilespmem:s23+$0x5040] =	vst.add.f32.msk $0xffff, v20  }
0x1ef: {  	[tilespmem:s23+$0x5050] =	vst.add.f32.msk $0xffff, v21  }
0x1f0: {  	[tilespmem:s23+$0x5060] =	vst.add.f32.msk $0xffff, v22  }
0x1f1: {  	[tilespmem:s23+$0x5070] =	vst.add.f32.msk $0xffff, v23  }
0x1f2: {  	[tilespmem:s23+$0x5400] =	vst.add.f32.msk $0xffff, v24  }
0x1f3: {  	[tilespmem:s23+$0x5410] =	vst.add.f32.msk $0xffff, v25  }
0x1f4: {  	[tilespmem:s23+$0x5420] =	vst.add.f32.msk $0xffff, v26  }
0x1f5: {  	[tilespmem:s23+$0x5430] =	vst.add.f32.msk $0xffff, v27  }
0x1f6: {  	[tilespmem:s23+$0x5440] =	vst.add.f32.msk $0xffff, v28  }
0x1f7: {  	[tilespmem:s23+$0x5450] =	vst.add.f32.msk $0xffff, v29  }
0x1f8: {  	[tilespmem:s23+$0x5460] =	vst.add.f32.msk $0xffff, v30  }
0x1f9: {  	[tilespmem:s23+$0x5470] =	vst.add.f32.msk $0xffff, v31  }
0x1fa: {  	[tilespmem:s23+$0x5800] =	vst.add.f32.msk $0xffff, v32  }
0x1fb: {  	[tilespmem:s23+$0x5810] =	vst.add.f32.msk $0xffff, v33  }
0x1fc: {  	[tilespmem:s23+$0x5820] =	vst.add.f32.msk $0xffff, v34  }
0x1fd: {  	[tilespmem:s23+$0x5830] =	vst.add.f32.msk $0xffff, v35  }
0x1fe: {  	[tilespmem:s23+$0x5840] =	vst.add.f32.msk $0xffff, v36  }
0x1ff: {  	[tilespmem:s23+$0x5850] =	vst.add.f32.msk $0xffff, v37  }
0x200: {  	[tilespmem:s23+$0x5860] =	vst.add.f32.msk $0xffff, v38  }
0x201: {  	[tilespmem:s23+$0x5870] =	vst.add.f32.msk $0xffff, v39  }
0x202: {  	[tilespmem:s23+$0x5C00] =	vst.add.f32.msk $0xffff, v40  }
0x203: {  	[tilespmem:s23+$0x5C10] =	vst.add.f32.msk $0xffff, v41  }
.Ltmp2:
0x204: {  	[tilespmem:s23+$0x5C20] =	vst.add.f32.msk $0xffff, v42;
	(pc) =	sbr.rel @p0 .LBB2_6-.Ltmp2, $4  }
0x205: {  	[tilespmem:s23+$0x5C30] =	vst.add.f32.msk $0xffff, v43  }
0x206: {  	[tilespmem:s23+$0x5C40] =	vst.add.f32.msk $0xffff, v44  }
0x207: {  	[tilespmem:s23+$0x5C50] =	vst.add.f32.msk $0xffff, v45  }
0x208: {  	[tilespmem:s23+$0x5C60] =	vst.add.f32.msk $0xffff, v46;
	s23 =	sshra.s32 s24, $0x2;
	s24 =	sadd.s32 $0x200, s24  }
0x209: {  	v0 =	vld [tilespmem:s23+$0x1470]  }
0x20a: {  	v1 =	vld [tilespmem:s23+$0x0]  }
0x20b: {  	v2 =	vld [tilespmem:s23+$0x10]  }
0x20c: {  	v3 =	vld [tilespmem:s23+$0x20]  }
0x20d: {  	v4 =	vld [tilespmem:s23+$0x30]  }
0x20e: {  	v63 =	vld [tilespmem:s23+$0x40]  }
0x20f: {  	v5 =	vld [tilespmem:s23+$0x50]  }
0x210: {  	v6 =	vld [tilespmem:s23+$0x60]  }
0x211: {  	v7 =	vld [tilespmem:s23+$0x70]  }
0x212: {  	v8 =	vld [tilespmem:s23+$0x400]  }
0x213: {  	v9 =	vld [tilespmem:s23+$0x410]  }
0x214: {  	v10 =	vld [tilespmem:s23+$0x420]  }
0x215: {  	v11 =	vld [tilespmem:s23+$0x430]  }
0x216: {  	v12 =	vld [tilespmem:s23+$0x440]  }
0x217: {  	v13 =	vld [tilespmem:s23+$0x450]  }
0x218: {  	v14 =	vld [tilespmem:s23+$0x460]  }
0x219: {  	v15 =	vld [tilespmem:s23+$0x470]  }
0x21a: {  	v16 =	vld [tilespmem:s23+$0x800]  }
0x21b: {  	v17 =	vld [tilespmem:s23+$0x810]  }
0x21c: {  	v18 =	vld [tilespmem:s23+$0x820]  }
0x21d: {  	v19 =	vld [tilespmem:s23+$0x830]  }
0x21e: {  	v20 =	vld [tilespmem:s23+$0x840]  }
0x21f: {  	v21 =	vld [tilespmem:s23+$0x850]  }
0x220: {  	v22 =	vld [tilespmem:s23+$0x860]  }
0x221: {  	v23 =	vld [tilespmem:s23+$0x870]  }
0x222: {  	v24 =	vld [tilespmem:s23+$0xC00]  }
0x223: {  	v25 =	vld [tilespmem:s23+$0xC10]  }
0x224: {  	v26 =	vld [tilespmem:s23+$0xC20]  }
0x225: {  	v27 =	vld [tilespmem:s23+$0xC30]  }
0x226: {  	v28 =	vld [tilespmem:s23+$0xC40]  }
0x227: {  	v29 =	vld [tilespmem:s23+$0xC50]  }
0x228: {  	v30 =	vld [tilespmem:s23+$0xC60]  }
0x229: {  	v31 =	vld [tilespmem:s23+$0xC70]  }
0x22a: {  	v32 =	vld [tilespmem:s23+$0x1000]  }
0x22b: {  	v33 =	vld [tilespmem:s23+$0x1010]  }
0x22c: {  	v34 =	vld [tilespmem:s23+$0x1020]  }
0x22d: {  	v35 =	vld [tilespmem:s23+$0x1030]  }
0x22e: {  	v36 =	vld [tilespmem:s23+$0x1040]  }
0x22f: {  	v37 =	vld [tilespmem:s23+$0x1050]  }
0x230: {  	v38 =	vld [tilespmem:s23+$0x1060]  }
0x231: {  	v39 =	vld [tilespmem:s23+$0x1070]  }
0x232: {  	v40 =	vld [tilespmem:s23+$0x1400]  }
0x233: {  	v41 =	vld [tilespmem:s23+$0x1410]  }
0x234: {  	v42 =	vld [tilespmem:s23+$0x1420]  }
0x235: {  	v43 =	vld [tilespmem:s23+$0x1430]  }
0x236: {  	v44 =	vld [tilespmem:s23+$0x1440]  }
0x237: {  	v45 =	vld [tilespmem:s23+$0x1450]  }
0x238: {  	v46 =	vld [tilespmem:s23+$0x1460]  }
0x239: {  	[tilespmem:s23+$0x5C70] =	vst.add.f32.msk $0xffff, v0  }
0x23a: {  	[tilespmem:s23+$0x4800] =	vst.add.f32.msk $0xffff, v1  }
0x23b: {  	[tilespmem:s23+$0x4810] =	vst.add.f32.msk $0xffff, v2  }
0x23c: {  	[tilespmem:s23+$0x4820] =	vst.add.f32.msk $0xffff, v3  }
0x23d: {  	[tilespmem:s23+$0x4830] =	vst.add.f32.msk $0xffff, v4  }
0x23e: {  	[tilespmem:s23+$0x4840] =	vst.add.f32.msk $0xffff, v63  }
0x23f: {  	[tilespmem:s23+$0x4850] =	vst.add.f32.msk $0xffff, v5  }
0x240: {  	[tilespmem:s23+$0x4860] =	vst.add.f32.msk $0xffff, v6  }
0x241: {  	[tilespmem:s23+$0x4870] =	vst.add.f32.msk $0xffff, v7  }
0x242: {  	[tilespmem:s23+$0x4C00] =	vst.add.f32.msk $0xffff, v8  }
0x243: {  	[tilespmem:s23+$0x4C10] =	vst.add.f32.msk $0xffff, v9  }
0x244: {  	[tilespmem:s23+$0x4C20] =	vst.add.f32.msk $0xffff, v10  }
0x245: {  	[tilespmem:s23+$0x4C30] =	vst.add.f32.msk $0xffff, v11  }
0x246: {  	[tilespmem:s23+$0x4C40] =	vst.add.f32.msk $0xffff, v12  }
0x247: {  	[tilespmem:s23+$0x4C50] =	vst.add.f32.msk $0xffff, v13  }
0x248: {  	[tilespmem:s23+$0x4C60] =	vst.add.f32.msk $0xffff, v14  }
0x249: {  	[tilespmem:s23+$0x4C70] =	vst.add.f32.msk $0xffff, v15  }
0x24a: {  	[tilespmem:s23+$0x5000] =	vst.add.f32.msk $0xffff, v16  }
0x24b: {  	[tilespmem:s23+$0x5010] =	vst.add.f32.msk $0xffff, v17  }
0x24c: {  	[tilespmem:s23+$0x5020] =	vst.add.f32.msk $0xffff, v18  }
0x24d: {  	[tilespmem:s23+$0x5030] =	vst.add.f32.msk $0xffff, v19  }
0x24e: {  	[tilespmem:s23+$0x5040] =	vst.add.f32.msk $0xffff, v20  }
0x24f: {  	[tilespmem:s23+$0x5050] =	vst.add.f32.msk $0xffff, v21  }
0x250: {  	[tilespmem:s23+$0x5060] =	vst.add.f32.msk $0xffff, v22  }
0x251: {  	[tilespmem:s23+$0x5070] =	vst.add.f32.msk $0xffff, v23  }
0x252: {  	[tilespmem:s23+$0x5400] =	vst.add.f32.msk $0xffff, v24  }
0x253: {  	[tilespmem:s23+$0x5410] =	vst.add.f32.msk $0xffff, v25  }
0x254: {  	[tilespmem:s23+$0x5420] =	vst.add.f32.msk $0xffff, v26  }
0x255: {  	[tilespmem:s23+$0x5430] =	vst.add.f32.msk $0xffff, v27  }
0x256: {  	[tilespmem:s23+$0x5440] =	vst.add.f32.msk $0xffff, v28  }
0x257: {  	[tilespmem:s23+$0x5450] =	vst.add.f32.msk $0xffff, v29  }
0x258: {  	[tilespmem:s23+$0x5460] =	vst.add.f32.msk $0xffff, v30  }
0x259: {  	[tilespmem:s23+$0x5470] =	vst.add.f32.msk $0xffff, v31  }
0x25a: {  	[tilespmem:s23+$0x5800] =	vst.add.f32.msk $0xffff, v32  }
0x25b: {  	[tilespmem:s23+$0x5810] =	vst.add.f32.msk $0xffff, v33  }
0x25c: {  	[tilespmem:s23+$0x5820] =	vst.add.f32.msk $0xffff, v34  }
0x25d: {  	[tilespmem:s23+$0x5830] =	vst.add.f32.msk $0xffff, v35  }
0x25e: {  	[tilespmem:s23+$0x5840] =	vst.add.f32.msk $0xffff, v36  }
0x25f: {  	[tilespmem:s23+$0x5850] =	vst.add.f32.msk $0xffff, v37  }
0x260: {  	[tilespmem:s23+$0x5860] =	vst.add.f32.msk $0xffff, v38  }
0x261: {  	[tilespmem:s23+$0x5870] =	vst.add.f32.msk $0xffff, v39  }
0x262: {  	[tilespmem:s23+$0x5C00] =	vst.add.f32.msk $0xffff, v40  }
0x263: {  	[tilespmem:s23+$0x5C10] =	vst.add.f32.msk $0xffff, v41  }
0x264: {  	[tilespmem:s23+$0x5C20] =	vst.add.f32.msk $0xffff, v42  }
0x265: {  	[tilespmem:s23+$0x5C30] =	vst.add.f32.msk $0xffff, v43  }
0x266: {  	[tilespmem:s23+$0x5C40] =	vst.add.f32.msk $0xffff, v44  }
0x267: {  	[tilespmem:s23+$0x5C50] =	vst.add.f32.msk $0xffff, v45  }
0x268: {  	s31 =	simm.s32 $0x0;
	[tilespmem:s23+$0x5C60] =	vst.add.f32.msk $0xffff, v46  }
0x269: {  	[hbm4b:s19+s31] =	stream.linear.scatter [tilespmem:s11], [sflag:$0x7], $0x1800, $0x38;
	[tilespmem:$0x6000] =	vst v63  }
0x26a: {  	_ =	swait.ge [sflag:s13], $0x1800  }
0x26b: {  	[sflag:s13] =	ssyncset.done $0x0  }
0x26c: {  	s24 =	simm.s32 $0x200;
	s23 =	simm.s32 $0x0;
	[sflag:s13] =	ssyncadd.s32 $0xFFFFE800  }
.LBB2_8:
0x26d: {  	p0 =	sne.s32 s24, $0xE00;
	v0 =	vld [tilespmem:s23+$0x1470]  }
0x26e: {  	v1 =	vld [tilespmem:s23+$0x0]  }
0x26f: {  	v2 =	vld [tilespmem:s23+$0x10]  }
0x270: {  	v3 =	vld [tilespmem:s23+$0x20]  }
0x271: {  	v4 =	vld [tilespmem:s23+$0x30]  }
0x272: {  	[tilespmem:s23+$0x2C70] =	vst.add.f32.msk $0xffff, v0  }
0x273: {  	v0 =	vld [tilespmem:s23+$0x40]  }
0x274: {  	v5 =	vld [tilespmem:s23+$0x50]  }
0x275: {  	v6 =	vld [tilespmem:s23+$0x60]  }
0x276: {  	v7 =	vld [tilespmem:s23+$0x70]  }
0x277: {  	v8 =	vld [tilespmem:s23+$0x400]  }
0x278: {  	v9 =	vld [tilespmem:s23+$0x410]  }
0x279: {  	v10 =	vld [tilespmem:s23+$0x420]  }
0x27a: {  	v11 =	vld [tilespmem:s23+$0x430]  }
0x27b: {  	v12 =	vld [tilespmem:s23+$0x440]  }
0x27c: {  	v13 =	vld [tilespmem:s23+$0x450]  }
0x27d: {  	v14 =	vld [tilespmem:s23+$0x460]  }
0x27e: {  	v15 =	vld [tilespmem:s23+$0x470]  }
0x27f: {  	v16 =	vld [tilespmem:s23+$0x800]  }
0x280: {  	v17 =	vld [tilespmem:s23+$0x810]  }
0x281: {  	v18 =	vld [tilespmem:s23+$0x820]  }
0x282: {  	v19 =	vld [tilespmem:s23+$0x830]  }
0x283: {  	v20 =	vld [tilespmem:s23+$0x840]  }
0x284: {  	v21 =	vld [tilespmem:s23+$0x850]  }
0x285: {  	v22 =	vld [tilespmem:s23+$0x860]  }
0x286: {  	v23 =	vld [tilespmem:s23+$0x870]  }
0x287: {  	v24 =	vld [tilespmem:s23+$0xC00]  }
0x288: {  	v25 =	vld [tilespmem:s23+$0xC10]  }
0x289: {  	v26 =	vld [tilespmem:s23+$0xC20]  }
0x28a: {  	v27 =	vld [tilespmem:s23+$0xC30]  }
0x28b: {  	v28 =	vld [tilespmem:s23+$0xC40]  }
0x28c: {  	v29 =	vld [tilespmem:s23+$0xC50]  }
0x28d: {  	v30 =	vld [tilespmem:s23+$0xC60]  }
0x28e: {  	v31 =	vld [tilespmem:s23+$0xC70]  }
0x28f: {  	v32 =	vld [tilespmem:s23+$0x1000]  }
0x290: {  	v33 =	vld [tilespmem:s23+$0x1010]  }
0x291: {  	v34 =	vld [tilespmem:s23+$0x1020]  }
0x292: {  	v35 =	vld [tilespmem:s23+$0x1030]  }
0x293: {  	v36 =	vld [tilespmem:s23+$0x1040]  }
0x294: {  	v37 =	vld [tilespmem:s23+$0x1050]  }
0x295: {  	v38 =	vld [tilespmem:s23+$0x1060]  }
0x296: {  	v39 =	vld [tilespmem:s23+$0x1070]  }
0x297: {  	v40 =	vld [tilespmem:s23+$0x1400]  }
0x298: {  	v41 =	vld [tilespmem:s23+$0x1410]  }
0x299: {  	v42 =	vld [tilespmem:s23+$0x1420]  }
0x29a: {  	v43 =	vld [tilespmem:s23+$0x1430]  }
0x29b: {  	v44 =	vld [tilespmem:s23+$0x1440]  }
0x29c: {  	v45 =	vld [tilespmem:s23+$0x1450]  }
0x29d: {  	v46 =	vld [tilespmem:s23+$0x1460]  }
0x29e: {  	[tilespmem:s23+$0x1800] =	vst.add.f32.msk $0xffff, v1  }
0x29f: {  	[tilespmem:s23+$0x1810] =	vst.add.f32.msk $0xffff, v2  }
0x2a0: {  	[tilespmem:s23+$0x1820] =	vst.add.f32.msk $0xffff, v3  }
0x2a1: {  	[tilespmem:s23+$0x1830] =	vst.add.f32.msk $0xffff, v4  }
0x2a2: {  	[tilespmem:s23+$0x1840] =	vst.add.f32.msk $0xffff, v0  }
0x2a3: {  	[tilespmem:s23+$0x1850] =	vst.add.f32.msk $0xffff, v5  }
0x2a4: {  	[tilespmem:s23+$0x1860] =	vst.add.f32.msk $0xffff, v6  }
0x2a5: {  	[tilespmem:s23+$0x1870] =	vst.add.f32.msk $0xffff, v7  }
0x2a6: {  	[tilespmem:s23+$0x1C00] =	vst.add.f32.msk $0xffff, v8  }
0x2a7: {  	[tilespmem:s23+$0x1C10] =	vst.add.f32.msk $0xffff, v9  }
0x2a8: {  	[tilespmem:s23+$0x1C20] =	vst.add.f32.msk $0xffff, v10  }
0x2a9: {  	[tilespmem:s23+$0x1C30] =	vst.add.f32.msk $0xffff, v11  }
0x2aa: {  	[tilespmem:s23+$0x1C40] =	vst.add.f32.msk $0xffff, v12  }
0x2ab: {  	[tilespmem:s23+$0x1C50] =	vst.add.f32.msk $0xffff, v13  }
0x2ac: {  	[tilespmem:s23+$0x1C60] =	vst.add.f32.msk $0xffff, v14  }
0x2ad: {  	[tilespmem:s23+$0x1C70] =	vst.add.f32.msk $0xffff, v15  }
0x2ae: {  	[tilespmem:s23+$0x2000] =	vst.add.f32.msk $0xffff, v16  }
0x2af: {  	[tilespmem:s23+$0x2010] =	vst.add.f32.msk $0xffff, v17  }
0x2b0: {  	[tilespmem:s23+$0x2020] =	vst.add.f32.msk $0xffff, v18  }
0x2b1: {  	[tilespmem:s23+$0x2030] =	vst.add.f32.msk $0xffff, v19  }
0x2b2: {  	[tilespmem:s23+$0x2040] =	vst.add.f32.msk $0xffff, v20  }
0x2b3: {  	[tilespmem:s23+$0x2050] =	vst.add.f32.msk $0xffff, v21  }
0x2b4: {  	[tilespmem:s23+$0x2060] =	vst.add.f32.msk $0xffff, v22  }
0x2b5: {  	[tilespmem:s23+$0x2070] =	vst.add.f32.msk $0xffff, v23  }
0x2b6: {  	[tilespmem:s23+$0x2400] =	vst.add.f32.msk $0xffff, v24  }
0x2b7: {  	[tilespmem:s23+$0x2410] =	vst.add.f32.msk $0xffff, v25  }
0x2b8: {  	[tilespmem:s23+$0x2420] =	vst.add.f32.msk $0xffff, v26  }
0x2b9: {  	[tilespmem:s23+$0x2430] =	vst.add.f32.msk $0xffff, v27  }
0x2ba: {  	[tilespmem:s23+$0x2440] =	vst.add.f32.msk $0xffff, v28  }
0x2bb: {  	[tilespmem:s23+$0x2450] =	vst.add.f32.msk $0xffff, v29  }
0x2bc: {  	[tilespmem:s23+$0x2460] =	vst.add.f32.msk $0xffff, v30  }
0x2bd: {  	[tilespmem:s23+$0x2470] =	vst.add.f32.msk $0xffff, v31  }
0x2be: {  	[tilespmem:s23+$0x2800] =	vst.add.f32.msk $0xffff, v32  }
0x2bf: {  	[tilespmem:s23+$0x2810] =	vst.add.f32.msk $0xffff, v33  }
0x2c0: {  	[tilespmem:s23+$0x2820] =	vst.add.f32.msk $0xffff, v34  }
0x2c1: {  	[tilespmem:s23+$0x2830] =	vst.add.f32.msk $0xffff, v35  }
0x2c2: {  	[tilespmem:s23+$0x2840] =	vst.add.f32.msk $0xffff, v36  }
0x2c3: {  	[tilespmem:s23+$0x2850] =	vst.add.f32.msk $0xffff, v37  }
0x2c4: {  	[tilespmem:s23+$0x2860] =	vst.add.f32.msk $0xffff, v38  }
0x2c5: {  	[tilespmem:s23+$0x2870] =	vst.add.f32.msk $0xffff, v39  }
0x2c6: {  	[tilespmem:s23+$0x2C00] =	vst.add.f32.msk $0xffff, v40  }
0x2c7: {  	[tilespmem:s23+$0x2C10] =	vst.add.f32.msk $0xffff, v41  }
.Ltmp3:
0x2c8: {  	[tilespmem:s23+$0x2C20] =	vst.add.f32.msk $0xffff, v42;
	(pc) =	sbr.rel @p0 .LBB2_8-.Ltmp3, $4  }
0x2c9: {  	[tilespmem:s23+$0x2C30] =	vst.add.f32.msk $0xffff, v43  }
0x2ca: {  	[tilespmem:s23+$0x2C40] =	vst.add.f32.msk $0xffff, v44  }
0x2cb: {  	[tilespmem:s23+$0x2C50] =	vst.add.f32.msk $0xffff, v45  }
0x2cc: {  	[tilespmem:s23+$0x2C60] =	vst.add.f32.msk $0xffff, v46;
	s23 =	sshra.s32 s24, $0x2;
	s24 =	sadd.s32 $0x200, s24  }
0x2cd: {  	v0 =	vld [tilespmem:s23+$0x1470]  }
0x2ce: {  	v1 =	vld [tilespmem:s23+$0x0]  }
0x2cf: {  	v2 =	vld [tilespmem:s23+$0x10]  }
0x2d0: {  	v3 =	vld [tilespmem:s23+$0x20]  }
0x2d1: {  	v4 =	vld [tilespmem:s23+$0x30]  }
0x2d2: {  	v63 =	vld [tilespmem:s23+$0x40]  }
0x2d3: {  	v5 =	vld [tilespmem:s23+$0x50]  }
0x2d4: {  	v6 =	vld [tilespmem:s23+$0x60]  }
0x2d5: {  	v7 =	vld [tilespmem:s23+$0x70]  }
0x2d6: {  	v8 =	vld [tilespmem:s23+$0x400]  }
0x2d7: {  	v9 =	vld [tilespmem:s23+$0x410]  }
0x2d8: {  	v10 =	vld [tilespmem:s23+$0x420]  }
0x2d9: {  	v11 =	vld [tilespmem:s23+$0x430]  }
0x2da: {  	v12 =	vld [tilespmem:s23+$0x440]  }
0x2db: {  	v13 =	vld [tilespmem:s23+$0x450]  }
0x2dc: {  	v14 =	vld [tilespmem:s23+$0x460]  }
0x2dd: {  	v15 =	vld [tilespmem:s23+$0x470]  }
0x2de: {  	v16 =	vld [tilespmem:s23+$0x800]  }
0x2df: {  	v17 =	vld [tilespmem:s23+$0x810]  }
0x2e0: {  	v18 =	vld [tilespmem:s23+$0x820]  }
0x2e1: {  	v19 =	vld [tilespmem:s23+$0x830]  }
0x2e2: {  	v20 =	vld [tilespmem:s23+$0x840]  }
0x2e3: {  	v21 =	vld [tilespmem:s23+$0x850]  }
0x2e4: {  	v22 =	vld [tilespmem:s23+$0x860]  }
0x2e5: {  	v23 =	vld [tilespmem:s23+$0x870]  }
0x2e6: {  	v24 =	vld [tilespmem:s23+$0xC00]  }
0x2e7: {  	v25 =	vld [tilespmem:s23+$0xC10]  }
0x2e8: {  	v26 =	vld [tilespmem:s23+$0xC20]  }
0x2e9: {  	v27 =	vld [tilespmem:s23+$0xC30]  }
0x2ea: {  	v28 =	vld [tilespmem:s23+$0xC40]  }
0x2eb: {  	v29 =	vld [tilespmem:s23+$0xC50]  }
0x2ec: {  	v30 =	vld [tilespmem:s23+$0xC60]  }
0x2ed: {  	v31 =	vld [tilespmem:s23+$0xC70]  }
0x2ee: {  	v32 =	vld [tilespmem:s23+$0x1000]  }
0x2ef: {  	v33 =	vld [tilespmem:s23+$0x1010]  }
0x2f0: {  	v34 =	vld [tilespmem:s23+$0x1020]  }
0x2f1: {  	v35 =	vld [tilespmem:s23+$0x1030]  }
0x2f2: {  	v36 =	vld [tilespmem:s23+$0x1040]  }
0x2f3: {  	v37 =	vld [tilespmem:s23+$0x1050]  }
0x2f4: {  	v38 =	vld [tilespmem:s23+$0x1060]  }
0x2f5: {  	v39 =	vld [tilespmem:s23+$0x1070]  }
0x2f6: {  	v40 =	vld [tilespmem:s23+$0x1400]  }
0x2f7: {  	v41 =	vld [tilespmem:s23+$0x1410]  }
0x2f8: {  	v42 =	vld [tilespmem:s23+$0x1420]  }
0x2f9: {  	v43 =	vld [tilespmem:s23+$0x1430]  }
0x2fa: {  	v44 =	vld [tilespmem:s23+$0x1440]  }
0x2fb: {  	v45 =	vld [tilespmem:s23+$0x1450]  }
0x2fc: {  	v46 =	vld [tilespmem:s23+$0x1460]  }
0x2fd: {  	[tilespmem:s23+$0x2C70] =	vst.add.f32.msk $0xffff, v0  }
0x2fe: {  	[tilespmem:s23+$0x1800] =	vst.add.f32.msk $0xffff, v1  }
0x2ff: {  	[tilespmem:s23+$0x1810] =	vst.add.f32.msk $0xffff, v2  }
0x300: {  	[tilespmem:s23+$0x1820] =	vst.add.f32.msk $0xffff, v3  }
0x301: {  	[tilespmem:s23+$0x1830] =	vst.add.f32.msk $0xffff, v4  }
0x302: {  	[tilespmem:s23+$0x1840] =	vst.add.f32.msk $0xffff, v63  }
0x303: {  	[tilespmem:s23+$0x1850] =	vst.add.f32.msk $0xffff, v5  }
0x304: {  	[tilespmem:s23+$0x1860] =	vst.add.f32.msk $0xffff, v6  }
0x305: {  	[tilespmem:s23+$0x1870] =	vst.add.f32.msk $0xffff, v7  }
0x306: {  	[tilespmem:s23+$0x1C00] =	vst.add.f32.msk $0xffff, v8  }
0x307: {  	[tilespmem:s23+$0x1C10] =	vst.add.f32.msk $0xffff, v9  }
0x308: {  	[tilespmem:s23+$0x1C20] =	vst.add.f32.msk $0xffff, v10  }
0x309: {  	[tilespmem:s23+$0x1C30] =	vst.add.f32.msk $0xffff, v11  }
0x30a: {  	[tilespmem:s23+$0x1C40] =	vst.add.f32.msk $0xffff, v12  }
0x30b: {  	[tilespmem:s23+$0x1C50] =	vst.add.f32.msk $0xffff, v13  }
0x30c: {  	[tilespmem:s23+$0x1C60] =	vst.add.f32.msk $0xffff, v14  }
0x30d: {  	[tilespmem:s23+$0x1C70] =	vst.add.f32.msk $0xffff, v15  }
0x30e: {  	[tilespmem:s23+$0x2000] =	vst.add.f32.msk $0xffff, v16  }
0x30f: {  	[tilespmem:s23+$0x2010] =	vst.add.f32.msk $0xffff, v17  }
0x310: {  	[tilespmem:s23+$0x2020] =	vst.add.f32.msk $0xffff, v18  }
0x311: {  	[tilespmem:s23+$0x2030] =	vst.add.f32.msk $0xffff, v19  }
0x312: {  	[tilespmem:s23+$0x2040] =	vst.add.f32.msk $0xffff, v20  }
0x313: {  	[tilespmem:s23+$0x2050] =	vst.add.f32.msk $0xffff, v21  }
0x314: {  	[tilespmem:s23+$0x2060] =	vst.add.f32.msk $0xffff, v22  }
0x315: {  	[tilespmem:s23+$0x2070] =	vst.add.f32.msk $0xffff, v23  }
0x316: {  	[tilespmem:s23+$0x2400] =	vst.add.f32.msk $0xffff, v24  }
0x317: {  	[tilespmem:s23+$0x2410] =	vst.add.f32.msk $0xffff, v25  }
0x318: {  	[tilespmem:s23+$0x2420] =	vst.add.f32.msk $0xffff, v26  }
0x319: {  	[tilespmem:s23+$0x2430] =	vst.add.f32.msk $0xffff, v27  }
0x31a: {  	[tilespmem:s23+$0x2440] =	vst.add.f32.msk $0xffff, v28  }
0x31b: {  	[tilespmem:s23+$0x2450] =	vst.add.f32.msk $0xffff, v29  }
0x31c: {  	[tilespmem:s23+$0x2460] =	vst.add.f32.msk $0xffff, v30  }
0x31d: {  	[tilespmem:s23+$0x2470] =	vst.add.f32.msk $0xffff, v31  }
0x31e: {  	[tilespmem:s23+$0x2800] =	vst.add.f32.msk $0xffff, v32  }
0x31f: {  	[tilespmem:s23+$0x2810] =	vst.add.f32.msk $0xffff, v33  }
0x320: {  	[tilespmem:s23+$0x2820] =	vst.add.f32.msk $0xffff, v34  }
0x321: {  	[tilespmem:s23+$0x2830] =	vst.add.f32.msk $0xffff, v35  }
0x322: {  	[tilespmem:s23+$0x2840] =	vst.add.f32.msk $0xffff, v36  }
0x323: {  	[tilespmem:s23+$0x2850] =	vst.add.f32.msk $0xffff, v37  }
0x324: {  	[tilespmem:s23+$0x2860] =	vst.add.f32.msk $0xffff, v38  }
0x325: {  	[tilespmem:s23+$0x2870] =	vst.add.f32.msk $0xffff, v39  }
0x326: {  	[tilespmem:s23+$0x2C00] =	vst.add.f32.msk $0xffff, v40  }
0x327: {  	[tilespmem:s23+$0x2C10] =	vst.add.f32.msk $0xffff, v41  }
0x328: {  	[tilespmem:s23+$0x2C20] =	vst.add.f32.msk $0xffff, v42  }
0x329: {  	[tilespmem:s23+$0x2C30] =	vst.add.f32.msk $0xffff, v43  }
0x32a: {  	[tilespmem:s23+$0x2C40] =	vst.add.f32.msk $0xffff, v44  }
0x32b: {  	[tilespmem:s23+$0x2C50] =	vst.add.f32.msk $0xffff, v45  }
0x32c: {  	s22 =	sadd.s32 $0x1, s22;
	[tilespmem:s23+$0x2C60] =	vst.add.f32.msk $0xffff, v46  }
0x32d: {  	[hbm4b:s20+s2] =	stream.linear.scatter [tilespmem:s9], [sflag:$0x5], $0x1800, $0x38;
	[tilespmem:$0x6000] =	vst v63  }
0x32e: {  	p0 =	sne.s32 s22, s8;
	_ =	swait.ge [sflag:s21], $0x1800  }
.Ltmp4:
0x32f: {  	[sflag:s21] =	ssyncset.done $0x0;
	(pc) =	sbr.rel @p0 .LBB2_1-.Ltmp4, $4  }
0x330: {  	[sflag:s21] =	ssyncadd.s32 $0xFFFFE800  }
0x331: {  	_ =	swait.ge [sflag:s16], $0x1800  }
0x332: {  	[sflag:s16] =	ssyncset.done $0x0  }
0x333: {  	[sflag:s16] =	ssyncadd.s32 $0xFFFFE800  }
0x334: {  	_ =	sfence.sel $0x180000  }
0x335: {  	[bflag:$0x0] =	sbarrier.arrive $0xFFFF  }
0x336: {  	p0 =	sne.s32 s0, $0x0;
	_ =	strace $0x90000047  }
0x337: {  	s0 =	sadd.s32 @!p0 $0x100000, s1;
	[bflag:$0x2] =	sbarrier.arrive $0xFFFF  }
0x338: {  	[sflag:s0] =	ssyncadd.tile.s32 @!p0 $0x1;
	_ =	shalt  }
.Lfunc_end2:
_tile_overlayer_lowered:
.L_overlay_start_2:
0x339: {  	(tag) =	ssettag $0x2  }
0x33a: {  	s0 =	rddreg [dreg:$0x0];
	s2 =	stileid.u32  }
0x33b: {  	s1 =	rddreg [dreg:$0x1];
	p0 =	sne.s32 s2, $0x0  }
0x33c: {  	s3 =	rddreg [dreg:$0x2];
	[bflag:$0x3] =	sbarrier.arrive $0xFFFF;
	s2 =	simm.s32 @!p0 $0x1C08  }
0x33d: {  	[timem:s3], [sflag:s2] =	dma.local @!p0 [hbm:s0], s1  }
0x33e: {  	s0 =	simm.s32 @!p0 $0x8  }
0x33f: {  	_ =	swait.ge @!p0 [sflag:s0], s1  }
0x340: {  	s1 =	ssub.s32 @!p0 $0x0, s1;
	[sflag:s0] =	ssyncset.done @!p0 $0x0  }
0x341: {  	[sflag:s0] =	ssyncadd.s32 @!p0 s1  }
0x342: {  	[bflag:$0x3] =	sbarrier.arrive $0xFFFF  }
0x343: {  	_ =	shalt  }

</sc_bundles>
